<compile_context>
chip_gen: v7x
topology: tpu7x:2x2x1
jax: 0.10.2.dev20260603
libtpu: 0.0.44.dev20260713+nightly
codegen_flags: <defaults>
</compile_context>

<pallas_src>
import functools

import jax
import jax.numpy as jnp
from jax import lax
from jax.experimental import pallas as pl
from jax.experimental.pallas import tpu as pltpu
from jax.experimental.pallas import tpu_sc as plsc

N = 10000
E = 320000
D = 128
LANES = 16
N_PAD = 10240
E_PAD = 327680
K = 128
SUPER = 8
ROWS_PER_TILE = N_PAD // 16
EB_HIST = E_PAD // 32 // K
EB_SPMM = E_PAD // 16 // K
TCB = 512

_vmesh = plsc.VectorSubcoreMesh(core_axis_name="c", subcore_axis_name="s")


@functools.partial(
    pl.kernel,
    out_type=jax.ShapeDtypeStruct((2, N_PAD, LANES), jnp.float32),
    mesh=_vmesh,
    scratch_types=[
        pltpu.VMEM((SUPER, K), jnp.int32),
        pltpu.VMEM((K, LANES), jnp.float32),
        pltpu.VMEM((K, LANES), jnp.float32),
        pltpu.VMEM_SHARED((N_PAD, LANES), jnp.float32),
    ],
)
def _hist_kernel(dst_hbm, out_hbm, idx_v, ones_v, zero_v, acc):
    c = lax.axis_index("c")
    s = lax.axis_index("s")
    w = c * 16 + s

    @pl.loop(0, K)
    def _fill(i):
        ones_v[i, :] = jnp.ones((LANES,), jnp.float32)
        zero_v[i, :] = jnp.zeros((LANES,), jnp.float32)

    @pl.loop(0, ROWS_PER_TILE // K)
    def _zero(j):
        pltpu.sync_copy(zero_v, acc.at[pl.ds(s * ROWS_PER_TILE + j * K, K)])

    plsc.subcore_barrier()

    base = w * EB_HIST

    @pl.loop(0, EB_HIST // SUPER)
    def _edges(sb):
        pltpu.sync_copy(dst_hbm.at[pl.ds(base + sb * SUPER, SUPER)], idx_v)
        for j in range(SUPER):
            pltpu.sync_copy(ones_v, acc.at[idx_v.at[j]], add=True)

    plsc.subcore_barrier()
    pltpu.sync_copy(
        acc.at[pl.ds(s * ROWS_PER_TILE, ROWS_PER_TILE)],
        out_hbm.at[c, pl.ds(s * ROWS_PER_TILE, ROWS_PER_TILE)],
    )


IDXR = 16


@functools.partial(
    pl.kernel,
    out_type=jax.ShapeDtypeStruct((2, N_PAD, D), jnp.float32),
    mesh=_vmesh,
    scratch_types=[
        pltpu.VMEM((IDXR, K), jnp.int32),
        pltpu.VMEM((IDXR, K), jnp.int32),
        pltpu.VMEM((IDXR, K), jnp.int32),
        pltpu.VMEM((IDXR, K), jnp.int32),
        pltpu.VMEM((K, D), jnp.float32),
        pltpu.VMEM((K, D), jnp.float32),
        pltpu.SemaphoreType.DMA,
        pltpu.SemaphoreType.DMA,
        pltpu.SemaphoreType.DMA,
        pltpu.SemaphoreType.DMA,
        pltpu.SemaphoreType.DMA,
        pltpu.SemaphoreType.DMA,
        pltpu.SemaphoreType.DMA,
        pltpu.SemaphoreType.DMA,
        pltpu.VMEM_SHARED((N_PAD, D), jnp.float32),
    ],
)
def _spmm_kernel(t_hbm, src_hbm, dst_hbm, out_hbm, sidxA, didxA, sidxB, didxB,
                 rows0, rows1, gsem0, gsem1, ssem0, ssem1,
                 isem0, isem1, isem2, isem3, acc):
    c = lax.axis_index("c")
    s = lax.axis_index("s")

    @pl.loop(0, K)
    def _fill(i):
        for u in range(D // LANES):
            rows0[i, pl.ds(u * LANES, LANES)] = jnp.zeros((LANES,), jnp.float32)

    @pl.loop(0, ROWS_PER_TILE // K)
    def _zero(j):
        pltpu.sync_copy(rows0, acc.at[pl.ds(s * ROWS_PER_TILE + j * K, K)])

    sbase = (c * 16 + s) * EB_SPMM
    dbase = s * EB_SPMM
    rows = (rows0, rows1)
    gsem = (gsem0, gsem1)
    ssem = (ssem0, ssem1)
    halves = (
        (sidxA, didxA, isem0, isem1),
        (sidxB, didxB, isem2, isem3),
    )

    for h, (si, di, ise_s, ise_d) in enumerate(halves):
        pltpu.async_copy(src_hbm.at[pl.ds(sbase + h * IDXR, IDXR)], si, ise_s)
        pltpu.async_copy(dst_hbm.at[pl.ds(dbase + h * IDXR, IDXR)], di, ise_d)

    plsc.subcore_barrier()

    @pl.loop(0, EB_SPMM, step=2 * IDXR)
    def _edges(sb0):
        for h, (si, di, ise_s, ise_d) in enumerate(halves):
            pltpu.make_async_copy(
                src_hbm.at[pl.ds(sbase, IDXR)], si, ise_s).wait()
            pltpu.make_async_copy(
                dst_hbm.at[pl.ds(dbase, IDXR)], di, ise_d).wait()
            g = [None, None]
            sc = [None, None]
            g[0] = pltpu.async_copy(t_hbm.at[si.at[0]], rows[0], gsem[0])
            for j in range(IDXR):
                b = j % 2
                if j + 1 < IDXR:
                    nb = (j + 1) % 2
                    if sc[nb] is not None:
                        sc[nb].wait()
                    g[nb] = pltpu.async_copy(
                        t_hbm.at[si.at[j + 1]], rows[nb], gsem[nb])
                g[b].wait()
                sc[b] = pltpu.async_copy(
                    rows[b], acc.at[di.at[j]], ssem[b], add=True)
            sc[0].wait()
            sc[1].wait()
            nxt = sb0 + 2 * IDXR + h * IDXR

            @pl.when(nxt < EB_SPMM)
            def _pf():
                pltpu.async_copy(
                    src_hbm.at[pl.ds(sbase + nxt, IDXR)], si, ise_s)
                pltpu.async_copy(
                    dst_hbm.at[pl.ds(dbase + nxt, IDXR)], di, ise_d)

    plsc.subcore_barrier()
    pltpu.sync_copy(
        acc.at[pl.ds(s * ROWS_PER_TILE, ROWS_PER_TILE)],
        out_hbm.at[c, pl.ds(s * ROWS_PER_TILE, ROWS_PER_TILE)],
    )


def _mv_body(x_ref, wm_ref, wv_ref, bm_ref, bv_ref, m_ref, v_ref):
    xb = x_ref[...]
    mean = jnp.dot(xb, wm_ref[...], preferred_element_type=jnp.float32)
    var = jnp.dot(xb, wv_ref[...], preferred_element_type=jnp.float32)
    mean = jnp.maximum(mean + bm_ref[...], 0.0)
    var = jnp.maximum(var + bv_ref[...], 0.0)
    att = jnp.exp(-var)
    m_ref[...] = mean * att
    v_ref[...] = var * att * att


def _mv_call(x_pad, wm, wv, bm2, bv2):
    return pl.pallas_call(
        _mv_body,
        grid=(N_PAD // TCB,),
        in_specs=[
            pl.BlockSpec((TCB, D), lambda i: (i, 0)),
            pl.BlockSpec((D, D), lambda i: (0, 0)),
            pl.BlockSpec((D, D), lambda i: (0, 0)),
            pl.BlockSpec((1, D), lambda i: (0, 0)),
            pl.BlockSpec((1, D), lambda i: (0, 0)),
        ],
        out_specs=[
            pl.BlockSpec((TCB, D), lambda i: (i, 0)),
            pl.BlockSpec((TCB, D), lambda i: (i, 0)),
        ],
        out_shape=[jax.ShapeDtypeStruct((N_PAD, D), jnp.float32)] * 2,
    )(x_pad, wm, wv, bm2, bv2)


def _table_body(h_ref, m_ref, v_ref, t_ref):
    g = pl.program_id(0)
    deg = 1.0 + h_ref[0, :, 0] + h_ref[1, :, 0]
    dinv = lax.rsqrt(deg)
    a = dinv[:, None] * m_ref[...]
    b = (dinv * dinv)[:, None] * v_ref[...]
    t_ref[...] = jnp.where(g == 0, a, b)


def _table_call(hist, m, v):
    return pl.pallas_call(
        _table_body,
        grid=(2, N_PAD // TCB),
        in_specs=[
            pl.BlockSpec((2, TCB, LANES), lambda g, i: (0, i, 0)),
            pl.BlockSpec((TCB, D), lambda g, i: (i, 0)),
            pl.BlockSpec((TCB, D), lambda g, i: (i, 0)),
        ],
        out_specs=pl.BlockSpec((TCB, D), lambda g, i: (g * (N_PAD // TCB) + i, 0)),
        out_shape=jax.ShapeDtypeStruct((2 * N_PAD, D), jnp.float32),
    )(hist, m, v)


def _final_body(h_ref, s_ref, m_ref, v_ref, mo_ref, vo_ref):
    deg = 1.0 + h_ref[0, :, 0] + h_ref[1, :, 0]
    dinv = lax.rsqrt(deg)
    d1 = dinv[:, None]
    d2 = d1 * d1
    mo_ref[...] = d1 * s_ref[0] + d2 * m_ref[...]
    vo_ref[...] = d2 * s_ref[1] + (d2 * d2) * v_ref[...]


def _final_call(hist, ssum, m, v):
    return pl.pallas_call(
        _final_body,
        grid=(N_PAD // TCB,),
        in_specs=[
            pl.BlockSpec((2, TCB, LANES), lambda i: (0, i, 0)),
            pl.BlockSpec((2, TCB, D), lambda i: (0, i, 0)),
            pl.BlockSpec((TCB, D), lambda i: (i, 0)),
            pl.BlockSpec((TCB, D), lambda i: (i, 0)),
        ],
        out_specs=[
            pl.BlockSpec((TCB, D), lambda i: (i, 0)),
            pl.BlockSpec((TCB, D), lambda i: (i, 0)),
        ],
        out_shape=[jax.ShapeDtypeStruct((N_PAD, D), jnp.float32)] * 2,
    )(hist, ssum, m, v)


def kernel(x, edge_index, W_mean, W_var, b_mean, b_var):
    src = edge_index[0]
    dst = edge_index[1]
    fill = jnp.full((E_PAD - E,), N, dtype=jnp.int32)
    src_p = jnp.concatenate([src, fill])
    dst_p = jnp.concatenate([dst, fill])
    dst2 = dst_p.reshape(E_PAD // K, K)
    src_stack = jnp.concatenate([src_p, src_p + N_PAD]).reshape(
        2 * E_PAD // K, K)
    x_pad = jnp.pad(x, ((0, N_PAD - N), (0, 0)))

    hist = _hist_kernel(dst2)
    m, v = _mv_call(x_pad, W_mean, W_var,
                    b_mean.reshape(1, D), b_var.reshape(1, D))
    table = _table_call(hist, m, v)
    ssum = _spmm_kernel(table, src_stack, dst2)
    mean_out, var_out = _final_call(hist, ssum, m, v)
    return mean_out[:N], var_out[:N]

# --- scband reference (transcript-rebuilt; emitter-appended) ---
"""Pipeline reference for scband-robust-conv-82377472737746 (READ-ONLY COPY).

The authoritative reference and input builder live on the scoring server;
editing this copy changes nothing except your own understanding.
"""

import jax, jax.numpy as jnp
import numpy as np

N_NODES = 10000
N_EDGES = 320000
D_IN = 128
D_OUT = 128
GAMMA = 1.0


def setup_inputs(seed: int = 0) -> dict:
    key = jax.random.key(seed)
    k1, k2, k3, k4 = jax.random.split(key, 4)
    x = jax.random.normal(k1, (N_NODES, D_IN), dtype=jnp.float32)
    edge_index = jax.random.randint(k2, (2, N_EDGES), 0, N_NODES, dtype=jnp.int32)
    # glorot-initialized linear weights (no bias inside Linear; separate bias params)
    glorot_scale = np.sqrt(6.0 / (D_IN + D_OUT)).astype(np.float32)
    W_mean = jax.random.uniform(k3, (D_IN, D_OUT), dtype=jnp.float32, minval=-glorot_scale, maxval=glorot_scale)
    W_var = jax.random.uniform(k4, (D_IN, D_OUT), dtype=jnp.float32, minval=-glorot_scale, maxval=glorot_scale)
    b_mean = jnp.zeros((D_OUT,), dtype=jnp.float32)
    b_var = jnp.zeros((D_OUT,), dtype=jnp.float32)
    return {"x": x, "edge_index": edge_index, "W_mean": W_mean, "W_var": W_var, "b_mean": b_mean, "b_var": b_var}


def reference(x, edge_index, W_mean, W_var, b_mean, b_var):
    n = x.shape[0]
    # linear projections + bias + relu
    mean = jax.nn.relu(x @ W_mean + b_mean)
    var = jax.nn.relu(x @ W_var + b_var)
    # add self loops (edge_weight is None -> ones)
    loop = jnp.arange(n, dtype=edge_index.dtype)
    src = jnp.concatenate([edge_index[0], loop])
    dst = jnp.concatenate([edge_index[1], loop])
    w = jnp.ones(src.shape[0], dtype=x.dtype)
    # GCN normalization: D^-1/2 A D^-1/2 (add_self_loops=False inside norm since already added)
    deg = jax.ops.segment_sum(w, dst, num_segments=n)
    dinv = jnp.where(deg > 0, 1.0 / jnp.sqrt(jnp.where(deg > 0, deg, 1.0)), 0.0)
    w = dinv[src] * w * dinv[dst]
    # variance-based attention
    att = jnp.exp(-GAMMA * var)
    mean = mean * att
    var = var * att * att
    # spmm: mean with w, var with w^2 (gather by src, scatter-add to dst)
    mean_out = jax.ops.segment_sum(w[:, None] * mean[src], dst, num_segments=n)
    var_out = jax.ops.segment_sum((w * w)[:, None] * var[src], dst, num_segments=n)
    return (mean_out, var_out)

if __name__ == "__main__":
    import jax
    _d = setup_inputs()
    print(jax.jit(kernel)(*tuple(_d.values())))

</pallas_src>

<mosaic_0001>
#map = affine_map<(d0, d1) -> (0, 0)>
#map1 = affine_map<(d0, d1) -> (0, 0, 0)>
module attributes {stable_mosaic.version = 14 : i64} {
  func.func @_hist_kernel(%arg0: i32, %arg1: i32, %arg2: memref<2560x128xi32, #tpu.memory_space<hbm>>, %arg3: memref<2x10240x16xf32, #tpu.memory_space<hbm>>, %arg4: memref<8x128xi32, #tpu.memory_space<vmem>>, %arg5: memref<128x16xf32, #tpu.memory_space<vmem>>, %arg6: memref<128x16xf32, #tpu.memory_space<vmem>>, %arg7: memref<10240x16xf32, #tpu.memory_space<vmem_shared>>) attributes {dimension_semantics = [#tpu.dimension_semantics<core_parallel>, #tpu.dimension_semantics<subcore_parallel>], iteration_bounds = array<i64: 2, 16>, scalar_prefetch = 0 : i64, scratch_operands = 4 : i64, tpu.core_type = #tpu.core_type<sc_vector_subcore>, window_params = [{transform_indices = #map}, {transform_indices = #map1}]} {
    %mul3A = arith.constant 16 : i32
    %mul3A_0 = arith.muli %arg0, %mul3A : i32
    %add3A = arith.addi %mul3A_0, %arg1 : i32
    %scan3A = arith.constant 0 : i32
    %scan3A_1 = arith.constant 128 : i32
    %scan3A_2 = arith.addi %scan3A, %scan3A_1 : i32
    %scan3A_3 = arith.constant 1 : i32
    scf.for %scan3A_22 = %scan3A to %scan3A_2 step %scan3A_3  : i32 {
      %mul3A_23 = arith.constant 1 : i32
      %mul3A_24 = arith.muli %scan3A_22, %mul3A_23 : i32
      %add3A_25 = arith.constant 0 : i32
      %add3A_26 = arith.addi %add3A_25, %mul3A_24 : i32
      %broadcast_in_dim3A = arith.constant 1.000000e+00 : f32
      %broadcast_in_dim3A_27 = vector.broadcast %broadcast_in_dim3A : f32 to vector<16xf32>
      %swap3A = arith.index_cast %add3A_26 : i32 to index
      %swap3A_28 = arith.constant 0 : index
      %swap3A_29 = tpu.vector_load %arg5[%swap3A, %swap3A_28] {strides = array<i32>} : memref<128x16xf32, #tpu.memory_space<vmem>>, vector<1x16xf32>,
      %swap3A_30 = vector.shape_cast %swap3A_29 : vector<1x16xf32> to vector<16xf32>
      %swap3A_31 = vector.shape_cast %broadcast_in_dim3A_27 : vector<16xf32> to vector<1x16xf32>
      tpu.vector_store %arg5[%swap3A, %swap3A_28], %swap3A_31 {strides = array<i32>} : memref<128x16xf32, #tpu.memory_space<vmem>>, vector<1x16xf32>,
      %broadcast_in_dim3A_32 = arith.constant 0.000000e+00 : f32
      %broadcast_in_dim3A_33 = vector.broadcast %broadcast_in_dim3A_32 : f32 to vector<16xf32>
      %swap3A_34 = arith.index_cast %add3A_26 : i32 to index
      %swap3A_35 = arith.constant 0 : index
      %swap3A_36 = tpu.vector_load %arg6[%swap3A_34, %swap3A_35] {strides = array<i32>} : memref<128x16xf32, #tpu.memory_space<vmem>>, vector<1x16xf32>,
      %swap3A_37 = vector.shape_cast %swap3A_36 : vector<1x16xf32> to vector<16xf32>
      %swap3A_38 = vector.shape_cast %broadcast_in_dim3A_33 : vector<16xf32> to vector<1x16xf32>
      tpu.vector_store %arg6[%swap3A_34, %swap3A_35], %swap3A_38 {strides = array<i32>} : memref<128x16xf32, #tpu.memory_space<vmem>>, vector<1x16xf32>,
    }
    %scan3A_4 = arith.constant 128 : i32
    %scan3A_5 = arith.constant 0 : i32
    %scan3A_6 = arith.constant 5 : i32
    %scan3A_7 = arith.addi %scan3A_5, %scan3A_6 : i32
    %scan3A_8 = arith.constant 1 : i32
    scf.for %scan3A_22 = %scan3A_5 to %scan3A_7 step %scan3A_8  : i32 {
      %mul3A_23 = arith.constant 1 : i32
      %mul3A_24 = arith.muli %scan3A_22, %mul3A_23 : i32
      %add3A_25 = arith.constant 0 : i32
      %add3A_26 = arith.addi %add3A_25, %mul3A_24 : i32
      %mul3A_27 = arith.constant 640 : i32
      %mul3A_28 = arith.muli %arg1, %mul3A_27 : i32
      %mul3A_29 = arith.constant 128 : i32
      %mul3A_30 = arith.muli %add3A_26, %mul3A_29 : i32
      %add3A_31 = arith.addi %mul3A_28, %mul3A_30 : i32
      "tpu.region"() ({
        %run_scoped3A = tpu.sem_alloc : memref<!tpu.dma_semaphore, #tpu.memory_space<semaphore_mem>>
        %dma_start3A = arith.constant 0 : i32
        %dma_start3A_32 = tpu.memref_slice %arg7[%add3A_31, %dma_start3A] : memref<10240x16xf32, #tpu.memory_space<vmem_shared>> -> memref<128x16xf32, #tpu.memory_space<vmem_shared>>
        %dma_start3A_33 = arith.constant 0 : i32
        %dma_start3A_34 = tpu.memref_slice %arg7[%add3A_31, %dma_start3A_33] : memref<10240x16xf32, #tpu.memory_space<vmem_shared>> -> memref<128x16xf32, #tpu.memory_space<vmem_shared>>
        tpu.enqueue_dma source(%arg6 : memref<128x16xf32, #tpu.memory_space<vmem>>) target(%dma_start3A_34 : memref<128x16xf32, #tpu.memory_space<vmem_shared>>) target_semaphore(%run_scoped3A : memref<!tpu.dma_semaphore, #tpu.memory_space<semaphore_mem>>)
        %dma_wait3A = arith.constant 0 : i32
        %dma_wait3A_35 = tpu.memref_slice %arg7[%add3A_31, %dma_wait3A] : memref<10240x16xf32, #tpu.memory_space<vmem_shared>> -> memref<128x16xf32, #tpu.memory_space<vmem_shared>>
        %dma_wait3A_36 = arith.constant 0 : i32
        %dma_wait3A_37 = tpu.memref_slice %arg7[%add3A_31, %dma_wait3A_36] : memref<10240x16xf32, #tpu.memory_space<vmem_shared>> -> memref<128x16xf32, #tpu.memory_space<vmem_shared>>
        tpu.wait_dma2 semaphore(%run_scoped3A : memref<!tpu.dma_semaphore, #tpu.memory_space<semaphore_mem>>) src(%arg6 : memref<128x16xf32, #tpu.memory_space<vmem>>) dst(%dma_wait3A_37 : memref<128x16xf32, #tpu.memory_space<vmem_shared>>)
        tpu.yield
      }) : () -> ()
    }
    %scan3A_9 = arith.constant 5 : i32
    %barrier3A = arith.constant 0 : index
    tpu.barrier barrier_id(%barrier3A)
    %mul3A_10 = arith.constant 80 : i32
    %mul3A_11 = arith.muli %add3A, %mul3A_10 : i32
    %scan3A_12 = arith.constant 0 : i32
    %scan3A_13 = arith.constant 10 : i32
    %scan3A_14 = arith.addi %scan3A_12, %scan3A_13 : i32
    %scan3A_15 = arith.constant 1 : i32
    scf.for %scan3A_22 = %scan3A_12 to %scan3A_14 step %scan3A_15  : i32 {
      %mul3A_23 = arith.constant 1 : i32
      %mul3A_24 = arith.muli %scan3A_22, %mul3A_23 : i32
      %add3A_25 = arith.constant 0 : i32
      %add3A_26 = arith.addi %add3A_25, %mul3A_24 : i32
      %mul3A_27 = arith.constant 8 : i32
      %mul3A_28 = arith.muli %add3A_26, %mul3A_27 : i32
      %add3A_29 = arith.addi %mul3A_11, %mul3A_28 : i32
      "tpu.region"() ({
        %run_scoped3A_37 = tpu.sem_alloc : memref<!tpu.dma_semaphore, #tpu.memory_space<semaphore_mem>>
        %dma_start3A = arith.constant 0 : i32
        %dma_start3A_38 = tpu.memref_slice %arg2[%add3A_29, %dma_start3A] : memref<2560x128xi32, #tpu.memory_space<hbm>> -> memref<8x128xi32, #tpu.memory_space<hbm>>
        %dma_start3A_39 = arith.constant 0 : i32
        %dma_start3A_40 = tpu.memref_slice %arg2[%add3A_29, %dma_start3A_39] : memref<2560x128xi32, #tpu.memory_space<hbm>> -> memref<8x128xi32, #tpu.memory_space<hbm>>
        tpu.enqueue_dma source(%dma_start3A_40 : memref<8x128xi32, #tpu.memory_space<hbm>>) target(%arg4 : memref<8x128xi32, #tpu.memory_space<vmem>>) target_semaphore(%run_scoped3A_37 : memref<!tpu.dma_semaphore, #tpu.memory_space<semaphore_mem>>)
        %dma_wait3A = arith.constant 0 : i32
        %dma_wait3A_41 = tpu.memref_slice %arg2[%add3A_29, %dma_wait3A] : memref<2560x128xi32, #tpu.memory_space<hbm>> -> memref<8x128xi32, #tpu.memory_space<hbm>>
        %dma_wait3A_42 = arith.constant 0 : i32
        %dma_wait3A_43 = tpu.memref_slice %arg2[%add3A_29, %dma_wait3A_42] : memref<2560x128xi32, #tpu.memory_space<hbm>> -> memref<8x128xi32, #tpu.memory_space<hbm>>
        tpu.wait_dma2 semaphore(%run_scoped3A_37 : memref<!tpu.dma_semaphore, #tpu.memory_space<semaphore_mem>>) src(%dma_wait3A_43 : memref<8x128xi32, #tpu.memory_space<hbm>>) dst(%arg4 : memref<8x128xi32, #tpu.memory_space<vmem>>)
        tpu.yield
      }) : () -> ()
      %run_scoped3A = arith.constant 0 : i32
      "tpu.region"() ({
        %run_scoped3A_37 = tpu.sem_alloc : memref<!tpu.dma_semaphore, #tpu.memory_space<semaphore_mem>>
        %dma_start3A = arith.constant 0 : i32
        %dma_start3A_38 = tpu.memref_slice %arg4[%run_scoped3A, %dma_start3A] : memref<8x128xi32, #tpu.memory_space<vmem>> -> memref<1x128xi32, #tpu.memory_space<vmem>>
        %dma_start3A_39 = tpu.memref_squeeze %dma_start3A_38 : memref<1x128xi32, #tpu.memory_space<vmem>> -> memref<128xi32, #tpu.memory_space<vmem>>
        %dma_start3A_40 = arith.constant 0 : i32
        %dma_start3A_41 = arith.constant 0 : i32
        %dma_start3A_42 = tpu.memref_slice %arg7[%dma_start3A_40, %dma_start3A_41] : memref<10240x16xf32, #tpu.memory_space<vmem_shared>> -> memref<10240x16xf32, #tpu.memory_space<vmem_shared>>
        tpu.enqueue_indirect_dma source(%arg5 : memref<128x16xf32, #tpu.memory_space<vmem>>) target(%dma_start3A_42 : memref<10240x16xf32, #tpu.memory_space<vmem_shared>>) offsets(%dma_start3A_39 : memref<128xi32, #tpu.memory_space<vmem>>) semaphore(%run_scoped3A_37 : memref<!tpu.dma_semaphore, #tpu.memory_space<semaphore_mem>>) {add = true}
        %dma_wait3A = arith.constant 0 : i32
        %dma_wait3A_43 = tpu.memref_slice %arg4[%run_scoped3A, %dma_wait3A] : memref<8x128xi32, #tpu.memory_space<vmem>> -> memref<1x128xi32, #tpu.memory_space<vmem>>
        %dma_wait3A_44 = tpu.memref_squeeze %dma_wait3A_43 : memref<1x128xi32, #tpu.memory_space<vmem>> -> memref<128xi32, #tpu.memory_space<vmem>>
        %dma_wait3A_45 = arith.constant 0 : i32
        %dma_wait3A_46 = arith.constant 0 : i32
        %dma_wait3A_47 = tpu.memref_slice %arg7[%dma_wait3A_45, %dma_wait3A_46] : memref<10240x16xf32, #tpu.memory_space<vmem_shared>> -> memref<10240x16xf32, #tpu.memory_space<vmem_shared>>
        tpu.wait_indirect_dma semaphore(%run_scoped3A_37 : memref<!tpu.dma_semaphore, #tpu.memory_space<semaphore_mem>>) src(%arg5 : memref<128x16xf32, #tpu.memory_space<vmem>>) dst(%dma_wait3A_47 : memref<10240x16xf32, #tpu.memory_space<vmem_shared>>)
        tpu.yield
      }) : () -> ()
      %run_scoped3A_30 = arith.constant 1 : i32
      "tpu.region"() ({
        %run_scoped3A_37 = tpu.sem_alloc : memref<!tpu.dma_semaphore, #tpu.memory_space<semaphore_mem>>
        %dma_start3A = arith.constant 0 : i32
        %dma_start3A_38 = tpu.memref_slice %arg4[%run_scoped3A_30, %dma_start3A] : memref<8x128xi32, #tpu.memory_space<vmem>> -> memref<1x128xi32, #tpu.memory_space<vmem>>
        %dma_start3A_39 = tpu.memref_squeeze %dma_start3A_38 : memref<1x128xi32, #tpu.memory_space<vmem>> -> memref<128xi32, #tpu.memory_space<vmem>>
        %dma_start3A_40 = arith.constant 0 : i32
        %dma_start3A_41 = arith.constant 0 : i32
        %dma_start3A_42 = tpu.memref_slice %arg7[%dma_start3A_40, %dma_start3A_41] : memref<10240x16xf32, #tpu.memory_space<vmem_shared>> -> memref<10240x16xf32, #tpu.memory_space<vmem_shared>>
        tpu.enqueue_indirect_dma source(%arg5 : memref<128x16xf32, #tpu.memory_space<vmem>>) target(%dma_start3A_42 : memref<10240x16xf32, #tpu.memory_space<vmem_shared>>) offsets(%dma_start3A_39 : memref<128xi32, #tpu.memory_space<vmem>>) semaphore(%run_scoped3A_37 : memref<!tpu.dma_semaphore, #tpu.memory_space<semaphore_mem>>) {add = true}
        %dma_wait3A = arith.constant 0 : i32
        %dma_wait3A_43 = tpu.memref_slice %arg4[%run_scoped3A_30, %dma_wait3A] : memref<8x128xi32, #tpu.memory_space<vmem>> -> memref<1x128xi32, #tpu.memory_space<vmem>>
        %dma_wait3A_44 = tpu.memref_squeeze %dma_wait3A_43 : memref<1x128xi32, #tpu.memory_space<vmem>> -> memref<128xi32, #tpu.memory_space<vmem>>
        %dma_wait3A_45 = arith.constant 0 : i32
        %dma_wait3A_46 = arith.constant 0 : i32
        %dma_wait3A_47 = tpu.memref_slice %arg7[%dma_wait3A_45, %dma_wait3A_46] : memref<10240x16xf32, #tpu.memory_space<vmem_shared>> -> memref<10240x16xf32, #tpu.memory_space<vmem_shared>>
        tpu.wait_indirect_dma semaphore(%run_scoped3A_37 : memref<!tpu.dma_semaphore, #tpu.memory_space<semaphore_mem>>) src(%arg5 : memref<128x16xf32, #tpu.memory_space<vmem>>) dst(%dma_wait3A_47 : memref<10240x16xf32, #tpu.memory_space<vmem_shared>>)
        tpu.yield
      }) : () -> ()
      %run_scoped3A_31 = arith.constant 2 : i32
      "tpu.region"() ({
        %run_scoped3A_37 = tpu.sem_alloc : memref<!tpu.dma_semaphore, #tpu.memory_space<semaphore_mem>>
        %dma_start3A = arith.constant 0 : i32
        %dma_start3A_38 = tpu.memref_slice %arg4[%run_scoped3A_31, %dma_start3A] : memref<8x128xi32, #tpu.memory_space<vmem>> -> memref<1x128xi32, #tpu.memory_space<vmem>>
        %dma_start3A_39 = tpu.memref_squeeze %dma_start3A_38 : memref<1x128xi32, #tpu.memory_space<vmem>> -> memref<128xi32, #tpu.memory_space<vmem>>
        %dma_start3A_40 = arith.constant 0 : i32
        %dma_start3A_41 = arith.constant 0 : i32
        %dma_start3A_42 = tpu.memref_slice %arg7[%dma_start3A_40, %dma_start3A_41] : memref<10240x16xf32, #tpu.memory_space<vmem_shared>> -> memref<10240x16xf32, #tpu.memory_space<vmem_shared>>
        tpu.enqueue_indirect_dma source(%arg5 : memref<128x16xf32, #tpu.memory_space<vmem>>) target(%dma_start3A_42 : memref<10240x16xf32, #tpu.memory_space<vmem_shared>>) offsets(%dma_start3A_39 : memref<128xi32, #tpu.memory_space<vmem>>) semaphore(%run_scoped3A_37 : memref<!tpu.dma_semaphore, #tpu.memory_space<semaphore_mem>>) {add = true}
        %dma_wait3A = arith.constant 0 : i32
        %dma_wait3A_43 = tpu.memref_slice %arg4[%run_scoped3A_31, %dma_wait3A] : memref<8x128xi32, #tpu.memory_space<vmem>> -> memref<1x128xi32, #tpu.memory_space<vmem>>
        %dma_wait3A_44 = tpu.memref_squeeze %dma_wait3A_43 : memref<1x128xi32, #tpu.memory_space<vmem>> -> memref<128xi32, #tpu.memory_space<vmem>>
        %dma_wait3A_45 = arith.constant 0 : i32
        %dma_wait3A_46 = arith.constant 0 : i32
        %dma_wait3A_47 = tpu.memref_slice %arg7[%dma_wait3A_45, %dma_wait3A_46] : memref<10240x16xf32, #tpu.memory_space<vmem_shared>> -> memref<10240x16xf32, #tpu.memory_space<vmem_shared>>
        tpu.wait_indirect_dma semaphore(%run_scoped3A_37 : memref<!tpu.dma_semaphore, #tpu.memory_space<semaphore_mem>>) src(%arg5 : memref<128x16xf32, #tpu.memory_space<vmem>>) dst(%dma_wait3A_47 : memref<10240x16xf32, #tpu.memory_space<vmem_shared>>)
        tpu.yield
      }) : () -> ()
      %run_scoped3A_32 = arith.constant 3 : i32
      "tpu.region"() ({
        %run_scoped3A_37 = tpu.sem_alloc : memref<!tpu.dma_semaphore, #tpu.memory_space<semaphore_mem>>
        %dma_start3A = arith.constant 0 : i32
        %dma_start3A_38 = tpu.memref_slice %arg4[%run_scoped3A_32, %dma_start3A] : memref<8x128xi32, #tpu.memory_space<vmem>> -> memref<1x128xi32, #tpu.memory_space<vmem>>
        %dma_start3A_39 = tpu.memref_squeeze %dma_start3A_38 : memref<1x128xi32, #tpu.memory_space<vmem>> -> memref<128xi32, #tpu.memory_space<vmem>>
        %dma_start3A_40 = arith.constant 0 : i32
        %dma_start3A_41 = arith.constant 0 : i32
        %dma_start3A_42 = tpu.memref_slice %arg7[%dma_start3A_40, %dma_start3A_41] : memref<10240x16xf32, #tpu.memory_space<vmem_shared>> -> memref<10240x16xf32, #tpu.memory_space<vmem_shared>>
        tpu.enqueue_indirect_dma source(%arg5 : memref<128x16xf32, #tpu.memory_space<vmem>>) target(%dma_start3A_42 : memref<10240x16xf32, #tpu.memory_space<vmem_shared>>) offsets(%dma_start3A_39 : memref<128xi32, #tpu.memory_space<vmem>>) semaphore(%run_scoped3A_37 : memref<!tpu.dma_semaphore, #tpu.memory_space<semaphore_mem>>) {add = true}
        %dma_wait3A = arith.constant 0 : i32
        %dma_wait3A_43 = tpu.memref_slice %arg4[%run_scoped3A_32, %dma_wait3A] : memref<8x128xi32, #tpu.memory_space<vmem>> -> memref<1x128xi32, #tpu.memory_space<vmem>>
        %dma_wait3A_44 = tpu.memref_squeeze %dma_wait3A_43 : memref<1x128xi32, #tpu.memory_space<vmem>> -> memref<128xi32, #tpu.memory_space<vmem>>
        %dma_wait3A_45 = arith.constant 0 : i32
        %dma_wait3A_46 = arith.constant 0 : i32
        %dma_wait3A_47 = tpu.memref_slice %arg7[%dma_wait3A_45, %dma_wait3A_46] : memref<10240x16xf32, #tpu.memory_space<vmem_shared>> -> memref<10240x16xf32, #tpu.memory_space<vmem_shared>>
        tpu.wait_indirect_dma semaphore(%run_scoped3A_37 : memref<!tpu.dma_semaphore, #tpu.memory_space<semaphore_mem>>) src(%arg5 : memref<128x16xf32, #tpu.memory_space<vmem>>) dst(%dma_wait3A_47 : memref<10240x16xf32, #tpu.memory_space<vmem_shared>>)
        tpu.yield
      }) : () -> ()
      %run_scoped3A_33 = arith.constant 4 : i32
      "tpu.region"() ({
        %run_scoped3A_37 = tpu.sem_alloc : memref<!tpu.dma_semaphore, #tpu.memory_space<semaphore_mem>>
        %dma_start3A = arith.constant 0 : i32
        %dma_start3A_38 = tpu.memref_slice %arg4[%run_scoped3A_33, %dma_start3A] : memref<8x128xi32, #tpu.memory_space<vmem>> -> memref<1x128xi32, #tpu.memory_space<vmem>>
        %dma_start3A_39 = tpu.memref_squeeze %dma_start3A_38 : memref<1x128xi32, #tpu.memory_space<vmem>> -> memref<128xi32, #tpu.memory_space<vmem>>
        %dma_start3A_40 = arith.constant 0 : i32
        %dma_start3A_41 = arith.constant 0 : i32
        %dma_start3A_42 = tpu.memref_slice %arg7[%dma_start3A_40, %dma_start3A_41] : memref<10240x16xf32, #tpu.memory_space<vmem_shared>> -> memref<10240x16xf32, #tpu.memory_space<vmem_shared>>
        tpu.enqueue_indirect_dma source(%arg5 : memref<128x16xf32, #tpu.memory_space<vmem>>) target(%dma_start3A_42 : memref<10240x16xf32, #tpu.memory_space<vmem_shared>>) offsets(%dma_start3A_39 : memref<128xi32, #tpu.memory_space<vmem>>) semaphore(%run_scoped3A_37 : memref<!tpu.dma_semaphore, #tpu.memory_space<semaphore_mem>>) {add = true}
        %dma_wait3A = arith.constant 0 : i32
        %dma_wait3A_43 = tpu.memref_slice %arg4[%run_scoped3A_33, %dma_wait3A] : memref<8x128xi32, #tpu.memory_space<vmem>> -> memref<1x128xi32, #tpu.memory_space<vmem>>
        %dma_wait3A_44 = tpu.memref_squeeze %dma_wait3A_43 : memref<1x128xi32, #tpu.memory_space<vmem>> -> memref<128xi32, #tpu.memory_space<vmem>>
        %dma_wait3A_45 = arith.constant 0 : i32
        %dma_wait3A_46 = arith.constant 0 : i32
        %dma_wait3A_47 = tpu.memref_slice %arg7[%dma_wait3A_45, %dma_wait3A_46] : memref<10240x16xf32, #tpu.memory_space<vmem_shared>> -> memref<10240x16xf32, #tpu.memory_space<vmem_shared>>
        tpu.wait_indirect_dma semaphore(%run_scoped3A_37 : memref<!tpu.dma_semaphore, #tpu.memory_space<semaphore_mem>>) src(%arg5 : memref<128x16xf32, #tpu.memory_space<vmem>>) dst(%dma_wait3A_47 : memref<10240x16xf32, #tpu.memory_space<vmem_shared>>)
        tpu.yield
      }) : () -> ()
      %run_scoped3A_34 = arith.constant 5 : i32
      "tpu.region"() ({
        %run_scoped3A_37 = tpu.sem_alloc : memref<!tpu.dma_semaphore, #tpu.memory_space<semaphore_mem>>
        %dma_start3A = arith.constant 0 : i32
        %dma_start3A_38 = tpu.memref_slice %arg4[%run_scoped3A_34, %dma_start3A] : memref<8x128xi32, #tpu.memory_space<vmem>> -> memref<1x128xi32, #tpu.memory_space<vmem>>
        %dma_start3A_39 = tpu.memref_squeeze %dma_start3A_38 : memref<1x128xi32, #tpu.memory_space<vmem>> -> memref<128xi32, #tpu.memory_space<vmem>>
        %dma_start3A_40 = arith.constant 0 : i32
        %dma_start3A_41 = arith.constant 0 : i32
        %dma_start3A_42 = tpu.memref_slice %arg7[%dma_start3A_40, %dma_start3A_41] : memref<10240x16xf32, #tpu.memory_space<vmem_shared>> -> memref<10240x16xf32, #tpu.memory_space<vmem_shared>>
        tpu.enqueue_indirect_dma source(%arg5 : memref<128x16xf32, #tpu.memory_space<vmem>>) target(%dma_start3A_42 : memref<10240x16xf32, #tpu.memory_space<vmem_shared>>) offsets(%dma_start3A_39 : memref<128xi32, #tpu.memory_space<vmem>>) semaphore(%run_scoped3A_37 : memref<!tpu.dma_semaphore, #tpu.memory_space<semaphore_mem>>) {add = true}
        %dma_wait3A = arith.constant 0 : i32
        %dma_wait3A_43 = tpu.memref_slice %arg4[%run_scoped3A_34, %dma_wait3A] : memref<8x128xi32, #tpu.memory_space<vmem>> -> memref<1x128xi32, #tpu.memory_space<vmem>>
        %dma_wait3A_44 = tpu.memref_squeeze %dma_wait3A_43 : memref<1x128xi32, #tpu.memory_space<vmem>> -> memref<128xi32, #tpu.memory_space<vmem>>
        %dma_wait3A_45 = arith.constant 0 : i32
        %dma_wait3A_46 = arith.constant 0 : i32
        %dma_wait3A_47 = tpu.memref_slice %arg7[%dma_wait3A_45, %dma_wait3A_46] : memref<10240x16xf32, #tpu.memory_space<vmem_shared>> -> memref<10240x16xf32, #tpu.memory_space<vmem_shared>>
        tpu.wait_indirect_dma semaphore(%run_scoped3A_37 : memref<!tpu.dma_semaphore, #tpu.memory_space<semaphore_mem>>) src(%arg5 : memref<128x16xf32, #tpu.memory_space<vmem>>) dst(%dma_wait3A_47 : memref<10240x16xf32, #tpu.memory_space<vmem_shared>>)
        tpu.yield
      }) : () -> ()
      %run_scoped3A_35 = arith.constant 6 : i32
      "tpu.region"() ({
        %run_scoped3A_37 = tpu.sem_alloc : memref<!tpu.dma_semaphore, #tpu.memory_space<semaphore_mem>>
        %dma_start3A = arith.constant 0 : i32
        %dma_start3A_38 = tpu.memref_slice %arg4[%run_scoped3A_35, %dma_start3A] : memref<8x128xi32, #tpu.memory_space<vmem>> -> memref<1x128xi32, #tpu.memory_space<vmem>>
        %dma_start3A_39 = tpu.memref_squeeze %dma_start3A_38 : memref<1x128xi32, #tpu.memory_space<vmem>> -> memref<128xi32, #tpu.memory_space<vmem>>
        %dma_start3A_40 = arith.constant 0 : i32
        %dma_start3A_41 = arith.constant 0 : i32
        %dma_start3A_42 = tpu.memref_slice %arg7[%dma_start3A_40, %dma_start3A_41] : memref<10240x16xf32, #tpu.memory_space<vmem_shared>> -> memref<10240x16xf32, #tpu.memory_space<vmem_shared>>
        tpu.enqueue_indirect_dma source(%arg5 : memref<128x16xf32, #tpu.memory_space<vmem>>) target(%dma_start3A_42 : memref<10240x16xf32, #tpu.memory_space<vmem_shared>>) offsets(%dma_start3A_39 : memref<128xi32, #tpu.memory_space<vmem>>) semaphore(%run_scoped3A_37 : memref<!tpu.dma_semaphore, #tpu.memory_space<semaphore_mem>>) {add = true}
        %dma_wait3A = arith.constant 0 : i32
        %dma_wait3A_43 = tpu.memref_slice %arg4[%run_scoped3A_35, %dma_wait3A] : memref<8x128xi32, #tpu.memory_space<vmem>> -> memref<1x128xi32, #tpu.memory_space<vmem>>
        %dma_wait3A_44 = tpu.memref_squeeze %dma_wait3A_43 : memref<1x128xi32, #tpu.memory_space<vmem>> -> memref<128xi32, #tpu.memory_space<vmem>>
        %dma_wait3A_45 = arith.constant 0 : i32
        %dma_wait3A_46 = arith.constant 0 : i32
        %dma_wait3A_47 = tpu.memref_slice %arg7[%dma_wait3A_45, %dma_wait3A_46] : memref<10240x16xf32, #tpu.memory_space<vmem_shared>> -> memref<10240x16xf32, #tpu.memory_space<vmem_shared>>
        tpu.wait_indirect_dma semaphore(%run_scoped3A_37 : memref<!tpu.dma_semaphore, #tpu.memory_space<semaphore_mem>>) src(%arg5 : memref<128x16xf32, #tpu.memory_space<vmem>>) dst(%dma_wait3A_47 : memref<10240x16xf32, #tpu.memory_space<vmem_shared>>)
        tpu.yield
      }) : () -> ()
      %run_scoped3A_36 = arith.constant 7 : i32
      "tpu.region"() ({
        %run_scoped3A_37 = tpu.sem_alloc : memref<!tpu.dma_semaphore, #tpu.memory_space<semaphore_mem>>
        %dma_start3A = arith.constant 0 : i32
        %dma_start3A_38 = tpu.memref_slice %arg4[%run_scoped3A_36, %dma_start3A] : memref<8x128xi32, #tpu.memory_space<vmem>> -> memref<1x128xi32, #tpu.memory_space<vmem>>
        %dma_start3A_39 = tpu.memref_squeeze %dma_start3A_38 : memref<1x128xi32, #tpu.memory_space<vmem>> -> memref<128xi32, #tpu.memory_space<vmem>>
        %dma_start3A_40 = arith.constant 0 : i32
        %dma_start3A_41 = arith.constant 0 : i32
        %dma_start3A_42 = tpu.memref_slice %arg7[%dma_start3A_40, %dma_start3A_41] : memref<10240x16xf32, #tpu.memory_space<vmem_shared>> -> memref<10240x16xf32, #tpu.memory_space<vmem_shared>>
        tpu.enqueue_indirect_dma source(%arg5 : memref<128x16xf32, #tpu.memory_space<vmem>>) target(%dma_start3A_42 : memref<10240x16xf32, #tpu.memory_space<vmem_shared>>) offsets(%dma_start3A_39 : memref<128xi32, #tpu.memory_space<vmem>>) semaphore(%run_scoped3A_37 : memref<!tpu.dma_semaphore, #tpu.memory_space<semaphore_mem>>) {add = true}
        %dma_wait3A = arith.constant 0 : i32
        %dma_wait3A_43 = tpu.memref_slice %arg4[%run_scoped3A_36, %dma_wait3A] : memref<8x128xi32, #tpu.memory_space<vmem>> -> memref<1x128xi32, #tpu.memory_space<vmem>>
        %dma_wait3A_44 = tpu.memref_squeeze %dma_wait3A_43 : memref<1x128xi32, #tpu.memory_space<vmem>> -> memref<128xi32, #tpu.memory_space<vmem>>
        %dma_wait3A_45 = arith.constant 0 : i32
        %dma_wait3A_46 = arith.constant 0 : i32
        %dma_wait3A_47 = tpu.memref_slice %arg7[%dma_wait3A_45, %dma_wait3A_46] : memref<10240x16xf32, #tpu.memory_space<vmem_shared>> -> memref<10240x16xf32, #tpu.memory_space<vmem_shared>>
        tpu.wait_indirect_dma semaphore(%run_scoped3A_37 : memref<!tpu.dma_semaphore, #tpu.memory_space<semaphore_mem>>) src(%arg5 : memref<128x16xf32, #tpu.memory_space<vmem>>) dst(%dma_wait3A_47 : memref<10240x16xf32, #tpu.memory_space<vmem_shared>>)
        tpu.yield
      }) : () -> ()
    }
    %scan3A_16 = arith.constant 10 : i32
    %barrier3A_17 = arith.constant 0 : index
    tpu.barrier barrier_id(%barrier3A_17)
    %mul3A_18 = arith.constant 640 : i32
    %mul3A_19 = arith.muli %arg1, %mul3A_18 : i32
    %mul3A_20 = arith.constant 640 : i32
    %mul3A_21 = arith.muli %arg1, %mul3A_20 : i32
    "tpu.region"() ({
      %run_scoped3A = tpu.sem_alloc : memref<!tpu.dma_semaphore, #tpu.memory_space<semaphore_mem>>
      %dma_start3A = arith.constant 0 : i32
      %dma_start3A_22 = tpu.memref_slice %arg3[%arg0, %mul3A_21, %dma_start3A] : memref<2x10240x16xf32, #tpu.memory_space<hbm>> -> memref<1x640x16xf32, #tpu.memory_space<hbm>>
      %dma_start3A_23 = tpu.memref_squeeze %dma_start3A_22 : memref<1x640x16xf32, #tpu.memory_space<hbm>> -> memref<640x16xf32, #tpu.memory_space<hbm>>
      %dma_start3A_24 = arith.constant 0 : i32
      %dma_start3A_25 = tpu.memref_slice %arg7[%mul3A_19, %dma_start3A_24] : memref<10240x16xf32, #tpu.memory_space<vmem_shared>> -> memref<640x16xf32, #tpu.memory_space<vmem_shared>>
      tpu.enqueue_dma source(%dma_start3A_25 : memref<640x16xf32, #tpu.memory_space<vmem_shared>>) target(%dma_start3A_23 : memref<640x16xf32, #tpu.memory_space<hbm>>) target_semaphore(%run_scoped3A : memref<!tpu.dma_semaphore, #tpu.memory_space<semaphore_mem>>)
      %dma_wait3A = arith.constant 0 : i32
      %dma_wait3A_26 = tpu.memref_slice %arg3[%arg0, %mul3A_21, %dma_wait3A] : memref<2x10240x16xf32, #tpu.memory_space<hbm>> -> memref<1x640x16xf32, #tpu.memory_space<hbm>>
      %dma_wait3A_27 = tpu.memref_squeeze %dma_wait3A_26 : memref<1x640x16xf32, #tpu.memory_space<hbm>> -> memref<640x16xf32, #tpu.memory_space<hbm>>
      %dma_wait3A_28 = arith.constant 0 : i32
      %dma_wait3A_29 = tpu.memref_slice %arg7[%mul3A_19, %dma_wait3A_28] : memref<10240x16xf32, #tpu.memory_space<vmem_shared>> -> memref<640x16xf32, #tpu.memory_space<vmem_shared>>
      tpu.wait_dma2 semaphore(%run_scoped3A : memref<!tpu.dma_semaphore, #tpu.memory_space<semaphore_mem>>) src(%dma_wait3A_29 : memref<640x16xf32, #tpu.memory_space<vmem_shared>>) dst(%dma_wait3A_27 : memref<640x16xf32, #tpu.memory_space<hbm>>)
      tpu.yield
    }) : () -> ()
    return
  }
}

#map = affine_map<(d0, d1) -> (0, 0)>
#map1 = affine_map<(d0, d1) -> (0, 0, 0)>
module attributes {stable_mosaic.version = 14 : i64} {
  func.func @_spmm_kernel(%arg0: i32, %arg1: i32, %arg2: memref<20480x128xf32, #tpu.memory_space<hbm>>, %arg3: memref<5120x128xi32, #tpu.memory_space<hbm>>, %arg4: memref<2560x128xi32, #tpu.memory_space<hbm>>, %arg5: memref<2x10240x128xf32, #tpu.memory_space<hbm>>, %arg6: memref<16x128xi32, #tpu.memory_space<vmem>>, %arg7: memref<16x128xi32, #tpu.memory_space<vmem>>, %arg8: memref<16x128xi32, #tpu.memory_space<vmem>>, %arg9: memref<16x128xi32, #tpu.memory_space<vmem>>, %arg10: memref<128x128xf32, #tpu.memory_space<vmem>>, %arg11: memref<128x128xf32, #tpu.memory_space<vmem>>, %arg12: memref<!tpu.dma_semaphore, #tpu.memory_space<semaphore_mem>>, %arg13: memref<!tpu.dma_semaphore, #tpu.memory_space<semaphore_mem>>, %arg14: memref<!tpu.dma_semaphore, #tpu.memory_space<semaphore_mem>>, %arg15: memref<!tpu.dma_semaphore, #tpu.memory_space<semaphore_mem>>, %arg16: memref<!tpu.dma_semaphore, #tpu.memory_space<semaphore_mem>>, %arg17: memref<!tpu.dma_semaphore, #tpu.memory_space<semaphore_mem>>, %arg18: memref<!tpu.dma_semaphore, #tpu.memory_space<semaphore_mem>>, %arg19: memref<!tpu.dma_semaphore, #tpu.memory_space<semaphore_mem>>, %arg20: memref<10240x128xf32, #tpu.memory_space<vmem_shared>>) attributes {dimension_semantics = [#tpu.dimension_semantics<core_parallel>, #tpu.dimension_semantics<subcore_parallel>], iteration_bounds = array<i64: 2, 16>, scalar_prefetch = 0 : i64, scratch_operands = 15 : i64, tpu.core_type = #tpu.core_type<sc_vector_subcore>, window_params = [{transform_indices = #map}, {transform_indices = #map}, {transform_indices = #map}, {transform_indices = #map1}]} {
    %scan3A = arith.constant 0 : i32
    %scan3A_0 = arith.constant 128 : i32
    %scan3A_1 = arith.addi %scan3A, %scan3A_0 : i32
    %scan3A_2 = arith.constant 1 : i32
    scf.for %scan3A_47 = %scan3A to %scan3A_1 step %scan3A_2  : i32 {
      %mul3A_48 = arith.constant 1 : i32
      %mul3A_49 = arith.muli %scan3A_47, %mul3A_48 : i32
      %add3A_50 = arith.constant 0 : i32
      %add3A_51 = arith.addi %add3A_50, %mul3A_49 : i32
      %broadcast_in_dim3A = arith.constant 0.000000e+00 : f32
      %broadcast_in_dim3A_52 = vector.broadcast %broadcast_in_dim3A : f32 to vector<16xf32>
      %swap3A = arith.index_cast %add3A_51 : i32 to index
      %swap3A_53 = arith.constant 0 : index
      %swap3A_54 = tpu.vector_load %arg10[%swap3A, %swap3A_53] {strides = array<i32>} : memref<128x128xf32, #tpu.memory_space<vmem>>, vector<1x16xf32>,
      %swap3A_55 = vector.shape_cast %swap3A_54 : vector<1x16xf32> to vector<16xf32>
      %swap3A_56 = vector.shape_cast %broadcast_in_dim3A_52 : vector<16xf32> to vector<1x16xf32>
      tpu.vector_store %arg10[%swap3A, %swap3A_53], %swap3A_56 {strides = array<i32>} : memref<128x128xf32, #tpu.memory_space<vmem>>, vector<1x16xf32>,
      %broadcast_in_dim3A_57 = arith.constant 0.000000e+00 : f32
      %broadcast_in_dim3A_58 = vector.broadcast %broadcast_in_dim3A_57 : f32 to vector<16xf32>
      %swap3A_59 = arith.index_cast %add3A_51 : i32 to index
      %swap3A_60 = arith.constant 16 : index
      %swap3A_61 = tpu.vector_load %arg10[%swap3A_59, %swap3A_60] {strides = array<i32>} : memref<128x128xf32, #tpu.memory_space<vmem>>, vector<1x16xf32>,
      %swap3A_62 = vector.shape_cast %swap3A_61 : vector<1x16xf32> to vector<16xf32>
      %swap3A_63 = vector.shape_cast %broadcast_in_dim3A_58 : vector<16xf32> to vector<1x16xf32>
      tpu.vector_store %arg10[%swap3A_59, %swap3A_60], %swap3A_63 {strides = array<i32>} : memref<128x128xf32, #tpu.memory_space<vmem>>, vector<1x16xf32>,
      %broadcast_in_dim3A_64 = arith.constant 0.000000e+00 : f32
      %broadcast_in_dim3A_65 = vector.broadcast %broadcast_in_dim3A_64 : f32 to vector<16xf32>
      %swap3A_66 = arith.index_cast %add3A_51 : i32 to index
      %swap3A_67 = arith.constant 32 : index
      %swap3A_68 = tpu.vector_load %arg10[%swap3A_66, %swap3A_67] {strides = array<i32>} : memref<128x128xf32, #tpu.memory_space<vmem>>, vector<1x16xf32>,
      %swap3A_69 = vector.shape_cast %swap3A_68 : vector<1x16xf32> to vector<16xf32>
      %swap3A_70 = vector.shape_cast %broadcast_in_dim3A_65 : vector<16xf32> to vector<1x16xf32>
      tpu.vector_store %arg10[%swap3A_66, %swap3A_67], %swap3A_70 {strides = array<i32>} : memref<128x128xf32, #tpu.memory_space<vmem>>, vector<1x16xf32>,
      %broadcast_in_dim3A_71 = arith.constant 0.000000e+00 : f32
      %broadcast_in_dim3A_72 = vector.broadcast %broadcast_in_dim3A_71 : f32 to vector<16xf32>
      %swap3A_73 = arith.index_cast %add3A_51 : i32 to index
      %swap3A_74 = arith.constant 48 : index
      %swap3A_75 = tpu.vector_load %arg10[%swap3A_73, %swap3A_74] {strides = array<i32>} : memref<128x128xf32, #tpu.memory_space<vmem>>, vector<1x16xf32>,
      %swap3A_76 = vector.shape_cast %swap3A_75 : vector<1x16xf32> to vector<16xf32>
      %swap3A_77 = vector.shape_cast %broadcast_in_dim3A_72 : vector<16xf32> to vector<1x16xf32>
      tpu.vector_store %arg10[%swap3A_73, %swap3A_74], %swap3A_77 {strides = array<i32>} : memref<128x128xf32, #tpu.memory_space<vmem>>, vector<1x16xf32>,
      %broadcast_in_dim3A_78 = arith.constant 0.000000e+00 : f32
      %broadcast_in_dim3A_79 = vector.broadcast %broadcast_in_dim3A_78 : f32 to vector<16xf32>
      %swap3A_80 = arith.index_cast %add3A_51 : i32 to index
      %swap3A_81 = arith.constant 64 : index
      %swap3A_82 = tpu.vector_load %arg10[%swap3A_80, %swap3A_81] {strides = array<i32>} : memref<128x128xf32, #tpu.memory_space<vmem>>, vector<1x16xf32>,
      %swap3A_83 = vector.shape_cast %swap3A_82 : vector<1x16xf32> to vector<16xf32>
      %swap3A_84 = vector.shape_cast %broadcast_in_dim3A_79 : vector<16xf32> to vector<1x16xf32>
      tpu.vector_store %arg10[%swap3A_80, %swap3A_81], %swap3A_84 {strides = array<i32>} : memref<128x128xf32, #tpu.memory_space<vmem>>, vector<1x16xf32>,
      %broadcast_in_dim3A_85 = arith.constant 0.000000e+00 : f32
      %broadcast_in_dim3A_86 = vector.broadcast %broadcast_in_dim3A_85 : f32 to vector<16xf32>
      %swap3A_87 = arith.index_cast %add3A_51 : i32 to index
      %swap3A_88 = arith.constant 80 : index
      %swap3A_89 = tpu.vector_load %arg10[%swap3A_87, %swap3A_88] {strides = array<i32>} : memref<128x128xf32, #tpu.memory_space<vmem>>, vector<1x16xf32>,
      %swap3A_90 = vector.shape_cast %swap3A_89 : vector<1x16xf32> to vector<16xf32>
      %swap3A_91 = vector.shape_cast %broadcast_in_dim3A_86 : vector<16xf32> to vector<1x16xf32>
      tpu.vector_store %arg10[%swap3A_87, %swap3A_88], %swap3A_91 {strides = array<i32>} : memref<128x128xf32, #tpu.memory_space<vmem>>, vector<1x16xf32>,
      %broadcast_in_dim3A_92 = arith.constant 0.000000e+00 : f32
      %broadcast_in_dim3A_93 = vector.broadcast %broadcast_in_dim3A_92 : f32 to vector<16xf32>
      %swap3A_94 = arith.index_cast %add3A_51 : i32 to index
      %swap3A_95 = arith.constant 96 : index
      %swap3A_96 = tpu.vector_load %arg10[%swap3A_94, %swap3A_95] {strides = array<i32>} : memref<128x128xf32, #tpu.memory_space<vmem>>, vector<1x16xf32>,
      %swap3A_97 = vector.shape_cast %swap3A_96 : vector<1x16xf32> to vector<16xf32>
      %swap3A_98 = vector.shape_cast %broadcast_in_dim3A_93 : vector<16xf32> to vector<1x16xf32>
      tpu.vector_store %arg10[%swap3A_94, %swap3A_95], %swap3A_98 {strides = array<i32>} : memref<128x128xf32, #tpu.memory_space<vmem>>, vector<1x16xf32>,
      %broadcast_in_dim3A_99 = arith.constant 0.000000e+00 : f32
      %broadcast_in_dim3A_100 = vector.broadcast %broadcast_in_dim3A_99 : f32 to vector<16xf32>
      %swap3A_101 = arith.index_cast %add3A_51 : i32 to index
      %swap3A_102 = arith.constant 112 : index
      %swap3A_103 = tpu.vector_load %arg10[%swap3A_101, %swap3A_102] {strides = array<i32>} : memref<128x128xf32, #tpu.memory_space<vmem>>, vector<1x16xf32>,
      %swap3A_104 = vector.shape_cast %swap3A_103 : vector<1x16xf32> to vector<16xf32>
      %swap3A_105 = vector.shape_cast %broadcast_in_dim3A_100 : vector<16xf32> to vector<1x16xf32>
      tpu.vector_store %arg10[%swap3A_101, %swap3A_102], %swap3A_105 {strides = array<i32>} : memref<128x128xf32, #tpu.memory_space<vmem>>, vector<1x16xf32>,
    }
    %scan3A_3 = arith.constant 128 : i32
    %scan3A_4 = arith.constant 0 : i32
    %scan3A_5 = arith.constant 5 : i32
    %scan3A_6 = arith.addi %scan3A_4, %scan3A_5 : i32
    %scan3A_7 = arith.constant 1 : i32
    scf.for %scan3A_47 = %scan3A_4 to %scan3A_6 step %scan3A_7  : i32 {
      %mul3A_48 = arith.constant 1 : i32
      %mul3A_49 = arith.muli %scan3A_47, %mul3A_48 : i32
      %add3A_50 = arith.constant 0 : i32
      %add3A_51 = arith.addi %add3A_50, %mul3A_49 : i32
      %mul3A_52 = arith.constant 640 : i32
      %mul3A_53 = arith.muli %arg1, %mul3A_52 : i32
      %mul3A_54 = arith.constant 128 : i32
      %mul3A_55 = arith.muli %add3A_51, %mul3A_54 : i32
      %add3A_56 = arith.addi %mul3A_53, %mul3A_55 : i32
      "tpu.region"() ({
        %run_scoped3A = tpu.sem_alloc : memref<!tpu.dma_semaphore, #tpu.memory_space<semaphore_mem>>
        %dma_start3A_57 = arith.constant 0 : i32
        %dma_start3A_58 = tpu.memref_slice %arg20[%add3A_56, %dma_start3A_57] : memref<10240x128xf32, #tpu.memory_space<vmem_shared>> -> memref<128x128xf32, #tpu.memory_space<vmem_shared>>
        %dma_start3A_59 = arith.constant 0 : i32
        %dma_start3A_60 = tpu.memref_slice %arg20[%add3A_56, %dma_start3A_59] : memref<10240x128xf32, #tpu.memory_space<vmem_shared>> -> memref<128x128xf32, #tpu.memory_space<vmem_shared>>
        tpu.enqueue_dma source(%arg10 : memref<128x128xf32, #tpu.memory_space<vmem>>) target(%dma_start3A_60 : memref<128x128xf32, #tpu.memory_space<vmem_shared>>) target_semaphore(%run_scoped3A : memref<!tpu.dma_semaphore, #tpu.memory_space<semaphore_mem>>)
        %dma_wait3A = arith.constant 0 : i32
        %dma_wait3A_61 = tpu.memref_slice %arg20[%add3A_56, %dma_wait3A] : memref<10240x128xf32, #tpu.memory_space<vmem_shared>> -> memref<128x128xf32, #tpu.memory_space<vmem_shared>>
        %dma_wait3A_62 = arith.constant 0 : i32
        %dma_wait3A_63 = tpu.memref_slice %arg20[%add3A_56, %dma_wait3A_62] : memref<10240x128xf32, #tpu.memory_space<vmem_shared>> -> memref<128x128xf32, #tpu.memory_space<vmem_shared>>
        tpu.wait_dma2 semaphore(%run_scoped3A : memref<!tpu.dma_semaphore, #tpu.memory_space<semaphore_mem>>) src(%arg10 : memref<128x128xf32, #tpu.memory_space<vmem>>) dst(%dma_wait3A_63 : memref<128x128xf32, #tpu.memory_space<vmem_shared>>)
        tpu.yield
      }) : () -> ()
    }
    %scan3A_8 = arith.constant 5 : i32
    %mul3A = arith.constant 16 : i32
    %mul3A_9 = arith.muli %arg0, %mul3A : i32
    %add3A = arith.addi %mul3A_9, %arg1 : i32
    %mul3A_10 = arith.constant 160 : i32
    %mul3A_11 = arith.muli %add3A, %mul3A_10 : i32
    %mul3A_12 = arith.constant 160 : i32
    %mul3A_13 = arith.muli %arg1, %mul3A_12 : i32
    %add3A_14 = arith.constant 0 : i32
    %add3A_15 = arith.addi %mul3A_11, %add3A_14 : i32
    %dma_start3A = arith.constant 0 : i32
    %dma_start3A_16 = tpu.memref_slice %arg3[%add3A_15, %dma_start3A] : memref<5120x128xi32, #tpu.memory_space<hbm>> -> memref<16x128xi32, #tpu.memory_space<hbm>>
    %dma_start3A_17 = arith.constant 0 : i32
    %dma_start3A_18 = tpu.memref_slice %arg3[%add3A_15, %dma_start3A_17] : memref<5120x128xi32, #tpu.memory_space<hbm>> -> memref<16x128xi32, #tpu.memory_space<hbm>>
    tpu.enqueue_dma source(%dma_start3A_18 : memref<16x128xi32, #tpu.memory_space<hbm>>) target(%arg6 : memref<16x128xi32, #tpu.memory_space<vmem>>) target_semaphore(%arg16 : memref<!tpu.dma_semaphore, #tpu.memory_space<semaphore_mem>>)
    %add3A_19 = arith.constant 0 : i32
    %add3A_20 = arith.addi %mul3A_13, %add3A_19 : i32
    %dma_start3A_21 = arith.constant 0 : i32
    %dma_start3A_22 = tpu.memref_slice %arg4[%add3A_20, %dma_start3A_21] : memref<2560x128xi32, #tpu.memory_space<hbm>> -> memref<16x128xi32, #tpu.memory_space<hbm>>
    %dma_start3A_23 = arith.constant 0 : i32
    %dma_start3A_24 = tpu.memref_slice %arg4[%add3A_20, %dma_start3A_23] : memref<2560x128xi32, #tpu.memory_space<hbm>> -> memref<16x128xi32, #tpu.memory_space<hbm>>
    tpu.enqueue_dma source(%dma_start3A_24 : memref<16x128xi32, #tpu.memory_space<hbm>>) target(%arg7 : memref<16x128xi32, #tpu.memory_space<vmem>>) target_semaphore(%arg17 : memref<!tpu.dma_semaphore, #tpu.memory_space<semaphore_mem>>)
    %add3A_25 = arith.constant 16 : i32
    %add3A_26 = arith.addi %mul3A_11, %add3A_25 : i32
    %dma_start3A_27 = arith.constant 0 : i32
    %dma_start3A_28 = tpu.memref_slice %arg3[%add3A_26, %dma_start3A_27] : memref<5120x128xi32, #tpu.memory_space<hbm>> -> memref<16x128xi32, #tpu.memory_space<hbm>>
    %dma_start3A_29 = arith.constant 0 : i32
    %dma_start3A_30 = tpu.memref_slice %arg3[%add3A_26, %dma_start3A_29] : memref<5120x128xi32, #tpu.memory_space<hbm>> -> memref<16x128xi32, #tpu.memory_space<hbm>>
    tpu.enqueue_dma source(%dma_start3A_30 : memref<16x128xi32, #tpu.memory_space<hbm>>) target(%arg8 : memref<16x128xi32, #tpu.memory_space<vmem>>) target_semaphore(%arg18 : memref<!tpu.dma_semaphore, #tpu.memory_space<semaphore_mem>>)
    %add3A_31 = arith.constant 16 : i32
    %add3A_32 = arith.addi %mul3A_13, %add3A_31 : i32
    %dma_start3A_33 = arith.constant 0 : i32
    %dma_start3A_34 = tpu.memref_slice %arg4[%add3A_32, %dma_start3A_33] : memref<2560x128xi32, #tpu.memory_space<hbm>> -> memref<16x128xi32, #tpu.memory_space<hbm>>
    %dma_start3A_35 = arith.constant 0 : i32
    %dma_start3A_36 = tpu.memref_slice %arg4[%add3A_32, %dma_start3A_35] : memref<2560x128xi32, #tpu.memory_space<hbm>> -> memref<16x128xi32, #tpu.memory_space<hbm>>
    tpu.enqueue_dma source(%dma_start3A_36 : memref<16x128xi32, #tpu.memory_space<hbm>>) target(%arg9 : memref<16x128xi32, #tpu.memory_space<vmem>>) target_semaphore(%arg19 : memref<!tpu.dma_semaphore, #tpu.memory_space<semaphore_mem>>)
    %barrier3A = arith.constant 0 : index
    tpu.barrier barrier_id(%barrier3A)
    %scan3A_37 = arith.constant 0 : i32
    %scan3A_38 = arith.constant 5 : i32
    %scan3A_39 = arith.addi %scan3A_37, %scan3A_38 : i32
    %scan3A_40 = arith.constant 1 : i32
    scf.for %scan3A_47 = %scan3A_37 to %scan3A_39 step %scan3A_40  : i32 {
      %mul3A_48 = arith.constant 32 : i32
      %mul3A_49 = arith.muli %scan3A_47, %mul3A_48 : i32
      %add3A_50 = arith.constant 0 : i32
      %add3A_51 = arith.addi %add3A_50, %mul3A_49 : i32
      %dma_wait3A = arith.constant 0 : i32
      %dma_wait3A_52 = tpu.memref_slice %arg3[%mul3A_11, %dma_wait3A] : memref<5120x128xi32, #tpu.memory_space<hbm>> -> memref<16x128xi32, #tpu.memory_space<hbm>>
      %dma_wait3A_53 = arith.constant 0 : i32
      %dma_wait3A_54 = tpu.memref_slice %arg3[%mul3A_11, %dma_wait3A_53] : memref<5120x128xi32, #tpu.memory_space<hbm>> -> memref<16x128xi32, #tpu.memory_space<hbm>>
      tpu.wait_dma2 semaphore(%arg16 : memref<!tpu.dma_semaphore, #tpu.memory_space<semaphore_mem>>) src(%dma_wait3A_54 : memref<16x128xi32, #tpu.memory_space<hbm>>) dst(%arg6 : memref<16x128xi32, #tpu.memory_space<vmem>>)
      %dma_wait3A_55 = arith.constant 0 : i32
      %dma_wait3A_56 = tpu.memref_slice %arg4[%mul3A_13, %dma_wait3A_55] : memref<2560x128xi32, #tpu.memory_space<hbm>> -> memref<16x128xi32, #tpu.memory_space<hbm>>
      %dma_wait3A_57 = arith.constant 0 : i32
      %dma_wait3A_58 = tpu.memref_slice %arg4[%mul3A_13, %dma_wait3A_57] : memref<2560x128xi32, #tpu.memory_space<hbm>> -> memref<16x128xi32, #tpu.memory_space<hbm>>
      tpu.wait_dma2 semaphore(%arg17 : memref<!tpu.dma_semaphore, #tpu.memory_space<semaphore_mem>>) src(%dma_wait3A_58 : memref<16x128xi32, #tpu.memory_space<hbm>>) dst(%arg7 : memref<16x128xi32, #tpu.memory_space<vmem>>)
      %dma_start3A_59 = arith.constant 0 : i32
      %dma_start3A_60 = arith.constant 0 : i32
      %dma_start3A_61 = tpu.memref_slice %arg6[%dma_start3A_59, %dma_start3A_60] : memref<16x128xi32, #tpu.memory_space<vmem>> -> memref<1x128xi32, #tpu.memory_space<vmem>>
      %dma_start3A_62 = tpu.memref_squeeze %dma_start3A_61 : memref<1x128xi32, #tpu.memory_space<vmem>> -> memref<128xi32, #tpu.memory_space<vmem>>
      %dma_start3A_63 = arith.constant 0 : i32
      %dma_start3A_64 = arith.constant 0 : i32
      %dma_start3A_65 = tpu.memref_slice %arg2[%dma_start3A_63, %dma_start3A_64] : memref<20480x128xf32, #tpu.memory_space<hbm>> -> memref<20480x128xf32, #tpu.memory_space<hbm>>
      tpu.enqueue_indirect_dma source(%dma_start3A_65 : memref<20480x128xf32, #tpu.memory_space<hbm>>) target(%arg10 : memref<128x128xf32, #tpu.memory_space<vmem>>) offsets(%dma_start3A_62 : memref<128xi32, #tpu.memory_space<vmem>>) semaphore(%arg12 : memref<!tpu.dma_semaphore, #tpu.memory_space<semaphore_mem>>)
      %dma_start3A_66 = arith.constant 1 : i32
      %dma_start3A_67 = arith.constant 0 : i32
      %dma_start3A_68 = tpu.memref_slice %arg6[%dma_start3A_66, %dma_start3A_67] : memref<16x128xi32, #tpu.memory_space<vmem>> -> memref<1x128xi32, #tpu.memory_space<vmem>>
      %dma_start3A_69 = tpu.memref_squeeze %dma_start3A_68 : memref<1x128xi32, #tpu.memory_space<vmem>> -> memref<128xi32, #tpu.memory_space<vmem>>
      %dma_start3A_70 = arith.constant 0 : i32
      %dma_start3A_71 = arith.constant 0 : i32
      %dma_start3A_72 = tpu.memref_slice %arg2[%dma_start3A_70, %dma_start3A_71] : memref<20480x128xf32, #tpu.memory_space<hbm>> -> memref<20480x128xf32, #tpu.memory_space<hbm>>
      tpu.enqueue_indirect_dma source(%dma_start3A_72 : memref<20480x128xf32, #tpu.memory_space<hbm>>) target(%arg11 : memref<128x128xf32, #tpu.memory_space<vmem>>) offsets(%dma_start3A_69 : memref<128xi32, #tpu.memory_space<vmem>>) semaphore(%arg13 : memref<!tpu.dma_semaphore, #tpu.memory_space<semaphore_mem>>)
      %dma_wait3A_73 = arith.constant 0 : i32
      %dma_wait3A_74 = arith.constant 0 : i32
      %dma_wait3A_75 = tpu.memref_slice %arg6[%dma_wait3A_73, %dma_wait3A_74] : memref<16x128xi32, #tpu.memory_space<vmem>> -> memref<1x128xi32, #tpu.memory_space<vmem>>
      %dma_wait3A_76 = tpu.memref_squeeze %dma_wait3A_75 : memref<1x128xi32, #tpu.memory_space<vmem>> -> memref<128xi32, #tpu.memory_space<vmem>>
      %dma_wait3A_77 = arith.constant 0 : i32
      %dma_wait3A_78 = arith.constant 0 : i32
      %dma_wait3A_79 = tpu.memref_slice %arg2[%dma_wait3A_77, %dma_wait3A_78] : memref<20480x128xf32, #tpu.memory_space<hbm>> -> memref<20480x128xf32, #tpu.memory_space<hbm>>
      tpu.wait_indirect_dma semaphore(%arg12 : memref<!tpu.dma_semaphore, #tpu.memory_space<semaphore_mem>>) src(%dma_wait3A_79 : memref<20480x128xf32, #tpu.memory_space<hbm>>) dst(%arg10 : memref<128x128xf32, #tpu.memory_space<vmem>>)
      %dma_start3A_80 = arith.constant 0 : i32
      %dma_start3A_81 = arith.constant 0 : i32
      %dma_start3A_82 = tpu.memref_slice %arg7[%dma_start3A_80, %dma_start3A_81] : memref<16x128xi32, #tpu.memory_space<vmem>> -> memref<1x128xi32, #tpu.memory_space<vmem>>
      %dma_start3A_83 = tpu.memref_squeeze %dma_start3A_82 : memref<1x128xi32, #tpu.memory_space<vmem>> -> memref<128xi32, #tpu.memory_space<vmem>>
      %dma_start3A_84 = arith.constant 0 : i32
      %dma_start3A_85 = arith.constant 0 : i32
      %dma_start3A_86 = tpu.memref_slice %arg20[%dma_start3A_84, %dma_start3A_85] : memref<10240x128xf32, #tpu.memory_space<vmem_shared>> -> memref<10240x128xf32, #tpu.memory_space<vmem_shared>>
      tpu.enqueue_indirect_dma source(%arg10 : memref<128x128xf32, #tpu.memory_space<vmem>>) target(%dma_start3A_86 : memref<10240x128xf32, #tpu.memory_space<vmem_shared>>) offsets(%dma_start3A_83 : memref<128xi32, #tpu.memory_space<vmem>>) semaphore(%arg14 : memref<!tpu.dma_semaphore, #tpu.memory_space<semaphore_mem>>) {add = true}
      %dma_wait3A_87 = arith.constant 0 : i32
      %dma_wait3A_88 = arith.constant 0 : i32
      %dma_wait3A_89 = tpu.memref_slice %arg7[%dma_wait3A_87, %dma_wait3A_88] : memref<16x128xi32, #tpu.memory_space<vmem>> -> memref<1x128xi32, #tpu.memory_space<vmem>>
      %dma_wait3A_90 = tpu.memref_squeeze %dma_wait3A_89 : memref<1x128xi32, #tpu.memory_space<vmem>> -> memref<128xi32, #tpu.memory_space<vmem>>
      %dma_wait3A_91 = arith.constant 0 : i32
      %dma_wait3A_92 = arith.constant 0 : i32
      %dma_wait3A_93 = tpu.memref_slice %arg20[%dma_wait3A_91, %dma_wait3A_92] : memref<10240x128xf32, #tpu.memory_space<vmem_shared>> -> memref<10240x128xf32, #tpu.memory_space<vmem_shared>>
      tpu.wait_indirect_dma semaphore(%arg14 : memref<!tpu.dma_semaphore, #tpu.memory_space<semaphore_mem>>) src(%arg10 : memref<128x128xf32, #tpu.memory_space<vmem>>) dst(%dma_wait3A_93 : memref<10240x128xf32, #tpu.memory_space<vmem_shared>>)
      %dma_start3A_94 = arith.constant 2 : i32
      %dma_start3A_95 = arith.constant 0 : i32
      %dma_start3A_96 = tpu.memref_slice %arg6[%dma_start3A_94, %dma_start3A_95] : memref<16x128xi32, #tpu.memory_space<vmem>> -> memref<1x128xi32, #tpu.memory_space<vmem>>
      %dma_start3A_97 = tpu.memref_squeeze %dma_start3A_96 : memref<1x128xi32, #tpu.memory_space<vmem>> -> memref<128xi32, #tpu.memory_space<vmem>>
      %dma_start3A_98 = arith.constant 0 : i32
      %dma_start3A_99 = arith.constant 0 : i32
      %dma_start3A_100 = tpu.memref_slice %arg2[%dma_start3A_98, %dma_start3A_99] : memref<20480x128xf32, #tpu.memory_space<hbm>> -> memref<20480x128xf32, #tpu.memory_space<hbm>>
      tpu.enqueue_indirect_dma source(%dma_start3A_100 : memref<20480x128xf32, #tpu.memory_space<hbm>>) target(%arg10 : memref<128x128xf32, #tpu.memory_space<vmem>>) offsets(%dma_start3A_97 : memref<128xi32, #tpu.memory_space<vmem>>) semaphore(%arg12 : memref<!tpu.dma_semaphore, #tpu.memory_space<semaphore_mem>>)
      %dma_wait3A_101 = arith.constant 1 : i32
      %dma_wait3A_102 = arith.constant 0 : i32
      %dma_wait3A_103 = tpu.memref_slice %arg6[%dma_wait3A_101, %dma_wait3A_102] : memref<16x128xi32, #tpu.memory_space<vmem>> -> memref<1x128xi32, #tpu.memory_space<vmem>>
      %dma_wait3A_104 = tpu.memref_squeeze %dma_wait3A_103 : memref<1x128xi32, #tpu.memory_space<vmem>> -> memref<128xi32, #tpu.memory_space<vmem>>
      %dma_wait3A_105 = arith.constant 0 : i32
      %dma_wait3A_106 = arith.constant 0 : i32
      %dma_wait3A_107 = tpu.memref_slice %arg2[%dma_wait3A_105, %dma_wait3A_106] : memref<20480x128xf32, #tpu.memory_space<hbm>> -> memref<20480x128xf32, #tpu.memory_space<hbm>>
      tpu.wait_indirect_dma semaphore(%arg13 : memref<!tpu.dma_semaphore, #tpu.memory_space<semaphore_mem>>) src(%dma_wait3A_107 : memref<20480x128xf32, #tpu.memory_space<hbm>>) dst(%arg11 : memref<128x128xf32, #tpu.memory_space<vmem>>)
      %dma_start3A_108 = arith.constant 1 : i32
      %dma_start3A_109 = arith.constant 0 : i32
      %dma_start3A_110 = tpu.memref_slice %arg7[%dma_start3A_108, %dma_start3A_109] : memref<16x128xi32, #tpu.memory_space<vmem>> -> memref<1x128xi32, #tpu.memory_space<vmem>>
      %dma_start3A_111 = tpu.memref_squeeze %dma_start3A_110 : memref<1x128xi32, #tpu.memory_space<vmem>> -> memref<128xi32, #tpu.memory_space<vmem>>
      %dma_start3A_112 = arith.constant 0 : i32
      %dma_start3A_113 = arith.constant 0 : i32
      %dma_start3A_114 = tpu.memref_slice %arg20[%dma_start3A_112, %dma_start3A_113] : memref<10240x128xf32, #tpu.memory_space<vmem_shared>> -> memref<10240x128xf32, #tpu.memory_space<vmem_shared>>
      tpu.enqueue_indirect_dma source(%arg11 : memref<128x128xf32, #tpu.memory_space<vmem>>) target(%dma_start3A_114 : memref<10240x128xf32, #tpu.memory_space<vmem_shared>>) offsets(%dma_start3A_111 : memref<128xi32, #tpu.memory_space<vmem>>) semaphore(%arg15 : memref<!tpu.dma_semaphore, #tpu.memory_space<semaphore_mem>>) {add = true}
      %dma_wait3A_115 = arith.constant 1 : i32
      %dma_wait3A_116 = arith.constant 0 : i32
      %dma_wait3A_117 = tpu.memref_slice %arg7[%dma_wait3A_115, %dma_wait3A_116] : memref<16x128xi32, #tpu.memory_space<vmem>> -> memref<1x128xi32, #tpu.memory_space<vmem>>
      %dma_wait3A_118 = tpu.memref_squeeze %dma_wait3A_117 : memref<1x128xi32, #tpu.memory_space<vmem>> -> memref<128xi32, #tpu.memory_space<vmem>>
      %dma_wait3A_119 = arith.constant 0 : i32
      %dma_wait3A_120 = arith.constant 0 : i32
      %dma_wait3A_121 = tpu.memref_slice %arg20[%dma_wait3A_119, %dma_wait3A_120] : memref<10240x128xf32, #tpu.memory_space<vmem_shared>> -> memref<10240x128xf32, #tpu.memory_space<vmem_shared>>
      tpu.wait_indirect_dma semaphore(%arg15 : memref<!tpu.dma_semaphore, #tpu.memory_space<semaphore_mem>>) src(%arg11 : memref<128x128xf32, #tpu.memory_space<vmem>>) dst(%dma_wait3A_121 : memref<10240x128xf32, #tpu.memory_space<vmem_shared>>)
      %dma_start3A_122 = arith.constant 3 : i32
      %dma_start3A_123 = arith.constant 0 : i32
      %dma_start3A_124 = tpu.memref_slice %arg6[%dma_start3A_122, %dma_start3A_123] : memref<16x128xi32, #tpu.memory_space<vmem>> -> memref<1x128xi32, #tpu.memory_space<vmem>>
      %dma_start3A_125 = tpu.memref_squeeze %dma_start3A_124 : memref<1x128xi32, #tpu.memory_space<vmem>> -> memref<128xi32, #tpu.memory_space<vmem>>
      %dma_start3A_126 = arith.constant 0 : i32
      %dma_start3A_127 = arith.constant 0 : i32
      %dma_start3A_128 = tpu.memref_slice %arg2[%dma_start3A_126, %dma_start3A_127] : memref<20480x128xf32, #tpu.memory_space<hbm>> -> memref<20480x128xf32, #tpu.memory_space<hbm>>
      tpu.enqueue_indirect_dma source(%dma_start3A_128 : memref<20480x128xf32, #tpu.memory_space<hbm>>) target(%arg11 : memref<128x128xf32, #tpu.memory_space<vmem>>) offsets(%dma_start3A_125 : memref<128xi32, #tpu.memory_space<vmem>>) semaphore(%arg13 : memref<!tpu.dma_semaphore, #tpu.memory_space<semaphore_mem>>)
      %dma_wait3A_129 = arith.constant 2 : i32
      %dma_wait3A_130 = arith.constant 0 : i32
      %dma_wait3A_131 = tpu.memref_slice %arg6[%dma_wait3A_129, %dma_wait3A_130] : memref<16x128xi32, #tpu.memory_space<vmem>> -> memref<1x128xi32, #tpu.memory_space<vmem>>
      %dma_wait3A_132 = tpu.memref_squeeze %dma_wait3A_131 : memref<1x128xi32, #tpu.memory_space<vmem>> -> memref<128xi32, #tpu.memory_space<vmem>>
      %dma_wait3A_133 = arith.constant 0 : i32
      %dma_wait3A_134 = arith.constant 0 : i32
      %dma_wait3A_135 = tpu.memref_slice %arg2[%dma_wait3A_133, %dma_wait3A_134] : memref<20480x128xf32, #tpu.memory_space<hbm>> -> memref<20480x128xf32, #tpu.memory_space<hbm>>
      tpu.wait_indirect_dma semaphore(%arg12 : memref<!tpu.dma_semaphore, #tpu.memory_space<semaphore_mem>>) src(%dma_wait3A_135 : memref<20480x128xf32, #tpu.memory_space<hbm>>) dst(%arg10 : memref<128x128xf32, #tpu.memory_space<vmem>>)
      %dma_start3A_136 = arith.constant 2 : i32
      %dma_start3A_137 = arith.constant 0 : i32
      %dma_start3A_138 = tpu.memref_slice %arg7[%dma_start3A_136, %dma_start3A_137] : memref<16x128xi32, #tpu.memory_space<vmem>> -> memref<1x128xi32, #tpu.memory_space<vmem>>
      %dma_start3A_139 = tpu.memref_squeeze %dma_start3A_138 : memref<1x128xi32, #tpu.memory_space<vmem>> -> memref<128xi32, #tpu.memory_space<vmem>>
      %dma_start3A_140 = arith.constant 0 : i32
      %dma_start3A_141 = arith.constant 0 : i32
      %dma_start3A_142 = tpu.memref_slice %arg20[%dma_start3A_140, %dma_start3A_141] : memref<10240x128xf32, #tpu.memory_space<vmem_shared>> -> memref<10240x128xf32, #tpu.memory_space<vmem_shared>>
      tpu.enqueue_indirect_dma source(%arg10 : memref<128x128xf32, #tpu.memory_space<vmem>>) target(%dma_start3A_142 : memref<10240x128xf32, #tpu.memory_space<vmem_shared>>) offsets(%dma_start3A_139 : memref<128xi32, #tpu.memory_space<vmem>>) semaphore(%arg14 : memref<!tpu.dma_semaphore, #tpu.memory_space<semaphore_mem>>) {add = true}
      %dma_wait3A_143 = arith.constant 2 : i32
      %dma_wait3A_144 = arith.constant 0 : i32
      %dma_wait3A_145 = tpu.memref_slice %arg7[%dma_wait3A_143, %dma_wait3A_144] : memref<16x128xi32, #tpu.memory_space<vmem>> -> memref<1x128xi32, #tpu.memory_space<vmem>>
      %dma_wait3A_146 = tpu.memref_squeeze %dma_wait3A_145 : memref<1x128xi32, #tpu.memory_space<vmem>> -> memref<128xi32, #tpu.memory_space<vmem>>
      %dma_wait3A_147 = arith.constant 0 : i32
      %dma_wait3A_148 = arith.constant 0 : i32
      %dma_wait3A_149 = tpu.memref_slice %arg20[%dma_wait3A_147, %dma_wait3A_148] : memref<10240x128xf32, #tpu.memory_space<vmem_shared>> -> memref<10240x128xf32, #tpu.memory_space<vmem_shared>>
      tpu.wait_indirect_dma semaphore(%arg14 : memref<!tpu.dma_semaphore, #tpu.memory_space<semaphore_mem>>) src(%arg10 : memref<128x128xf32, #tpu.memory_space<vmem>>) dst(%dma_wait3A_149 : memref<10240x128xf32, #tpu.memory_space<vmem_shared>>)
      %dma_start3A_150 = arith.constant 4 : i32
      %dma_start3A_151 = arith.constant 0 : i32
      %dma_start3A_152 = tpu.memref_slice %arg6[%dma_start3A_150, %dma_start3A_151] : memref<16x128xi32, #tpu.memory_space<vmem>> -> memref<1x128xi32, #tpu.memory_space<vmem>>
      %dma_start3A_153 = tpu.memref_squeeze %dma_start3A_152 : memref<1x128xi32, #tpu.memory_space<vmem>> -> memref<128xi32, #tpu.memory_space<vmem>>
      %dma_start3A_154 = arith.constant 0 : i32
      %dma_start3A_155 = arith.constant 0 : i32
      %dma_start3A_156 = tpu.memref_slice %arg2[%dma_start3A_154, %dma_start3A_155] : memref<20480x128xf32, #tpu.memory_space<hbm>> -> memref<20480x128xf32, #tpu.memory_space<hbm>>
      tpu.enqueue_indirect_dma source(%dma_start3A_156 : memref<20480x128xf32, #tpu.memory_space<hbm>>) target(%arg10 : memref<128x128xf32, #tpu.memory_space<vmem>>) offsets(%dma_start3A_153 : memref<128xi32, #tpu.memory_space<vmem>>) semaphore(%arg12 : memref<!tpu.dma_semaphore, #tpu.memory_space<semaphore_mem>>)
      %dma_wait3A_157 = arith.constant 3 : i32
      %dma_wait3A_158 = arith.constant 0 : i32
      %dma_wait3A_159 = tpu.memref_slice %arg6[%dma_wait3A_157, %dma_wait3A_158] : memref<16x128xi32, #tpu.memory_space<vmem>> -> memref<1x128xi32, #tpu.memory_space<vmem>>
      %dma_wait3A_160 = tpu.memref_squeeze %dma_wait3A_159 : memref<1x128xi32, #tpu.memory_space<vmem>> -> memref<128xi32, #tpu.memory_space<vmem>>
      %dma_wait3A_161 = arith.constant 0 : i32
      %dma_wait3A_162 = arith.constant 0 : i32
      %dma_wait3A_163 = tpu.memref_slice %arg2[%dma_wait3A_161, %dma_wait3A_162] : memref<20480x128xf32, #tpu.memory_space<hbm>> -> memref<20480x128xf32, #tpu.memory_space<hbm>>
      tpu.wait_indirect_dma semaphore(%arg13 : memref<!tpu.dma_semaphore, #tpu.memory_space<semaphore_mem>>) src(%dma_wait3A_163 : memref<20480x128xf32, #tpu.memory_space<hbm>>) dst(%arg11 : memref<128x128xf32, #tpu.memory_space<vmem>>)
      %dma_start3A_164 = arith.constant 3 : i32
      %dma_start3A_165 = arith.constant 0 : i32
      %dma_start3A_166 = tpu.memref_slice %arg7[%dma_start3A_164, %dma_start3A_165] : memref<16x128xi32, #tpu.memory_space<vmem>> -> memref<1x128xi32, #tpu.memory_space<vmem>>
      %dma_start3A_167 = tpu.memref_squeeze %dma_start3A_166 : memref<1x128xi32, #tpu.memory_space<vmem>> -> memref<128xi32, #tpu.memory_space<vmem>>
      %dma_start3A_168 = arith.constant 0 : i32
      %dma_start3A_169 = arith.constant 0 : i32
      %dma_start3A_170 = tpu.memref_slice %arg20[%dma_start3A_168, %dma_start3A_169] : memref<10240x128xf32, #tpu.memory_space<vmem_shared>> -> memref<10240x128xf32, #tpu.memory_space<vmem_shared>>
      tpu.enqueue_indirect_dma source(%arg11 : memref<128x128xf32, #tpu.memory_space<vmem>>) target(%dma_start3A_170 : memref<10240x128xf32, #tpu.memory_space<vmem_shared>>) offsets(%dma_start3A_167 : memref<128xi32, #tpu.memory_space<vmem>>) semaphore(%arg15 : memref<!tpu.dma_semaphore, #tpu.memory_space<semaphore_mem>>) {add = true}
      %dma_wait3A_171 = arith.constant 3 : i32
      %dma_wait3A_172 = arith.constant 0 : i32
      %dma_wait3A_173 = tpu.memref_slice %arg7[%dma_wait3A_171, %dma_wait3A_172] : memref<16x128xi32, #tpu.memory_space<vmem>> -> memref<1x128xi32, #tpu.memory_space<vmem>>
      %dma_wait3A_174 = tpu.memref_squeeze %dma_wait3A_173 : memref<1x128xi32, #tpu.memory_space<vmem>> -> memref<128xi32, #tpu.memory_space<vmem>>
      %dma_wait3A_175 = arith.constant 0 : i32
      %dma_wait3A_176 = arith.constant 0 : i32
      %dma_wait3A_177 = tpu.memref_slice %arg20[%dma_wait3A_175, %dma_wait3A_176] : memref<10240x128xf32, #tpu.memory_space<vmem_shared>> -> memref<10240x128xf32, #tpu.memory_space<vmem_shared>>
      tpu.wait_indirect_dma semaphore(%arg15 : memref<!tpu.dma_semaphore, #tpu.memory_space<semaphore_mem>>) src(%arg11 : memref<128x128xf32, #tpu.memory_space<vmem>>) dst(%dma_wait3A_177 : memref<10240x128xf32, #tpu.memory_space<vmem_shared>>)
      %dma_start3A_178 = arith.constant 5 : i32
      %dma_start3A_179 = arith.constant 0 : i32
      %dma_start3A_180 = tpu.memref_slice %arg6[%dma_start3A_178, %dma_start3A_179] : memref<16x128xi32, #tpu.memory_space<vmem>> -> memref<1x128xi32, #tpu.memory_space<vmem>>
      %dma_start3A_181 = tpu.memref_squeeze %dma_start3A_180 : memref<1x128xi32, #tpu.memory_space<vmem>> -> memref<128xi32, #tpu.memory_space<vmem>>
      %dma_start3A_182 = arith.constant 0 : i32
      %dma_start3A_183 = arith.constant 0 : i32
      %dma_start3A_184 = tpu.memref_slice %arg2[%dma_start3A_182, %dma_start3A_183] : memref<20480x128xf32, #tpu.memory_space<hbm>> -> memref<20480x128xf32, #tpu.memory_space<hbm>>
      tpu.enqueue_indirect_dma source(%dma_start3A_184 : memref<20480x128xf32, #tpu.memory_space<hbm>>) target(%arg11 : memref<128x128xf32, #tpu.memory_space<vmem>>) offsets(%dma_start3A_181 : memref<128xi32, #tpu.memory_space<vmem>>) semaphore(%arg13 : memref<!tpu.dma_semaphore, #tpu.memory_space<semaphore_mem>>)
      %dma_wait3A_185 = arith.constant 4 : i32
      %dma_wait3A_186 = arith.constant 0 : i32
      %dma_wait3A_187 = tpu.memref_slice %arg6[%dma_wait3A_185, %dma_wait3A_186] : memref<16x128xi32, #tpu.memory_space<vmem>> -> memref<1x128xi32, #tpu.memory_space<vmem>>
      %dma_wait3A_188 = tpu.memref_squeeze %dma_wait3A_187 : memref<1x128xi32, #tpu.memory_space<vmem>> -> memref<128xi32, #tpu.memory_space<vmem>>
      %dma_wait3A_189 = arith.constant 0 : i32
      %dma_wait3A_190 = arith.constant 0 : i32
      %dma_wait3A_191 = tpu.memref_slice %arg2[%dma_wait3A_189, %dma_wait3A_190] : memref<20480x128xf32, #tpu.memory_space<hbm>> -> memref<20480x128xf32, #tpu.memory_space<hbm>>
      tpu.wait_indirect_dma semaphore(%arg12 : memref<!tpu.dma_semaphore, #tpu.memory_space<semaphore_mem>>) src(%dma_wait3A_191 : memref<20480x128xf32, #tpu.memory_space<hbm>>) dst(%arg10 : memref<128x128xf32, #tpu.memory_space<vmem>>)
      %dma_start3A_192 = arith.constant 4 : i32
      %dma_start3A_193 = arith.constant 0 : i32
      %dma_start3A_194 = tpu.memref_slice %arg7[%dma_start3A_192, %dma_start3A_193] : memref<16x128xi32, #tpu.memory_space<vmem>> -> memref<1x128xi32, #tpu.memory_space<vmem>>
      %dma_start3A_195 = tpu.memref_squeeze %dma_start3A_194 : memref<1x128xi32, #tpu.memory_space<vmem>> -> memref<128xi32, #tpu.memory_space<vmem>>
      %dma_start3A_196 = arith.constant 0 : i32
      %dma_start3A_197 = arith.constant 0 : i32
      %dma_start3A_198 = tpu.memref_slice %arg20[%dma_start3A_196, %dma_start3A_197] : memref<10240x128xf32, #tpu.memory_space<vmem_shared>> -> memref<10240x128xf32, #tpu.memory_space<vmem_shared>>
      tpu.enqueue_indirect_dma source(%arg10 : memref<128x128xf32, #tpu.memory_space<vmem>>) target(%dma_start3A_198 : memref<10240x128xf32, #tpu.memory_space<vmem_shared>>) offsets(%dma_start3A_195 : memref<128xi32, #tpu.memory_space<vmem>>) semaphore(%arg14 : memref<!tpu.dma_semaphore, #tpu.memory_space<semaphore_mem>>) {add = true}
      %dma_wait3A_199 = arith.constant 4 : i32
      %dma_wait3A_200 = arith.constant 0 : i32
      %dma_wait3A_201 = tpu.memref_slice %arg7[%dma_wait3A_199, %dma_wait3A_200] : memref<16x128xi32, #tpu.memory_space<vmem>> -> memref<1x128xi32, #tpu.memory_space<vmem>>
      %dma_wait3A_202 = tpu.memref_squeeze %dma_wait3A_201 : memref<1x128xi32, #tpu.memory_space<vmem>> -> memref<128xi32, #tpu.memory_space<vmem>>
      %dma_wait3A_203 = arith.constant 0 : i32
      %dma_wait3A_204 = arith.constant 0 : i32
      %dma_wait3A_205 = tpu.memref_slice %arg20[%dma_wait3A_203, %dma_wait3A_204] : memref<10240x128xf32, #tpu.memory_space<vmem_shared>> -> memref<10240x128xf32, #tpu.memory_space<vmem_shared>>
      tpu.wait_indirect_dma semaphore(%arg14 : memref<!tpu.dma_semaphore, #tpu.memory_space<semaphore_mem>>) src(%arg10 : memref<128x128xf32, #tpu.memory_space<vmem>>) dst(%dma_wait3A_205 : memref<10240x128xf32, #tpu.memory_space<vmem_shared>>)
      %dma_start3A_206 = arith.constant 6 : i32
      %dma_start3A_207 = arith.constant 0 : i32
      %dma_start3A_208 = tpu.memref_slice %arg6[%dma_start3A_206, %dma_start3A_207] : memref<16x128xi32, #tpu.memory_space<vmem>> -> memref<1x128xi32, #tpu.memory_space<vmem>>
      %dma_start3A_209 = tpu.memref_squeeze %dma_start3A_208 : memref<1x128xi32, #tpu.memory_space<vmem>> -> memref<128xi32, #tpu.memory_space<vmem>>
      %dma_start3A_210 = arith.constant 0 : i32
      %dma_start3A_211 = arith.constant 0 : i32
      %dma_start3A_212 = tpu.memref_slice %arg2[%dma_start3A_210, %dma_start3A_211] : memref<20480x128xf32, #tpu.memory_space<hbm>> -> memref<20480x128xf32, #tpu.memory_space<hbm>>
      tpu.enqueue_indirect_dma source(%dma_start3A_212 : memref<20480x128xf32, #tpu.memory_space<hbm>>) target(%arg10 : memref<128x128xf32, #tpu.memory_space<vmem>>) offsets(%dma_start3A_209 : memref<128xi32, #tpu.memory_space<vmem>>) semaphore(%arg12 : memref<!tpu.dma_semaphore, #tpu.memory_space<semaphore_mem>>)
      %dma_wait3A_213 = arith.constant 5 : i32
      %dma_wait3A_214 = arith.constant 0 : i32
      %dma_wait3A_215 = tpu.memref_slice %arg6[%dma_wait3A_213, %dma_wait3A_214] : memref<16x128xi32, #tpu.memory_space<vmem>> -> memref<1x128xi32, #tpu.memory_space<vmem>>
      %dma_wait3A_216 = tpu.memref_squeeze %dma_wait3A_215 : memref<1x128xi32, #tpu.memory_space<vmem>> -> memref<128xi32, #tpu.memory_space<vmem>>
      %dma_wait3A_217 = arith.constant 0 : i32
      %dma_wait3A_218 = arith.constant 0 : i32
      %dma_wait3A_219 = tpu.memref_slice %arg2[%dma_wait3A_217, %dma_wait3A_218] : memref<20480x128xf32, #tpu.memory_space<hbm>> -> memref<20480x128xf32, #tpu.memory_space<hbm>>
      tpu.wait_indirect_dma semaphore(%arg13 : memref<!tpu.dma_semaphore, #tpu.memory_space<semaphore_mem>>) src(%dma_wait3A_219 : memref<20480x128xf32, #tpu.memory_space<hbm>>) dst(%arg11 : memref<128x128xf32, #tpu.memory_space<vmem>>)
      %dma_start3A_220 = arith.constant 5 : i32
      %dma_start3A_221 = arith.constant 0 : i32
      %dma_start3A_222 = tpu.memref_slice %arg7[%dma_start3A_220, %dma_start3A_221] : memref<16x128xi32, #tpu.memory_space<vmem>> -> memref<1x128xi32, #tpu.memory_space<vmem>>
      %dma_start3A_223 = tpu.memref_squeeze %dma_start3A_222 : memref<1x128xi32, #tpu.memory_space<vmem>> -> memref<128xi32, #tpu.memory_space<vmem>>
      %dma_start3A_224 = arith.constant 0 : i32
      %dma_start3A_225 = arith.constant 0 : i32
      %dma_start3A_226 = tpu.memref_slice %arg20[%dma_start3A_224, %dma_start3A_225] : memref<10240x128xf32, #tpu.memory_space<vmem_shared>> -> memref<10240x128xf32, #tpu.memory_space<vmem_shared>>
      tpu.enqueue_indirect_dma source(%arg11 : memref<128x128xf32, #tpu.memory_space<vmem>>) target(%dma_start3A_226 : memref<10240x128xf32, #tpu.memory_space<vmem_shared>>) offsets(%dma_start3A_223 : memref<128xi32, #tpu.memory_space<vmem>>) semaphore(%arg15 : memref<!tpu.dma_semaphore, #tpu.memory_space<semaphore_mem>>) {add = true}
      %dma_wait3A_227 = arith.constant 5 : i32
      %dma_wait3A_228 = arith.constant 0 : i32
      %dma_wait3A_229 = tpu.memref_slice %arg7[%dma_wait3A_227, %dma_wait3A_228] : memref<16x128xi32, #tpu.memory_space<vmem>> -> memref<1x128xi32, #tpu.memory_space<vmem>>
      %dma_wait3A_230 = tpu.memref_squeeze %dma_wait3A_229 : memref<1x128xi32, #tpu.memory_space<vmem>> -> memref<128xi32, #tpu.memory_space<vmem>>
      %dma_wait3A_231 = arith.constant 0 : i32
      %dma_wait3A_232 = arith.constant 0 : i32
      %dma_wait3A_233 = tpu.memref_slice %arg20[%dma_wait3A_231, %dma_wait3A_232] : memref<10240x128xf32, #tpu.memory_space<vmem_shared>> -> memref<10240x128xf32, #tpu.memory_space<vmem_shared>>
      tpu.wait_indirect_dma semaphore(%arg15 : memref<!tpu.dma_semaphore, #tpu.memory_space<semaphore_mem>>) src(%arg11 : memref<128x128xf32, #tpu.memory_space<vmem>>) dst(%dma_wait3A_233 : memref<10240x128xf32, #tpu.memory_space<vmem_shared>>)
      %dma_start3A_234 = arith.constant 7 : i32
      %dma_start3A_235 = arith.constant 0 : i32
      %dma_start3A_236 = tpu.memref_slice %arg6[%dma_start3A_234, %dma_start3A_235] : memref<16x128xi32, #tpu.memory_space<vmem>> -> memref<1x128xi32, #tpu.memory_space<vmem>>
      %dma_start3A_237 = tpu.memref_squeeze %dma_start3A_236 : memref<1x128xi32, #tpu.memory_space<vmem>> -> memref<128xi32, #tpu.memory_space<vmem>>
      %dma_start3A_238 = arith.constant 0 : i32
      %dma_start3A_239 = arith.constant 0 : i32
      %dma_start3A_240 = tpu.memref_slice %arg2[%dma_start3A_238, %dma_start3A_239] : memref<20480x128xf32, #tpu.memory_space<hbm>> -> memref<20480x128xf32, #tpu.memory_space<hbm>>
      tpu.enqueue_indirect_dma source(%dma_start3A_240 : memref<20480x128xf32, #tpu.memory_space<hbm>>) target(%arg11 : memref<128x128xf32, #tpu.memory_space<vmem>>) offsets(%dma_start3A_237 : memref<128xi32, #tpu.memory_space<vmem>>) semaphore(%arg13 : memref<!tpu.dma_semaphore, #tpu.memory_space<semaphore_mem>>)
      %dma_wait3A_241 = arith.constant 6 : i32
      %dma_wait3A_242 = arith.constant 0 : i32
      %dma_wait3A_243 = tpu.memref_slice %arg6[%dma_wait3A_241, %dma_wait3A_242] : memref<16x128xi32, #tpu.memory_space<vmem>> -> memref<1x128xi32, #tpu.memory_space<vmem>>
      %dma_wait3A_244 = tpu.memref_squeeze %dma_wait3A_243 : memref<1x128xi32, #tpu.memory_space<vmem>> -> memref<128xi32, #tpu.memory_space<vmem>>
      %dma_wait3A_245 = arith.constant 0 : i32
      %dma_wait3A_246 = arith.constant 0 : i32
      %dma_wait3A_247 = tpu.memref_slice %arg2[%dma_wait3A_245, %dma_wait3A_246] : memref<20480x128xf32, #tpu.memory_space<hbm>> -> memref<20480x128xf32, #tpu.memory_space<hbm>>
      tpu.wait_indirect_dma semaphore(%arg12 : memref<!tpu.dma_semaphore, #tpu.memory_space<semaphore_mem>>) src(%dma_wait3A_247 : memref<20480x128xf32, #tpu.memory_space<hbm>>) dst(%arg10 : memref<128x128xf32, #tpu.memory_space<vmem>>)
      %dma_start3A_248 = arith.constant 6 : i32
      %dma_start3A_249 = arith.constant 0 : i32
      %dma_start3A_250 = tpu.memref_slice %arg7[%dma_start3A_248, %dma_start3A_249] : memref<16x128xi32, #tpu.memory_space<vmem>> -> memref<1x128xi32, #tpu.memory_space<vmem>>
      %dma_start3A_251 = tpu.memref_squeeze %dma_start3A_250 : memref<1x128xi32, #tpu.memory_space<vmem>> -> memref<128xi32, #tpu.memory_space<vmem>>
      %dma_start3A_252 = arith.constant 0 : i32
      %dma_start3A_253 = arith.constant 0 : i32
      %dma_start3A_254 = tpu.memref_slice %arg20[%dma_start3A_252, %dma_start3A_253] : memref<10240x128xf32, #tpu.memory_space<vmem_shared>> -> memref<10240x128xf32, #tpu.memory_space<vmem_shared>>
      tpu.enqueue_indirect_dma source(%arg10 : memref<128x128xf32, #tpu.memory_space<vmem>>) target(%dma_start3A_254 : memref<10240x128xf32, #tpu.memory_space<vmem_shared>>) offsets(%dma_start3A_251 : memref<128xi32, #tpu.memory_space<vmem>>) semaphore(%arg14 : memref<!tpu.dma_semaphore, #tpu.memory_space<semaphore_mem>>) {add = true}
      %dma_wait3A_255 = arith.constant 6 : i32
      %dma_wait3A_256 = arith.constant 0 : i32
      %dma_wait3A_257 = tpu.memref_slice %arg7[%dma_wait3A_255, %dma_wait3A_256] : memref<16x128xi32, #tpu.memory_space<vmem>> -> memref<1x128xi32, #tpu.memory_space<vmem>>
      %dma_wait3A_258 = tpu.memref_squeeze %dma_wait3A_257 : memref<1x128xi32, #tpu.memory_space<vmem>> -> memref<128xi32, #tpu.memory_space<vmem>>
      %dma_wait3A_259 = arith.constant 0 : i32
      %dma_wait3A_260 = arith.constant 0 : i32
      %dma_wait3A_261 = tpu.memref_slice %arg20[%dma_wait3A_259, %dma_wait3A_260] : memref<10240x128xf32, #tpu.memory_space<vmem_shared>> -> memref<10240x128xf32, #tpu.memory_space<vmem_shared>>
      tpu.wait_indirect_dma semaphore(%arg14 : memref<!tpu.dma_semaphore, #tpu.memory_space<semaphore_mem>>) src(%arg10 : memref<128x128xf32, #tpu.memory_space<vmem>>) dst(%dma_wait3A_261 : memref<10240x128xf32, #tpu.memory_space<vmem_shared>>)
      %dma_start3A_262 = arith.constant 8 : i32
      %dma_start3A_263 = arith.constant 0 : i32
      %dma_start3A_264 = tpu.memref_slice %arg6[%dma_start3A_262, %dma_start3A_263] : memref<16x128xi32, #tpu.memory_space<vmem>> -> memref<1x128xi32, #tpu.memory_space<vmem>>
      %dma_start3A_265 = tpu.memref_squeeze %dma_start3A_264 : memref<1x128xi32, #tpu.memory_space<vmem>> -> memref<128xi32, #tpu.memory_space<vmem>>
      %dma_start3A_266 = arith.constant 0 : i32
      %dma_start3A_267 = arith.constant 0 : i32
      %dma_start3A_268 = tpu.memref_slice %arg2[%dma_start3A_266, %dma_start3A_267] : memref<20480x128xf32, #tpu.memory_space<hbm>> -> memref<20480x128xf32, #tpu.memory_space<hbm>>
      tpu.enqueue_indirect_dma source(%dma_start3A_268 : memref<20480x128xf32, #tpu.memory_space<hbm>>) target(%arg10 : memref<128x128xf32, #tpu.memory_space<vmem>>) offsets(%dma_start3A_265 : memref<128xi32, #tpu.memory_space<vmem>>) semaphore(%arg12 : memref<!tpu.dma_semaphore, #tpu.memory_space<semaphore_mem>>)
      %dma_wait3A_269 = arith.constant 7 : i32
      %dma_wait3A_270 = arith.constant 0 : i32
      %dma_wait3A_271 = tpu.memref_slice %arg6[%dma_wait3A_269, %dma_wait3A_270] : memref<16x128xi32, #tpu.memory_space<vmem>> -> memref<1x128xi32, #tpu.memory_space<vmem>>
      %dma_wait3A_272 = tpu.memref_squeeze %dma_wait3A_271 : memref<1x128xi32, #tpu.memory_space<vmem>> -> memref<128xi32, #tpu.memory_space<vmem>>
      %dma_wait3A_273 = arith.constant 0 : i32
      %dma_wait3A_274 = arith.constant 0 : i32
      %dma_wait3A_275 = tpu.memref_slice %arg2[%dma_wait3A_273, %dma_wait3A_274] : memref<20480x128xf32, #tpu.memory_space<hbm>> -> memref<20480x128xf32, #tpu.memory_space<hbm>>
      tpu.wait_indirect_dma semaphore(%arg13 : memref<!tpu.dma_semaphore, #tpu.memory_space<semaphore_mem>>) src(%dma_wait3A_275 : memref<20480x128xf32, #tpu.memory_space<hbm>>) dst(%arg11 : memref<128x128xf32, #tpu.memory_space<vmem>>)
      %dma_start3A_276 = arith.constant 7 : i32
      %dma_start3A_277 = arith.constant 0 : i32
      %dma_start3A_278 = tpu.memref_slice %arg7[%dma_start3A_276, %dma_start3A_277] : memref<16x128xi32, #tpu.memory_space<vmem>> -> memref<1x128xi32, #tpu.memory_space<vmem>>
      %dma_start3A_279 = tpu.memref_squeeze %dma_start3A_278 : memref<1x128xi32, #tpu.memory_space<vmem>> -> memref<128xi32, #tpu.memory_space<vmem>>
      %dma_start3A_280 = arith.constant 0 : i32
      %dma_start3A_281 = arith.constant 0 : i32
      %dma_start3A_282 = tpu.memref_slice %arg20[%dma_start3A_280, %dma_start3A_281] : memref<10240x128xf32, #tpu.memory_space<vmem_shared>> -> memref<10240x128xf32, #tpu.memory_space<vmem_shared>>
      tpu.enqueue_indirect_dma source(%arg11 : memref<128x128xf32, #tpu.memory_space<vmem>>) target(%dma_start3A_282 : memref<10240x128xf32, #tpu.memory_space<vmem_shared>>) offsets(%dma_start3A_279 : memref<128xi32, #tpu.memory_space<vmem>>) semaphore(%arg15 : memref<!tpu.dma_semaphore, #tpu.memory_space<semaphore_mem>>) {add = true}
      %dma_wait3A_283 = arith.constant 7 : i32
      %dma_wait3A_284 = arith.constant 0 : i32
      %dma_wait3A_285 = tpu.memref_slice %arg7[%dma_wait3A_283, %dma_wait3A_284] : memref<16x128xi32, #tpu.memory_space<vmem>> -> memref<1x128xi32, #tpu.memory_space<vmem>>
      %dma_wait3A_286 = tpu.memref_squeeze %dma_wait3A_285 : memref<1x128xi32, #tpu.memory_space<vmem>> -> memref<128xi32, #tpu.memory_space<vmem>>
      %dma_wait3A_287 = arith.constant 0 : i32
      %dma_wait3A_288 = arith.constant 0 : i32
      %dma_wait3A_289 = tpu.memref_slice %arg20[%dma_wait3A_287, %dma_wait3A_288] : memref<10240x128xf32, #tpu.memory_space<vmem_shared>> -> memref<10240x128xf32, #tpu.memory_space<vmem_shared>>
      tpu.wait_indirect_dma semaphore(%arg15 : memref<!tpu.dma_semaphore, #tpu.memory_space<semaphore_mem>>) src(%arg11 : memref<128x128xf32, #tpu.memory_space<vmem>>) dst(%dma_wait3A_289 : memref<10240x128xf32, #tpu.memory_space<vmem_shared>>)
      %dma_start3A_290 = arith.constant 9 : i32
      %dma_start3A_291 = arith.constant 0 : i32
      %dma_start3A_292 = tpu.memref_slice %arg6[%dma_start3A_290, %dma_start3A_291] : memref<16x128xi32, #tpu.memory_space<vmem>> -> memref<1x128xi32, #tpu.memory_space<vmem>>
      %dma_start3A_293 = tpu.memref_squeeze %dma_start3A_292 : memref<1x128xi32, #tpu.memory_space<vmem>> -> memref<128xi32, #tpu.memory_space<vmem>>
      %dma_start3A_294 = arith.constant 0 : i32
      %dma_start3A_295 = arith.constant 0 : i32
      %dma_start3A_296 = tpu.memref_slice %arg2[%dma_start3A_294, %dma_start3A_295] : memref<20480x128xf32, #tpu.memory_space<hbm>> -> memref<20480x128xf32, #tpu.memory_space<hbm>>
      tpu.enqueue_indirect_dma source(%dma_start3A_296 : memref<20480x128xf32, #tpu.memory_space<hbm>>) target(%arg11 : memref<128x128xf32, #tpu.memory_space<vmem>>) offsets(%dma_start3A_293 : memref<128xi32, #tpu.memory_space<vmem>>) semaphore(%arg13 : memref<!tpu.dma_semaphore, #tpu.memory_space<semaphore_mem>>)
      %dma_wait3A_297 = arith.constant 8 : i32
      %dma_wait3A_298 = arith.constant 0 : i32
      %dma_wait3A_299 = tpu.memref_slice %arg6[%dma_wait3A_297, %dma_wait3A_298] : memref<16x128xi32, #tpu.memory_space<vmem>> -> memref<1x128xi32, #tpu.memory_space<vmem>>
      %dma_wait3A_300 = tpu.memref_squeeze %dma_wait3A_299 : memref<1x128xi32, #tpu.memory_space<vmem>> -> memref<128xi32, #tpu.memory_space<vmem>>
      %dma_wait3A_301 = arith.constant 0 : i32
      %dma_wait3A_302 = arith.constant 0 : i32
      %dma_wait3A_303 = tpu.memref_slice %arg2[%dma_wait3A_301, %dma_wait3A_302] : memref<20480x128xf32, #tpu.memory_space<hbm>> -> memref<20480x128xf32, #tpu.memory_space<hbm>>
      tpu.wait_indirect_dma semaphore(%arg12 : memref<!tpu.dma_semaphore, #tpu.memory_space<semaphore_mem>>) src(%dma_wait3A_303 : memref<20480x128xf32, #tpu.memory_space<hbm>>) dst(%arg10 : memref<128x128xf32, #tpu.memory_space<vmem>>)
      %dma_start3A_304 = arith.constant 8 : i32
      %dma_start3A_305 = arith.constant 0 : i32
      %dma_start3A_306 = tpu.memref_slice %arg7[%dma_start3A_304, %dma_start3A_305] : memref<16x128xi32, #tpu.memory_space<vmem>> -> memref<1x128xi32, #tpu.memory_space<vmem>>
      %dma_start3A_307 = tpu.memref_squeeze %dma_start3A_306 : memref<1x128xi32, #tpu.memory_space<vmem>> -> memref<128xi32, #tpu.memory_space<vmem>>
      %dma_start3A_308 = arith.constant 0 : i32
      %dma_start3A_309 = arith.constant 0 : i32
      %dma_start3A_310 = tpu.memref_slice %arg20[%dma_start3A_308, %dma_start3A_309] : memref<10240x128xf32, #tpu.memory_space<vmem_shared>> -> memref<10240x128xf32, #tpu.memory_space<vmem_shared>>
      tpu.enqueue_indirect_dma source(%arg10 : memref<128x128xf32, #tpu.memory_space<vmem>>) target(%dma_start3A_310 : memref<10240x128xf32, #tpu.memory_space<vmem_shared>>) offsets(%dma_start3A_307 : memref<128xi32, #tpu.memory_space<vmem>>) semaphore(%arg14 : memref<!tpu.dma_semaphore, #tpu.memory_space<semaphore_mem>>) {add = true}
      %dma_wait3A_311 = arith.constant 8 : i32
      %dma_wait3A_312 = arith.constant 0 : i32
      %dma_wait3A_313 = tpu.memref_slice %arg7[%dma_wait3A_311, %dma_wait3A_312] : memref<16x128xi32, #tpu.memory_space<vmem>> -> memref<1x128xi32, #tpu.memory_space<vmem>>
      %dma_wait3A_314 = tpu.memref_squeeze %dma_wait3A_313 : memref<1x128xi32, #tpu.memory_space<vmem>> -> memref<128xi32, #tpu.memory_space<vmem>>
      %dma_wait3A_315 = arith.constant 0 : i32
      %dma_wait3A_316 = arith.constant 0 : i32
      %dma_wait3A_317 = tpu.memref_slice %arg20[%dma_wait3A_315, %dma_wait3A_316] : memref<10240x128xf32, #tpu.memory_space<vmem_shared>> -> memref<10240x128xf32, #tpu.memory_space<vmem_shared>>
      tpu.wait_indirect_dma semaphore(%arg14 : memref<!tpu.dma_semaphore, #tpu.memory_space<semaphore_mem>>) src(%arg10 : memref<128x128xf32, #tpu.memory_space<vmem>>) dst(%dma_wait3A_317 : memref<10240x128xf32, #tpu.memory_space<vmem_shared>>)
      %dma_start3A_318 = arith.constant 10 : i32
      %dma_start3A_319 = arith.constant 0 : i32
      %dma_start3A_320 = tpu.memref_slice %arg6[%dma_start3A_318, %dma_start3A_319] : memref<16x128xi32, #tpu.memory_space<vmem>> -> memref<1x128xi32, #tpu.memory_space<vmem>>
      %dma_start3A_321 = tpu.memref_squeeze %dma_start3A_320 : memref<1x128xi32, #tpu.memory_space<vmem>> -> memref<128xi32, #tpu.memory_space<vmem>>
      %dma_start3A_322 = arith.constant 0 : i32
      %dma_start3A_323 = arith.constant 0 : i32
      %dma_start3A_324 = tpu.memref_slice %arg2[%dma_start3A_322, %dma_start3A_323] : memref<20480x128xf32, #tpu.memory_space<hbm>> -> memref<20480x128xf32, #tpu.memory_space<hbm>>
      tpu.enqueue_indirect_dma source(%dma_start3A_324 : memref<20480x128xf32, #tpu.memory_space<hbm>>) target(%arg10 : memref<128x128xf32, #tpu.memory_space<vmem>>) offsets(%dma_start3A_321 : memref<128xi32, #tpu.memory_space<vmem>>) semaphore(%arg12 : memref<!tpu.dma_semaphore, #tpu.memory_space<semaphore_mem>>)
      %dma_wait3A_325 = arith.constant 9 : i32
      %dma_wait3A_326 = arith.constant 0 : i32
      %dma_wait3A_327 = tpu.memref_slice %arg6[%dma_wait3A_325, %dma_wait3A_326] : memref<16x128xi32, #tpu.memory_space<vmem>> -> memref<1x128xi32, #tpu.memory_space<vmem>>
      %dma_wait3A_328 = tpu.memref_squeeze %dma_wait3A_327 : memref<1x128xi32, #tpu.memory_space<vmem>> -> memref<128xi32, #tpu.memory_space<vmem>>
      %dma_wait3A_329 = arith.constant 0 : i32
      %dma_wait3A_330 = arith.constant 0 : i32
      %dma_wait3A_331 = tpu.memref_slice %arg2[%dma_wait3A_329, %dma_wait3A_330] : memref<20480x128xf32, #tpu.memory_space<hbm>> -> memref<20480x128xf32, #tpu.memory_space<hbm>>
      tpu.wait_indirect_dma semaphore(%arg13 : memref<!tpu.dma_semaphore, #tpu.memory_space<semaphore_mem>>) src(%dma_wait3A_331 : memref<20480x128xf32, #tpu.memory_space<hbm>>) dst(%arg11 : memref<128x128xf32, #tpu.memory_space<vmem>>)
      %dma_start3A_332 = arith.constant 9 : i32
      %dma_start3A_333 = arith.constant 0 : i32
      %dma_start3A_334 = tpu.memref_slice %arg7[%dma_start3A_332, %dma_start3A_333] : memref<16x128xi32, #tpu.memory_space<vmem>> -> memref<1x128xi32, #tpu.memory_space<vmem>>
      %dma_start3A_335 = tpu.memref_squeeze %dma_start3A_334 : memref<1x128xi32, #tpu.memory_space<vmem>> -> memref<128xi32, #tpu.memory_space<vmem>>
      %dma_start3A_336 = arith.constant 0 : i32
      %dma_start3A_337 = arith.constant 0 : i32
      %dma_start3A_338 = tpu.memref_slice %arg20[%dma_start3A_336, %dma_start3A_337] : memref<10240x128xf32, #tpu.memory_space<vmem_shared>> -> memref<10240x128xf32, #tpu.memory_space<vmem_shared>>
      tpu.enqueue_indirect_dma source(%arg11 : memref<128x128xf32, #tpu.memory_space<vmem>>) target(%dma_start3A_338 : memref<10240x128xf32, #tpu.memory_space<vmem_shared>>) offsets(%dma_start3A_335 : memref<128xi32, #tpu.memory_space<vmem>>) semaphore(%arg15 : memref<!tpu.dma_semaphore, #tpu.memory_space<semaphore_mem>>) {add = true}
      %dma_wait3A_339 = arith.constant 9 : i32
      %dma_wait3A_340 = arith.constant 0 : i32
      %dma_wait3A_341 = tpu.memref_slice %arg7[%dma_wait3A_339, %dma_wait3A_340] : memref<16x128xi32, #tpu.memory_space<vmem>> -> memref<1x128xi32, #tpu.memory_space<vmem>>
      %dma_wait3A_342 = tpu.memref_squeeze %dma_wait3A_341 : memref<1x128xi32, #tpu.memory_space<vmem>> -> memref<128xi32, #tpu.memory_space<vmem>>
      %dma_wait3A_343 = arith.constant 0 : i32
      %dma_wait3A_344 = arith.constant 0 : i32
      %dma_wait3A_345 = tpu.memref_slice %arg20[%dma_wait3A_343, %dma_wait3A_344] : memref<10240x128xf32, #tpu.memory_space<vmem_shared>> -> memref<10240x128xf32, #tpu.memory_space<vmem_shared>>
      tpu.wait_indirect_dma semaphore(%arg15 : memref<!tpu.dma_semaphore, #tpu.memory_space<semaphore_mem>>) src(%arg11 : memref<128x128xf32, #tpu.memory_space<vmem>>) dst(%dma_wait3A_345 : memref<10240x128xf32, #tpu.memory_space<vmem_shared>>)
      %dma_start3A_346 = arith.constant 11 : i32
      %dma_start3A_347 = arith.constant 0 : i32
      %dma_start3A_348 = tpu.memref_slice %arg6[%dma_start3A_346, %dma_start3A_347] : memref<16x128xi32, #tpu.memory_space<vmem>> -> memref<1x128xi32, #tpu.memory_space<vmem>>
      %dma_start3A_349 = tpu.memref_squeeze %dma_start3A_348 : memref<1x128xi32, #tpu.memory_space<vmem>> -> memref<128xi32, #tpu.memory_space<vmem>>
      %dma_start3A_350 = arith.constant 0 : i32
      %dma_start3A_351 = arith.constant 0 : i32
      %dma_start3A_352 = tpu.memref_slice %arg2[%dma_start3A_350, %dma_start3A_351] : memref<20480x128xf32, #tpu.memory_space<hbm>> -> memref<20480x128xf32, #tpu.memory_space<hbm>>
      tpu.enqueue_indirect_dma source(%dma_start3A_352 : memref<20480x128xf32, #tpu.memory_space<hbm>>) target(%arg11 : memref<128x128xf32, #tpu.memory_space<vmem>>) offsets(%dma_start3A_349 : memref<128xi32, #tpu.memory_space<vmem>>) semaphore(%arg13 : memref<!tpu.dma_semaphore, #tpu.memory_space<semaphore_mem>>)
      %dma_wait3A_353 = arith.constant 10 : i32
      %dma_wait3A_354 = arith.constant 0 : i32
      %dma_wait3A_355 = tpu.memref_slice %arg6[%dma_wait3A_353, %dma_wait3A_354] : memref<16x128xi32, #tpu.memory_space<vmem>> -> memref<1x128xi32, #tpu.memory_space<vmem>>
      %dma_wait3A_356 = tpu.memref_squeeze %dma_wait3A_355 : memref<1x128xi32, #tpu.memory_space<vmem>> -> memref<128xi32, #tpu.memory_space<vmem>>
      %dma_wait3A_357 = arith.constant 0 : i32
      %dma_wait3A_358 = arith.constant 0 : i32
      %dma_wait3A_359 = tpu.memref_slice %arg2[%dma_wait3A_357, %dma_wait3A_358] : memref<20480x128xf32, #tpu.memory_space<hbm>> -> memref<20480x128xf32, #tpu.memory_space<hbm>>
      tpu.wait_indirect_dma semaphore(%arg12 : memref<!tpu.dma_semaphore, #tpu.memory_space<semaphore_mem>>) src(%dma_wait3A_359 : memref<20480x128xf32, #tpu.memory_space<hbm>>) dst(%arg10 : memref<128x128xf32, #tpu.memory_space<vmem>>)
      %dma_start3A_360 = arith.constant 10 : i32
      %dma_start3A_361 = arith.constant 0 : i32
      %dma_start3A_362 = tpu.memref_slice %arg7[%dma_start3A_360, %dma_start3A_361] : memref<16x128xi32, #tpu.memory_space<vmem>> -> memref<1x128xi32, #tpu.memory_space<vmem>>
      %dma_start3A_363 = tpu.memref_squeeze %dma_start3A_362 : memref<1x128xi32, #tpu.memory_space<vmem>> -> memref<128xi32, #tpu.memory_space<vmem>>
      %dma_start3A_364 = arith.constant 0 : i32
      %dma_start3A_365 = arith.constant 0 : i32
      %dma_start3A_366 = tpu.memref_slice %arg20[%dma_start3A_364, %dma_start3A_365] : memref<10240x128xf32, #tpu.memory_space<vmem_shared>> -> memref<10240x128xf32, #tpu.memory_space<vmem_shared>>
      tpu.enqueue_indirect_dma source(%arg10 : memref<128x128xf32, #tpu.memory_space<vmem>>) target(%dma_start3A_366 : memref<10240x128xf32, #tpu.memory_space<vmem_shared>>) offsets(%dma_start3A_363 : memref<128xi32, #tpu.memory_space<vmem>>) semaphore(%arg14 : memref<!tpu.dma_semaphore, #tpu.memory_space<semaphore_mem>>) {add = true}
      %dma_wait3A_367 = arith.constant 10 : i32
      %dma_wait3A_368 = arith.constant 0 : i32
      %dma_wait3A_369 = tpu.memref_slice %arg7[%dma_wait3A_367, %dma_wait3A_368] : memref<16x128xi32, #tpu.memory_space<vmem>> -> memref<1x128xi32, #tpu.memory_space<vmem>>
      %dma_wait3A_370 = tpu.memref_squeeze %dma_wait3A_369 : memref<1x128xi32, #tpu.memory_space<vmem>> -> memref<128xi32, #tpu.memory_space<vmem>>
      %dma_wait3A_371 = arith.constant 0 : i32
      %dma_wait3A_372 = arith.constant 0 : i32
      %dma_wait3A_373 = tpu.memref_slice %arg20[%dma_wait3A_371, %dma_wait3A_372] : memref<10240x128xf32, #tpu.memory_space<vmem_shared>> -> memref<10240x128xf32, #tpu.memory_space<vmem_shared>>
      tpu.wait_indirect_dma semaphore(%arg14 : memref<!tpu.dma_semaphore, #tpu.memory_space<semaphore_mem>>) src(%arg10 : memref<128x128xf32, #tpu.memory_space<vmem>>) dst(%dma_wait3A_373 : memref<10240x128xf32, #tpu.memory_space<vmem_shared>>)
      %dma_start3A_374 = arith.constant 12 : i32
      %dma_start3A_375 = arith.constant 0 : i32
      %dma_start3A_376 = tpu.memref_slice %arg6[%dma_start3A_374, %dma_start3A_375] : memref<16x128xi32, #tpu.memory_space<vmem>> -> memref<1x128xi32, #tpu.memory_space<vmem>>
      %dma_start3A_377 = tpu.memref_squeeze %dma_start3A_376 : memref<1x128xi32, #tpu.memory_space<vmem>> -> memref<128xi32, #tpu.memory_space<vmem>>
      %dma_start3A_378 = arith.constant 0 : i32
      %dma_start3A_379 = arith.constant 0 : i32
      %dma_start3A_380 = tpu.memref_slice %arg2[%dma_start3A_378, %dma_start3A_379] : memref<20480x128xf32, #tpu.memory_space<hbm>> -> memref<20480x128xf32, #tpu.memory_space<hbm>>
      tpu.enqueue_indirect_dma source(%dma_start3A_380 : memref<20480x128xf32, #tpu.memory_space<hbm>>) target(%arg10 : memref<128x128xf32, #tpu.memory_space<vmem>>) offsets(%dma_start3A_377 : memref<128xi32, #tpu.memory_space<vmem>>) semaphore(%arg12 : memref<!tpu.dma_semaphore, #tpu.memory_space<semaphore_mem>>)
      %dma_wait3A_381 = arith.constant 11 : i32
      %dma_wait3A_382 = arith.constant 0 : i32
      %dma_wait3A_383 = tpu.memref_slice %arg6[%dma_wait3A_381, %dma_wait3A_382] : memref<16x128xi32, #tpu.memory_space<vmem>> -> memref<1x128xi32, #tpu.memory_space<vmem>>
      %dma_wait3A_384 = tpu.memref_squeeze %dma_wait3A_383 : memref<1x128xi32, #tpu.memory_space<vmem>> -> memref<128xi32, #tpu.memory_space<vmem>>
      %dma_wait3A_385 = arith.constant 0 : i32
      %dma_wait3A_386 = arith.constant 0 : i32
      %dma_wait3A_387 = tpu.memref_slice %arg2[%dma_wait3A_385, %dma_wait3A_386] : memref<20480x128xf32, #tpu.memory_space<hbm>> -> memref<20480x128xf32, #tpu.memory_space<hbm>>
      tpu.wait_indirect_dma semaphore(%arg13 : memref<!tpu.dma_semaphore, #tpu.memory_space<semaphore_mem>>) src(%dma_wait3A_387 : memref<20480x128xf32, #tpu.memory_space<hbm>>) dst(%arg11 : memref<128x128xf32, #tpu.memory_space<vmem>>)
      %dma_start3A_388 = arith.constant 11 : i32
      %dma_start3A_389 = arith.constant 0 : i32
      %dma_start3A_390 = tpu.memref_slice %arg7[%dma_start3A_388, %dma_start3A_389] : memref<16x128xi32, #tpu.memory_space<vmem>> -> memref<1x128xi32, #tpu.memory_space<vmem>>
      %dma_start3A_391 = tpu.memref_squeeze %dma_start3A_390 : memref<1x128xi32, #tpu.memory_space<vmem>> -> memref<128xi32, #tpu.memory_space<vmem>>
      %dma_start3A_392 = arith.constant 0 : i32
      %dma_start3A_393 = arith.constant 0 : i32
      %dma_start3A_394 = tpu.memref_slice %arg20[%dma_start3A_392, %dma_start3A_393] : memref<10240x128xf32, #tpu.memory_space<vmem_shared>> -> memref<10240x128xf32, #tpu.memory_space<vmem_shared>>
      tpu.enqueue_indirect_dma source(%arg11 : memref<128x128xf32, #tpu.memory_space<vmem>>) target(%dma_start3A_394 : memref<10240x128xf32, #tpu.memory_space<vmem_shared>>) offsets(%dma_start3A_391 : memref<128xi32, #tpu.memory_space<vmem>>) semaphore(%arg15 : memref<!tpu.dma_semaphore, #tpu.memory_space<semaphore_mem>>) {add = true}
      %dma_wait3A_395 = arith.constant 11 : i32
      %dma_wait3A_396 = arith.constant 0 : i32
      %dma_wait3A_397 = tpu.memref_slice %arg7[%dma_wait3A_395, %dma_wait3A_396] : memref<16x128xi32, #tpu.memory_space<vmem>> -> memref<1x128xi32, #tpu.memory_space<vmem>>
      %dma_wait3A_398 = tpu.memref_squeeze %dma_wait3A_397 : memref<1x128xi32, #tpu.memory_space<vmem>> -> memref<128xi32, #tpu.memory_space<vmem>>
      %dma_wait3A_399 = arith.constant 0 : i32
      %dma_wait3A_400 = arith.constant 0 : i32
      %dma_wait3A_401 = tpu.memref_slice %arg20[%dma_wait3A_399, %dma_wait3A_400] : memref<10240x128xf32, #tpu.memory_space<vmem_shared>> -> memref<10240x128xf32, #tpu.memory_space<vmem_shared>>
      tpu.wait_indirect_dma semaphore(%arg15 : memref<!tpu.dma_semaphore, #tpu.memory_space<semaphore_mem>>) src(%arg11 : memref<128x128xf32, #tpu.memory_space<vmem>>) dst(%dma_wait3A_401 : memref<10240x128xf32, #tpu.memory_space<vmem_shared>>)
      %dma_start3A_402 = arith.constant 13 : i32
      %dma_start3A_403 = arith.constant 0 : i32
      %dma_start3A_404 = tpu.memref_slice %arg6[%dma_start3A_402, %dma_start3A_403] : memref<16x128xi32, #tpu.memory_space<vmem>> -> memref<1x128xi32, #tpu.memory_space<vmem>>
      %dma_start3A_405 = tpu.memref_squeeze %dma_start3A_404 : memref<1x128xi32, #tpu.memory_space<vmem>> -> memref<128xi32, #tpu.memory_space<vmem>>
      %dma_start3A_406 = arith.constant 0 : i32
      %dma_start3A_407 = arith.constant 0 : i32
      %dma_start3A_408 = tpu.memref_slice %arg2[%dma_start3A_406, %dma_start3A_407] : memref<20480x128xf32, #tpu.memory_space<hbm>> -> memref<20480x128xf32, #tpu.memory_space<hbm>>
      tpu.enqueue_indirect_dma source(%dma_start3A_408 : memref<20480x128xf32, #tpu.memory_space<hbm>>) target(%arg11 : memref<128x128xf32, #tpu.memory_space<vmem>>) offsets(%dma_start3A_405 : memref<128xi32, #tpu.memory_space<vmem>>) semaphore(%arg13 : memref<!tpu.dma_semaphore, #tpu.memory_space<semaphore_mem>>)
      %dma_wait3A_409 = arith.constant 12 : i32
      %dma_wait3A_410 = arith.constant 0 : i32
      %dma_wait3A_411 = tpu.memref_slice %arg6[%dma_wait3A_409, %dma_wait3A_410] : memref<16x128xi32, #tpu.memory_space<vmem>> -> memref<1x128xi32, #tpu.memory_space<vmem>>
      %dma_wait3A_412 = tpu.memref_squeeze %dma_wait3A_411 : memref<1x128xi32, #tpu.memory_space<vmem>> -> memref<128xi32, #tpu.memory_space<vmem>>
      %dma_wait3A_413 = arith.constant 0 : i32
      %dma_wait3A_414 = arith.constant 0 : i32
      %dma_wait3A_415 = tpu.memref_slice %arg2[%dma_wait3A_413, %dma_wait3A_414] : memref<20480x128xf32, #tpu.memory_space<hbm>> -> memref<20480x128xf32, #tpu.memory_space<hbm>>
      tpu.wait_indirect_dma semaphore(%arg12 : memref<!tpu.dma_semaphore, #tpu.memory_space<semaphore_mem>>) src(%dma_wait3A_415 : memref<20480x128xf32, #tpu.memory_space<hbm>>) dst(%arg10 : memref<128x128xf32, #tpu.memory_space<vmem>>)
      %dma_start3A_416 = arith.constant 12 : i32
      %dma_start3A_417 = arith.constant 0 : i32
      %dma_start3A_418 = tpu.memref_slice %arg7[%dma_start3A_416, %dma_start3A_417] : memref<16x128xi32, #tpu.memory_space<vmem>> -> memref<1x128xi32, #tpu.memory_space<vmem>>
      %dma_start3A_419 = tpu.memref_squeeze %dma_start3A_418 : memref<1x128xi32, #tpu.memory_space<vmem>> -> memref<128xi32, #tpu.memory_space<vmem>>
      %dma_start3A_420 = arith.constant 0 : i32
      %dma_start3A_421 = arith.constant 0 : i32
      %dma_start3A_422 = tpu.memref_slice %arg20[%dma_start3A_420, %dma_start3A_421] : memref<10240x128xf32, #tpu.memory_space<vmem_shared>> -> memref<10240x128xf32, #tpu.memory_space<vmem_shared>>
      tpu.enqueue_indirect_dma source(%arg10 : memref<128x128xf32, #tpu.memory_space<vmem>>) target(%dma_start3A_422 : memref<10240x128xf32, #tpu.memory_space<vmem_shared>>) offsets(%dma_start3A_419 : memref<128xi32, #tpu.memory_space<vmem>>) semaphore(%arg14 : memref<!tpu.dma_semaphore, #tpu.memory_space<semaphore_mem>>) {add = true}
      %dma_wait3A_423 = arith.constant 12 : i32
      %dma_wait3A_424 = arith.constant 0 : i32
      %dma_wait3A_425 = tpu.memref_slice %arg7[%dma_wait3A_423, %dma_wait3A_424] : memref<16x128xi32, #tpu.memory_space<vmem>> -> memref<1x128xi32, #tpu.memory_space<vmem>>
      %dma_wait3A_426 = tpu.memref_squeeze %dma_wait3A_425 : memref<1x128xi32, #tpu.memory_space<vmem>> -> memref<128xi32, #tpu.memory_space<vmem>>
      %dma_wait3A_427 = arith.constant 0 : i32
      %dma_wait3A_428 = arith.constant 0 : i32
      %dma_wait3A_429 = tpu.memref_slice %arg20[%dma_wait3A_427, %dma_wait3A_428] : memref<10240x128xf32, #tpu.memory_space<vmem_shared>> -> memref<10240x128xf32, #tpu.memory_space<vmem_shared>>
      tpu.wait_indirect_dma semaphore(%arg14 : memref<!tpu.dma_semaphore, #tpu.memory_space<semaphore_mem>>) src(%arg10 : memref<128x128xf32, #tpu.memory_space<vmem>>) dst(%dma_wait3A_429 : memref<10240x128xf32, #tpu.memory_space<vmem_shared>>)
      %dma_start3A_430 = arith.constant 14 : i32
      %dma_start3A_431 = arith.constant 0 : i32
      %dma_start3A_432 = tpu.memref_slice %arg6[%dma_start3A_430, %dma_start3A_431] : memref<16x128xi32, #tpu.memory_space<vmem>> -> memref<1x128xi32, #tpu.memory_space<vmem>>
      %dma_start3A_433 = tpu.memref_squeeze %dma_start3A_432 : memref<1x128xi32, #tpu.memory_space<vmem>> -> memref<128xi32, #tpu.memory_space<vmem>>
      %dma_start3A_434 = arith.constant 0 : i32
      %dma_start3A_435 = arith.constant 0 : i32
      %dma_start3A_436 = tpu.memref_slice %arg2[%dma_start3A_434, %dma_start3A_435] : memref<20480x128xf32, #tpu.memory_space<hbm>> -> memref<20480x128xf32, #tpu.memory_space<hbm>>
      tpu.enqueue_indirect_dma source(%dma_start3A_436 : memref<20480x128xf32, #tpu.memory_space<hbm>>) target(%arg10 : memref<128x128xf32, #tpu.memory_space<vmem>>) offsets(%dma_start3A_433 : memref<128xi32, #tpu.memory_space<vmem>>) semaphore(%arg12 : memref<!tpu.dma_semaphore, #tpu.memory_space<semaphore_mem>>)
      %dma_wait3A_437 = arith.constant 13 : i32
      %dma_wait3A_438 = arith.constant 0 : i32
      %dma_wait3A_439 = tpu.memref_slice %arg6[%dma_wait3A_437, %dma_wait3A_438] : memref<16x128xi32, #tpu.memory_space<vmem>> -> memref<1x128xi32, #tpu.memory_space<vmem>>
      %dma_wait3A_440 = tpu.memref_squeeze %dma_wait3A_439 : memref<1x128xi32, #tpu.memory_space<vmem>> -> memref<128xi32, #tpu.memory_space<vmem>>
      %dma_wait3A_441 = arith.constant 0 : i32
      %dma_wait3A_442 = arith.constant 0 : i32
      %dma_wait3A_443 = tpu.memref_slice %arg2[%dma_wait3A_441, %dma_wait3A_442] : memref<20480x128xf32, #tpu.memory_space<hbm>> -> memref<20480x128xf32, #tpu.memory_space<hbm>>
      tpu.wait_indirect_dma semaphore(%arg13 : memref<!tpu.dma_semaphore, #tpu.memory_space<semaphore_mem>>) src(%dma_wait3A_443 : memref<20480x128xf32, #tpu.memory_space<hbm>>) dst(%arg11 : memref<128x128xf32, #tpu.memory_space<vmem>>)
      %dma_start3A_444 = arith.constant 13 : i32
      %dma_start3A_445 = arith.constant 0 : i32
      %dma_start3A_446 = tpu.memref_slice %arg7[%dma_start3A_444, %dma_start3A_445] : memref<16x128xi32, #tpu.memory_space<vmem>> -> memref<1x128xi32, #tpu.memory_space<vmem>>
      %dma_start3A_447 = tpu.memref_squeeze %dma_start3A_446 : memref<1x128xi32, #tpu.memory_space<vmem>> -> memref<128xi32, #tpu.memory_space<vmem>>
      %dma_start3A_448 = arith.constant 0 : i32
      %dma_start3A_449 = arith.constant 0 : i32
      %dma_start3A_450 = tpu.memref_slice %arg20[%dma_start3A_448, %dma_start3A_449] : memref<10240x128xf32, #tpu.memory_space<vmem_shared>> -> memref<10240x128xf32, #tpu.memory_space<vmem_shared>>
      tpu.enqueue_indirect_dma source(%arg11 : memref<128x128xf32, #tpu.memory_space<vmem>>) target(%dma_start3A_450 : memref<10240x128xf32, #tpu.memory_space<vmem_shared>>) offsets(%dma_start3A_447 : memref<128xi32, #tpu.memory_space<vmem>>) semaphore(%arg15 : memref<!tpu.dma_semaphore, #tpu.memory_space<semaphore_mem>>) {add = true}
      %dma_wait3A_451 = arith.constant 13 : i32
      %dma_wait3A_452 = arith.constant 0 : i32
      %dma_wait3A_453 = tpu.memref_slice %arg7[%dma_wait3A_451, %dma_wait3A_452] : memref<16x128xi32, #tpu.memory_space<vmem>> -> memref<1x128xi32, #tpu.memory_space<vmem>>
      %dma_wait3A_454 = tpu.memref_squeeze %dma_wait3A_453 : memref<1x128xi32, #tpu.memory_space<vmem>> -> memref<128xi32, #tpu.memory_space<vmem>>
      %dma_wait3A_455 = arith.constant 0 : i32
      %dma_wait3A_456 = arith.constant 0 : i32
      %dma_wait3A_457 = tpu.memref_slice %arg20[%dma_wait3A_455, %dma_wait3A_456] : memref<10240x128xf32, #tpu.memory_space<vmem_shared>> -> memref<10240x128xf32, #tpu.memory_space<vmem_shared>>
      tpu.wait_indirect_dma semaphore(%arg15 : memref<!tpu.dma_semaphore, #tpu.memory_space<semaphore_mem>>) src(%arg11 : memref<128x128xf32, #tpu.memory_space<vmem>>) dst(%dma_wait3A_457 : memref<10240x128xf32, #tpu.memory_space<vmem_shared>>)
      %dma_start3A_458 = arith.constant 15 : i32
      %dma_start3A_459 = arith.constant 0 : i32
      %dma_start3A_460 = tpu.memref_slice %arg6[%dma_start3A_458, %dma_start3A_459] : memref<16x128xi32, #tpu.memory_space<vmem>> -> memref<1x128xi32, #tpu.memory_space<vmem>>
      %dma_start3A_461 = tpu.memref_squeeze %dma_start3A_460 : memref<1x128xi32, #tpu.memory_space<vmem>> -> memref<128xi32, #tpu.memory_space<vmem>>
      %dma_start3A_462 = arith.constant 0 : i32
      %dma_start3A_463 = arith.constant 0 : i32
      %dma_start3A_464 = tpu.memref_slice %arg2[%dma_start3A_462, %dma_start3A_463] : memref<20480x128xf32, #tpu.memory_space<hbm>> -> memref<20480x128xf32, #tpu.memory_space<hbm>>
      tpu.enqueue_indirect_dma source(%dma_start3A_464 : memref<20480x128xf32, #tpu.memory_space<hbm>>) target(%arg11 : memref<128x128xf32, #tpu.memory_space<vmem>>) offsets(%dma_start3A_461 : memref<128xi32, #tpu.memory_space<vmem>>) semaphore(%arg13 : memref<!tpu.dma_semaphore, #tpu.memory_space<semaphore_mem>>)
      %dma_wait3A_465 = arith.constant 14 : i32
      %dma_wait3A_466 = arith.constant 0 : i32
      %dma_wait3A_467 = tpu.memref_slice %arg6[%dma_wait3A_465, %dma_wait3A_466] : memref<16x128xi32, #tpu.memory_space<vmem>> -> memref<1x128xi32, #tpu.memory_space<vmem>>
      %dma_wait3A_468 = tpu.memref_squeeze %dma_wait3A_467 : memref<1x128xi32, #tpu.memory_space<vmem>> -> memref<128xi32, #tpu.memory_space<vmem>>
      %dma_wait3A_469 = arith.constant 0 : i32
      %dma_wait3A_470 = arith.constant 0 : i32
      %dma_wait3A_471 = tpu.memref_slice %arg2[%dma_wait3A_469, %dma_wait3A_470] : memref<20480x128xf32, #tpu.memory_space<hbm>> -> memref<20480x128xf32, #tpu.memory_space<hbm>>
      tpu.wait_indirect_dma semaphore(%arg12 : memref<!tpu.dma_semaphore, #tpu.memory_space<semaphore_mem>>) src(%dma_wait3A_471 : memref<20480x128xf32, #tpu.memory_space<hbm>>) dst(%arg10 : memref<128x128xf32, #tpu.memory_space<vmem>>)
      %dma_start3A_472 = arith.constant 14 : i32
      %dma_start3A_473 = arith.constant 0 : i32
      %dma_start3A_474 = tpu.memref_slice %arg7[%dma_start3A_472, %dma_start3A_473] : memref<16x128xi32, #tpu.memory_space<vmem>> -> memref<1x128xi32, #tpu.memory_space<vmem>>
      %dma_start3A_475 = tpu.memref_squeeze %dma_start3A_474 : memref<1x128xi32, #tpu.memory_space<vmem>> -> memref<128xi32, #tpu.memory_space<vmem>>
      %dma_start3A_476 = arith.constant 0 : i32
      %dma_start3A_477 = arith.constant 0 : i32
      %dma_start3A_478 = tpu.memref_slice %arg20[%dma_start3A_476, %dma_start3A_477] : memref<10240x128xf32, #tpu.memory_space<vmem_shared>> -> memref<10240x128xf32, #tpu.memory_space<vmem_shared>>
      tpu.enqueue_indirect_dma source(%arg10 : memref<128x128xf32, #tpu.memory_space<vmem>>) target(%dma_start3A_478 : memref<10240x128xf32, #tpu.memory_space<vmem_shared>>) offsets(%dma_start3A_475 : memref<128xi32, #tpu.memory_space<vmem>>) semaphore(%arg14 : memref<!tpu.dma_semaphore, #tpu.memory_space<semaphore_mem>>) {add = true}
      %dma_wait3A_479 = arith.constant 15 : i32
      %dma_wait3A_480 = arith.constant 0 : i32
      %dma_wait3A_481 = tpu.memref_slice %arg6[%dma_wait3A_479, %dma_wait3A_480] : memref<16x128xi32, #tpu.memory_space<vmem>> -> memref<1x128xi32, #tpu.memory_space<vmem>>
      %dma_wait3A_482 = tpu.memref_squeeze %dma_wait3A_481 : memref<1x128xi32, #tpu.memory_space<vmem>> -> memref<128xi32, #tpu.memory_space<vmem>>
      %dma_wait3A_483 = arith.constant 0 : i32
      %dma_wait3A_484 = arith.constant 0 : i32
      %dma_wait3A_485 = tpu.memref_slice %arg2[%dma_wait3A_483, %dma_wait3A_484] : memref<20480x128xf32, #tpu.memory_space<hbm>> -> memref<20480x128xf32, #tpu.memory_space<hbm>>
      tpu.wait_indirect_dma semaphore(%arg13 : memref<!tpu.dma_semaphore, #tpu.memory_space<semaphore_mem>>) src(%dma_wait3A_485 : memref<20480x128xf32, #tpu.memory_space<hbm>>) dst(%arg11 : memref<128x128xf32, #tpu.memory_space<vmem>>)
      %dma_start3A_486 = arith.constant 15 : i32
      %dma_start3A_487 = arith.constant 0 : i32
      %dma_start3A_488 = tpu.memref_slice %arg7[%dma_start3A_486, %dma_start3A_487] : memref<16x128xi32, #tpu.memory_space<vmem>> -> memref<1x128xi32, #tpu.memory_space<vmem>>
      %dma_start3A_489 = tpu.memref_squeeze %dma_start3A_488 : memref<1x128xi32, #tpu.memory_space<vmem>> -> memref<128xi32, #tpu.memory_space<vmem>>
      %dma_start3A_490 = arith.constant 0 : i32
      %dma_start3A_491 = arith.constant 0 : i32
      %dma_start3A_492 = tpu.memref_slice %arg20[%dma_start3A_490, %dma_start3A_491] : memref<10240x128xf32, #tpu.memory_space<vmem_shared>> -> memref<10240x128xf32, #tpu.memory_space<vmem_shared>>
      tpu.enqueue_indirect_dma source(%arg11 : memref<128x128xf32, #tpu.memory_space<vmem>>) target(%dma_start3A_492 : memref<10240x128xf32, #tpu.memory_space<vmem_shared>>) offsets(%dma_start3A_489 : memref<128xi32, #tpu.memory_space<vmem>>) semaphore(%arg15 : memref<!tpu.dma_semaphore, #tpu.memory_space<semaphore_mem>>) {add = true}
      %dma_wait3A_493 = arith.constant 14 : i32
      %dma_wait3A_494 = arith.constant 0 : i32
      %dma_wait3A_495 = tpu.memref_slice %arg7[%dma_wait3A_493, %dma_wait3A_494] : memref<16x128xi32, #tpu.memory_space<vmem>> -> memref<1x128xi32, #tpu.memory_space<vmem>>
      %dma_wait3A_496 = tpu.memref_squeeze %dma_wait3A_495 : memref<1x128xi32, #tpu.memory_space<vmem>> -> memref<128xi32, #tpu.memory_space<vmem>>
      %dma_wait3A_497 = arith.constant 0 : i32
      %dma_wait3A_498 = arith.constant 0 : i32
      %dma_wait3A_499 = tpu.memref_slice %arg20[%dma_wait3A_497, %dma_wait3A_498] : memref<10240x128xf32, #tpu.memory_space<vmem_shared>> -> memref<10240x128xf32, #tpu.memory_space<vmem_shared>>
      tpu.wait_indirect_dma semaphore(%arg14 : memref<!tpu.dma_semaphore, #tpu.memory_space<semaphore_mem>>) src(%arg10 : memref<128x128xf32, #tpu.memory_space<vmem>>) dst(%dma_wait3A_499 : memref<10240x128xf32, #tpu.memory_space<vmem_shared>>)
      %dma_wait3A_500 = arith.constant 15 : i32
      %dma_wait3A_501 = arith.constant 0 : i32
      %dma_wait3A_502 = tpu.memref_slice %arg7[%dma_wait3A_500, %dma_wait3A_501] : memref<16x128xi32, #tpu.memory_space<vmem>> -> memref<1x128xi32, #tpu.memory_space<vmem>>
      %dma_wait3A_503 = tpu.memref_squeeze %dma_wait3A_502 : memref<1x128xi32, #tpu.memory_space<vmem>> -> memref<128xi32, #tpu.memory_space<vmem>>
      %dma_wait3A_504 = arith.constant 0 : i32
      %dma_wait3A_505 = arith.constant 0 : i32
      %dma_wait3A_506 = tpu.memref_slice %arg20[%dma_wait3A_504, %dma_wait3A_505] : memref<10240x128xf32, #tpu.memory_space<vmem_shared>> -> memref<10240x128xf32, #tpu.memory_space<vmem_shared>>
      tpu.wait_indirect_dma semaphore(%arg15 : memref<!tpu.dma_semaphore, #tpu.memory_space<semaphore_mem>>) src(%arg11 : memref<128x128xf32, #tpu.memory_space<vmem>>) dst(%dma_wait3A_506 : memref<10240x128xf32, #tpu.memory_space<vmem_shared>>)
      %add3A_507 = arith.constant 32 : i32
      %add3A_508 = arith.addi %add3A_51, %add3A_507 : i32
      %add3A_509 = arith.constant 0 : i32
      %add3A_510 = arith.addi %add3A_508, %add3A_509 : i32
      %lt3A = arith.constant 160 : i32
      %lt3A_511 = arith.cmpi slt, %add3A_510, %lt3A : i32
      %convert_element_type3A = arith.extui %lt3A_511 : i1 to i32
      %cond3A = arith.constant 0 : i32
      %cond3A_512 = arith.cmpi ne, %convert_element_type3A, %cond3A : i32
      scf.if %cond3A_512 {
        %add3A_978 = arith.addi %mul3A_11, %add3A_510 : i32
        %dma_start3A_979 = arith.constant 0 : i32
        %dma_start3A_980 = tpu.memref_slice %arg3[%add3A_978, %dma_start3A_979] : memref<5120x128xi32, #tpu.memory_space<hbm>> -> memref<16x128xi32, #tpu.memory_space<hbm>>
        %dma_start3A_981 = arith.constant 0 : i32
        %dma_start3A_982 = tpu.memref_slice %arg3[%add3A_978, %dma_start3A_981] : memref<5120x128xi32, #tpu.memory_space<hbm>> -> memref<16x128xi32, #tpu.memory_space<hbm>>
        tpu.enqueue_dma source(%dma_start3A_982 : memref<16x128xi32, #tpu.memory_space<hbm>>) target(%arg6 : memref<16x128xi32, #tpu.memory_space<vmem>>) target_semaphore(%arg16 : memref<!tpu.dma_semaphore, #tpu.memory_space<semaphore_mem>>)
        %add3A_983 = arith.addi %mul3A_13, %add3A_510 : i32
        %dma_start3A_984 = arith.constant 0 : i32
        %dma_start3A_985 = tpu.memref_slice %arg4[%add3A_983, %dma_start3A_984] : memref<2560x128xi32, #tpu.memory_space<hbm>> -> memref<16x128xi32, #tpu.memory_space<hbm>>
        %dma_start3A_986 = arith.constant 0 : i32
        %dma_start3A_987 = tpu.memref_slice %arg4[%add3A_983, %dma_start3A_986] : memref<2560x128xi32, #tpu.memory_space<hbm>> -> memref<16x128xi32, #tpu.memory_space<hbm>>
        tpu.enqueue_dma source(%dma_start3A_987 : memref<16x128xi32, #tpu.memory_space<hbm>>) target(%arg7 : memref<16x128xi32, #tpu.memory_space<vmem>>) target_semaphore(%arg17 : memref<!tpu.dma_semaphore, #tpu.memory_space<semaphore_mem>>)
      } else {
      }
      %dma_wait3A_513 = arith.constant 0 : i32
      %dma_wait3A_514 = tpu.memref_slice %arg3[%mul3A_11, %dma_wait3A_513] : memref<5120x128xi32, #tpu.memory_space<hbm>> -> memref<16x128xi32, #tpu.memory_space<hbm>>
      %dma_wait3A_515 = arith.constant 0 : i32
      %dma_wait3A_516 = tpu.memref_slice %arg3[%mul3A_11, %dma_wait3A_515] : memref<5120x128xi32, #tpu.memory_space<hbm>> -> memref<16x128xi32, #tpu.memory_space<hbm>>
      tpu.wait_dma2 semaphore(%arg18 : memref<!tpu.dma_semaphore, #tpu.memory_space<semaphore_mem>>) src(%dma_wait3A_516 : memref<16x128xi32, #tpu.memory_space<hbm>>) dst(%arg8 : memref<16x128xi32, #tpu.memory_space<vmem>>)
      %dma_wait3A_517 = arith.constant 0 : i32
      %dma_wait3A_518 = tpu.memref_slice %arg4[%mul3A_13, %dma_wait3A_517] : memref<2560x128xi32, #tpu.memory_space<hbm>> -> memref<16x128xi32, #tpu.memory_space<hbm>>
      %dma_wait3A_519 = arith.constant 0 : i32
      %dma_wait3A_520 = tpu.memref_slice %arg4[%mul3A_13, %dma_wait3A_519] : memref<2560x128xi32, #tpu.memory_space<hbm>> -> memref<16x128xi32, #tpu.memory_space<hbm>>
      tpu.wait_dma2 semaphore(%arg19 : memref<!tpu.dma_semaphore, #tpu.memory_space<semaphore_mem>>) src(%dma_wait3A_520 : memref<16x128xi32, #tpu.memory_space<hbm>>) dst(%arg9 : memref<16x128xi32, #tpu.memory_space<vmem>>)
      %dma_start3A_521 = arith.constant 0 : i32
      %dma_start3A_522 = arith.constant 0 : i32
      %dma_start3A_523 = tpu.memref_slice %arg8[%dma_start3A_521, %dma_start3A_522] : memref<16x128xi32, #tpu.memory_space<vmem>> -> memref<1x128xi32, #tpu.memory_space<vmem>>
      %dma_start3A_524 = tpu.memref_squeeze %dma_start3A_523 : memref<1x128xi32, #tpu.memory_space<vmem>> -> memref<128xi32, #tpu.memory_space<vmem>>
      %dma_start3A_525 = arith.constant 0 : i32
      %dma_start3A_526 = arith.constant 0 : i32
      %dma_start3A_527 = tpu.memref_slice %arg2[%dma_start3A_525, %dma_start3A_526] : memref<20480x128xf32, #tpu.memory_space<hbm>> -> memref<20480x128xf32, #tpu.memory_space<hbm>>
      tpu.enqueue_indirect_dma source(%dma_start3A_527 : memref<20480x128xf32, #tpu.memory_space<hbm>>) target(%arg10 : memref<128x128xf32, #tpu.memory_space<vmem>>) offsets(%dma_start3A_524 : memref<128xi32, #tpu.memory_space<vmem>>) semaphore(%arg12 : memref<!tpu.dma_semaphore, #tpu.memory_space<semaphore_mem>>)
      %dma_start3A_528 = arith.constant 1 : i32
      %dma_start3A_529 = arith.constant 0 : i32
      %dma_start3A_530 = tpu.memref_slice %arg8[%dma_start3A_528, %dma_start3A_529] : memref<16x128xi32, #tpu.memory_space<vmem>> -> memref<1x128xi32, #tpu.memory_space<vmem>>
      %dma_start3A_531 = tpu.memref_squeeze %dma_start3A_530 : memref<1x128xi32, #tpu.memory_space<vmem>> -> memref<128xi32, #tpu.memory_space<vmem>>
      %dma_start3A_532 = arith.constant 0 : i32
      %dma_start3A_533 = arith.constant 0 : i32
      %dma_start3A_534 = tpu.memref_slice %arg2[%dma_start3A_532, %dma_start3A_533] : memref<20480x128xf32, #tpu.memory_space<hbm>> -> memref<20480x128xf32, #tpu.memory_space<hbm>>
      tpu.enqueue_indirect_dma source(%dma_start3A_534 : memref<20480x128xf32, #tpu.memory_space<hbm>>) target(%arg11 : memref<128x128xf32, #tpu.memory_space<vmem>>) offsets(%dma_start3A_531 : memref<128xi32, #tpu.memory_space<vmem>>) semaphore(%arg13 : memref<!tpu.dma_semaphore, #tpu.memory_space<semaphore_mem>>)
      %dma_wait3A_535 = arith.constant 0 : i32
      %dma_wait3A_536 = arith.constant 0 : i32
      %dma_wait3A_537 = tpu.memref_slice %arg8[%dma_wait3A_535, %dma_wait3A_536] : memref<16x128xi32, #tpu.memory_space<vmem>> -> memref<1x128xi32, #tpu.memory_space<vmem>>
      %dma_wait3A_538 = tpu.memref_squeeze %dma_wait3A_537 : memref<1x128xi32, #tpu.memory_space<vmem>> -> memref<128xi32, #tpu.memory_space<vmem>>
      %dma_wait3A_539 = arith.constant 0 : i32
      %dma_wait3A_540 = arith.constant 0 : i32
      %dma_wait3A_541 = tpu.memref_slice %arg2[%dma_wait3A_539, %dma_wait3A_540] : memref<20480x128xf32, #tpu.memory_space<hbm>> -> memref<20480x128xf32, #tpu.memory_space<hbm>>
      tpu.wait_indirect_dma semaphore(%arg12 : memref<!tpu.dma_semaphore, #tpu.memory_space<semaphore_mem>>) src(%dma_wait3A_541 : memref<20480x128xf32, #tpu.memory_space<hbm>>) dst(%arg10 : memref<128x128xf32, #tpu.memory_space<vmem>>)
      %dma_start3A_542 = arith.constant 0 : i32
      %dma_start3A_543 = arith.constant 0 : i32
      %dma_start3A_544 = tpu.memref_slice %arg9[%dma_start3A_542, %dma_start3A_543] : memref<16x128xi32, #tpu.memory_space<vmem>> -> memref<1x128xi32, #tpu.memory_space<vmem>>
      %dma_start3A_545 = tpu.memref_squeeze %dma_start3A_544 : memref<1x128xi32, #tpu.memory_space<vmem>> -> memref<128xi32, #tpu.memory_space<vmem>>
      %dma_start3A_546 = arith.constant 0 : i32
      %dma_start3A_547 = arith.constant 0 : i32
      %dma_start3A_548 = tpu.memref_slice %arg20[%dma_start3A_546, %dma_start3A_547] : memref<10240x128xf32, #tpu.memory_space<vmem_shared>> -> memref<10240x128xf32, #tpu.memory_space<vmem_shared>>
      tpu.enqueue_indirect_dma source(%arg10 : memref<128x128xf32, #tpu.memory_space<vmem>>) target(%dma_start3A_548 : memref<10240x128xf32, #tpu.memory_space<vmem_shared>>) offsets(%dma_start3A_545 : memref<128xi32, #tpu.memory_space<vmem>>) semaphore(%arg14 : memref<!tpu.dma_semaphore, #tpu.memory_space<semaphore_mem>>) {add = true}
      %dma_wait3A_549 = arith.constant 0 : i32
      %dma_wait3A_550 = arith.constant 0 : i32
      %dma_wait3A_551 = tpu.memref_slice %arg9[%dma_wait3A_549, %dma_wait3A_550] : memref<16x128xi32, #tpu.memory_space<vmem>> -> memref<1x128xi32, #tpu.memory_space<vmem>>
      %dma_wait3A_552 = tpu.memref_squeeze %dma_wait3A_551 : memref<1x128xi32, #tpu.memory_space<vmem>> -> memref<128xi32, #tpu.memory_space<vmem>>
      %dma_wait3A_553 = arith.constant 0 : i32
      %dma_wait3A_554 = arith.constant 0 : i32
      %dma_wait3A_555 = tpu.memref_slice %arg20[%dma_wait3A_553, %dma_wait3A_554] : memref<10240x128xf32, #tpu.memory_space<vmem_shared>> -> memref<10240x128xf32, #tpu.memory_space<vmem_shared>>
      tpu.wait_indirect_dma semaphore(%arg14 : memref<!tpu.dma_semaphore, #tpu.memory_space<semaphore_mem>>) src(%arg10 : memref<128x128xf32, #tpu.memory_space<vmem>>) dst(%dma_wait3A_555 : memref<10240x128xf32, #tpu.memory_space<vmem_shared>>)
      %dma_start3A_556 = arith.constant 2 : i32
      %dma_start3A_557 = arith.constant 0 : i32
      %dma_start3A_558 = tpu.memref_slice %arg8[%dma_start3A_556, %dma_start3A_557] : memref<16x128xi32, #tpu.memory_space<vmem>> -> memref<1x128xi32, #tpu.memory_space<vmem>>
      %dma_start3A_559 = tpu.memref_squeeze %dma_start3A_558 : memref<1x128xi32, #tpu.memory_space<vmem>> -> memref<128xi32, #tpu.memory_space<vmem>>
      %dma_start3A_560 = arith.constant 0 : i32
      %dma_start3A_561 = arith.constant 0 : i32
      %dma_start3A_562 = tpu.memref_slice %arg2[%dma_start3A_560, %dma_start3A_561] : memref<20480x128xf32, #tpu.memory_space<hbm>> -> memref<20480x128xf32, #tpu.memory_space<hbm>>
      tpu.enqueue_indirect_dma source(%dma_start3A_562 : memref<20480x128xf32, #tpu.memory_space<hbm>>) target(%arg10 : memref<128x128xf32, #tpu.memory_space<vmem>>) offsets(%dma_start3A_559 : memref<128xi32, #tpu.memory_space<vmem>>) semaphore(%arg12 : memref<!tpu.dma_semaphore, #tpu.memory_space<semaphore_mem>>)
      %dma_wait3A_563 = arith.constant 1 : i32
      %dma_wait3A_564 = arith.constant 0 : i32
      %dma_wait3A_565 = tpu.memref_slice %arg8[%dma_wait3A_563, %dma_wait3A_564] : memref<16x128xi32, #tpu.memory_space<vmem>> -> memref<1x128xi32, #tpu.memory_space<vmem>>
      %dma_wait3A_566 = tpu.memref_squeeze %dma_wait3A_565 : memref<1x128xi32, #tpu.memory_space<vmem>> -> memref<128xi32, #tpu.memory_space<vmem>>
      %dma_wait3A_567 = arith.constant 0 : i32
      %dma_wait3A_568 = arith.constant 0 : i32
      %dma_wait3A_569 = tpu.memref_slice %arg2[%dma_wait3A_567, %dma_wait3A_568] : memref<20480x128xf32, #tpu.memory_space<hbm>> -> memref<20480x128xf32, #tpu.memory_space<hbm>>
      tpu.wait_indirect_dma semaphore(%arg13 : memref<!tpu.dma_semaphore, #tpu.memory_space<semaphore_mem>>) src(%dma_wait3A_569 : memref<20480x128xf32, #tpu.memory_space<hbm>>) dst(%arg11 : memref<128x128xf32, #tpu.memory_space<vmem>>)
      %dma_start3A_570 = arith.constant 1 : i32
      %dma_start3A_571 = arith.constant 0 : i32
      %dma_start3A_572 = tpu.memref_slice %arg9[%dma_start3A_570, %dma_start3A_571] : memref<16x128xi32, #tpu.memory_space<vmem>> -> memref<1x128xi32, #tpu.memory_space<vmem>>
      %dma_start3A_573 = tpu.memref_squeeze %dma_start3A_572 : memref<1x128xi32, #tpu.memory_space<vmem>> -> memref<128xi32, #tpu.memory_space<vmem>>
      %dma_start3A_574 = arith.constant 0 : i32
      %dma_start3A_575 = arith.constant 0 : i32
      %dma_start3A_576 = tpu.memref_slice %arg20[%dma_start3A_574, %dma_start3A_575] : memref<10240x128xf32, #tpu.memory_space<vmem_shared>> -> memref<10240x128xf32, #tpu.memory_space<vmem_shared>>
      tpu.enqueue_indirect_dma source(%arg11 : memref<128x128xf32, #tpu.memory_space<vmem>>) target(%dma_start3A_576 : memref<10240x128xf32, #tpu.memory_space<vmem_shared>>) offsets(%dma_start3A_573 : memref<128xi32, #tpu.memory_space<vmem>>) semaphore(%arg15 : memref<!tpu.dma_semaphore, #tpu.memory_space<semaphore_mem>>) {add = true}
      %dma_wait3A_577 = arith.constant 1 : i32
      %dma_wait3A_578 = arith.constant 0 : i32
      %dma_wait3A_579 = tpu.memref_slice %arg9[%dma_wait3A_577, %dma_wait3A_578] : memref<16x128xi32, #tpu.memory_space<vmem>> -> memref<1x128xi32, #tpu.memory_space<vmem>>
      %dma_wait3A_580 = tpu.memref_squeeze %dma_wait3A_579 : memref<1x128xi32, #tpu.memory_space<vmem>> -> memref<128xi32, #tpu.memory_space<vmem>>
      %dma_wait3A_581 = arith.constant 0 : i32
      %dma_wait3A_582 = arith.constant 0 : i32
      %dma_wait3A_583 = tpu.memref_slice %arg20[%dma_wait3A_581, %dma_wait3A_582] : memref<10240x128xf32, #tpu.memory_space<vmem_shared>> -> memref<10240x128xf32, #tpu.memory_space<vmem_shared>>
      tpu.wait_indirect_dma semaphore(%arg15 : memref<!tpu.dma_semaphore, #tpu.memory_space<semaphore_mem>>) src(%arg11 : memref<128x128xf32, #tpu.memory_space<vmem>>) dst(%dma_wait3A_583 : memref<10240x128xf32, #tpu.memory_space<vmem_shared>>)
      %dma_start3A_584 = arith.constant 3 : i32
      %dma_start3A_585 = arith.constant 0 : i32
      %dma_start3A_586 = tpu.memref_slice %arg8[%dma_start3A_584, %dma_start3A_585] : memref<16x128xi32, #tpu.memory_space<vmem>> -> memref<1x128xi32, #tpu.memory_space<vmem>>
      %dma_start3A_587 = tpu.memref_squeeze %dma_start3A_586 : memref<1x128xi32, #tpu.memory_space<vmem>> -> memref<128xi32, #tpu.memory_space<vmem>>
      %dma_start3A_588 = arith.constant 0 : i32
      %dma_start3A_589 = arith.constant 0 : i32
      %dma_start3A_590 = tpu.memref_slice %arg2[%dma_start3A_588, %dma_start3A_589] : memref<20480x128xf32, #tpu.memory_space<hbm>> -> memref<20480x128xf32, #tpu.memory_space<hbm>>
      tpu.enqueue_indirect_dma source(%dma_start3A_590 : memref<20480x128xf32, #tpu.memory_space<hbm>>) target(%arg11 : memref<128x128xf32, #tpu.memory_space<vmem>>) offsets(%dma_start3A_587 : memref<128xi32, #tpu.memory_space<vmem>>) semaphore(%arg13 : memref<!tpu.dma_semaphore, #tpu.memory_space<semaphore_mem>>)
      %dma_wait3A_591 = arith.constant 2 : i32
      %dma_wait3A_592 = arith.constant 0 : i32
      %dma_wait3A_593 = tpu.memref_slice %arg8[%dma_wait3A_591, %dma_wait3A_592] : memref<16x128xi32, #tpu.memory_space<vmem>> -> memref<1x128xi32, #tpu.memory_space<vmem>>
      %dma_wait3A_594 = tpu.memref_squeeze %dma_wait3A_593 : memref<1x128xi32, #tpu.memory_space<vmem>> -> memref<128xi32, #tpu.memory_space<vmem>>
      %dma_wait3A_595 = arith.constant 0 : i32
      %dma_wait3A_596 = arith.constant 0 : i32
      %dma_wait3A_597 = tpu.memref_slice %arg2[%dma_wait3A_595, %dma_wait3A_596] : memref<20480x128xf32, #tpu.memory_space<hbm>> -> memref<20480x128xf32, #tpu.memory_space<hbm>>
      tpu.wait_indirect_dma semaphore(%arg12 : memref<!tpu.dma_semaphore, #tpu.memory_space<semaphore_mem>>) src(%dma_wait3A_597 : memref<20480x128xf32, #tpu.memory_space<hbm>>) dst(%arg10 : memref<128x128xf32, #tpu.memory_space<vmem>>)
      %dma_start3A_598 = arith.constant 2 : i32
      %dma_start3A_599 = arith.constant 0 : i32
      %dma_start3A_600 = tpu.memref_slice %arg9[%dma_start3A_598, %dma_start3A_599] : memref<16x128xi32, #tpu.memory_space<vmem>> -> memref<1x128xi32, #tpu.memory_space<vmem>>
      %dma_start3A_601 = tpu.memref_squeeze %dma_start3A_600 : memref<1x128xi32, #tpu.memory_space<vmem>> -> memref<128xi32, #tpu.memory_space<vmem>>
      %dma_start3A_602 = arith.constant 0 : i32
      %dma_start3A_603 = arith.constant 0 : i32
      %dma_start3A_604 = tpu.memref_slice %arg20[%dma_start3A_602, %dma_start3A_603] : memref<10240x128xf32, #tpu.memory_space<vmem_shared>> -> memref<10240x128xf32, #tpu.memory_space<vmem_shared>>
      tpu.enqueue_indirect_dma source(%arg10 : memref<128x128xf32, #tpu.memory_space<vmem>>) target(%dma_start3A_604 : memref<10240x128xf32, #tpu.memory_space<vmem_shared>>) offsets(%dma_start3A_601 : memref<128xi32, #tpu.memory_space<vmem>>) semaphore(%arg14 : memref<!tpu.dma_semaphore, #tpu.memory_space<semaphore_mem>>) {add = true}
      %dma_wait3A_605 = arith.constant 2 : i32
      %dma_wait3A_606 = arith.constant 0 : i32
      %dma_wait3A_607 = tpu.memref_slice %arg9[%dma_wait3A_605, %dma_wait3A_606] : memref<16x128xi32, #tpu.memory_space<vmem>> -> memref<1x128xi32, #tpu.memory_space<vmem>>
      %dma_wait3A_608 = tpu.memref_squeeze %dma_wait3A_607 : memref<1x128xi32, #tpu.memory_space<vmem>> -> memref<128xi32, #tpu.memory_space<vmem>>
      %dma_wait3A_609 = arith.constant 0 : i32
      %dma_wait3A_610 = arith.constant 0 : i32
      %dma_wait3A_611 = tpu.memref_slice %arg20[%dma_wait3A_609, %dma_wait3A_610] : memref<10240x128xf32, #tpu.memory_space<vmem_shared>> -> memref<10240x128xf32, #tpu.memory_space<vmem_shared>>
      tpu.wait_indirect_dma semaphore(%arg14 : memref<!tpu.dma_semaphore, #tpu.memory_space<semaphore_mem>>) src(%arg10 : memref<128x128xf32, #tpu.memory_space<vmem>>) dst(%dma_wait3A_611 : memref<10240x128xf32, #tpu.memory_space<vmem_shared>>)
      %dma_start3A_612 = arith.constant 4 : i32
      %dma_start3A_613 = arith.constant 0 : i32
      %dma_start3A_614 = tpu.memref_slice %arg8[%dma_start3A_612, %dma_start3A_613] : memref<16x128xi32, #tpu.memory_space<vmem>> -> memref<1x128xi32, #tpu.memory_space<vmem>>
      %dma_start3A_615 = tpu.memref_squeeze %dma_start3A_614 : memref<1x128xi32, #tpu.memory_space<vmem>> -> memref<128xi32, #tpu.memory_space<vmem>>
      %dma_start3A_616 = arith.constant 0 : i32
      %dma_start3A_617 = arith.constant 0 : i32
      %dma_start3A_618 = tpu.memref_slice %arg2[%dma_start3A_616, %dma_start3A_617] : memref<20480x128xf32, #tpu.memory_space<hbm>> -> memref<20480x128xf32, #tpu.memory_space<hbm>>
      tpu.enqueue_indirect_dma source(%dma_start3A_618 : memref<20480x128xf32, #tpu.memory_space<hbm>>) target(%arg10 : memref<128x128xf32, #tpu.memory_space<vmem>>) offsets(%dma_start3A_615 : memref<128xi32, #tpu.memory_space<vmem>>) semaphore(%arg12 : memref<!tpu.dma_semaphore, #tpu.memory_space<semaphore_mem>>)
      %dma_wait3A_619 = arith.constant 3 : i32
      %dma_wait3A_620 = arith.constant 0 : i32
      %dma_wait3A_621 = tpu.memref_slice %arg8[%dma_wait3A_619, %dma_wait3A_620] : memref<16x128xi32, #tpu.memory_space<vmem>> -> memref<1x128xi32, #tpu.memory_space<vmem>>
      %dma_wait3A_622 = tpu.memref_squeeze %dma_wait3A_621 : memref<1x128xi32, #tpu.memory_space<vmem>> -> memref<128xi32, #tpu.memory_space<vmem>>
      %dma_wait3A_623 = arith.constant 0 : i32
      %dma_wait3A_624 = arith.constant 0 : i32
      %dma_wait3A_625 = tpu.memref_slice %arg2[%dma_wait3A_623, %dma_wait3A_624] : memref<20480x128xf32, #tpu.memory_space<hbm>> -> memref<20480x128xf32, #tpu.memory_space<hbm>>
      tpu.wait_indirect_dma semaphore(%arg13 : memref<!tpu.dma_semaphore, #tpu.memory_space<semaphore_mem>>) src(%dma_wait3A_625 : memref<20480x128xf32, #tpu.memory_space<hbm>>) dst(%arg11 : memref<128x128xf32, #tpu.memory_space<vmem>>)
      %dma_start3A_626 = arith.constant 3 : i32
      %dma_start3A_627 = arith.constant 0 : i32
      %dma_start3A_628 = tpu.memref_slice %arg9[%dma_start3A_626, %dma_start3A_627] : memref<16x128xi32, #tpu.memory_space<vmem>> -> memref<1x128xi32, #tpu.memory_space<vmem>>
      %dma_start3A_629 = tpu.memref_squeeze %dma_start3A_628 : memref<1x128xi32, #tpu.memory_space<vmem>> -> memref<128xi32, #tpu.memory_space<vmem>>
      %dma_start3A_630 = arith.constant 0 : i32
      %dma_start3A_631 = arith.constant 0 : i32
      %dma_start3A_632 = tpu.memref_slice %arg20[%dma_start3A_630, %dma_start3A_631] : memref<10240x128xf32, #tpu.memory_space<vmem_shared>> -> memref<10240x128xf32, #tpu.memory_space<vmem_shared>>
      tpu.enqueue_indirect_dma source(%arg11 : memref<128x128xf32, #tpu.memory_space<vmem>>) target(%dma_start3A_632 : memref<10240x128xf32, #tpu.memory_space<vmem_shared>>) offsets(%dma_start3A_629 : memref<128xi32, #tpu.memory_space<vmem>>) semaphore(%arg15 : memref<!tpu.dma_semaphore, #tpu.memory_space<semaphore_mem>>) {add = true}
      %dma_wait3A_633 = arith.constant 3 : i32
      %dma_wait3A_634 = arith.constant 0 : i32
      %dma_wait3A_635 = tpu.memref_slice %arg9[%dma_wait3A_633, %dma_wait3A_634] : memref<16x128xi32, #tpu.memory_space<vmem>> -> memref<1x128xi32, #tpu.memory_space<vmem>>
      %dma_wait3A_636 = tpu.memref_squeeze %dma_wait3A_635 : memref<1x128xi32, #tpu.memory_space<vmem>> -> memref<128xi32, #tpu.memory_space<vmem>>
      %dma_wait3A_637 = arith.constant 0 : i32
      %dma_wait3A_638 = arith.constant 0 : i32
      %dma_wait3A_639 = tpu.memref_slice %arg20[%dma_wait3A_637, %dma_wait3A_638] : memref<10240x128xf32, #tpu.memory_space<vmem_shared>> -> memref<10240x128xf32, #tpu.memory_space<vmem_shared>>
      tpu.wait_indirect_dma semaphore(%arg15 : memref<!tpu.dma_semaphore, #tpu.memory_space<semaphore_mem>>) src(%arg11 : memref<128x128xf32, #tpu.memory_space<vmem>>) dst(%dma_wait3A_639 : memref<10240x128xf32, #tpu.memory_space<vmem_shared>>)
      %dma_start3A_640 = arith.constant 5 : i32
      %dma_start3A_641 = arith.constant 0 : i32
      %dma_start3A_642 = tpu.memref_slice %arg8[%dma_start3A_640, %dma_start3A_641] : memref<16x128xi32, #tpu.memory_space<vmem>> -> memref<1x128xi32, #tpu.memory_space<vmem>>
      %dma_start3A_643 = tpu.memref_squeeze %dma_start3A_642 : memref<1x128xi32, #tpu.memory_space<vmem>> -> memref<128xi32, #tpu.memory_space<vmem>>
      %dma_start3A_644 = arith.constant 0 : i32
      %dma_start3A_645 = arith.constant 0 : i32
      %dma_start3A_646 = tpu.memref_slice %arg2[%dma_start3A_644, %dma_start3A_645] : memref<20480x128xf32, #tpu.memory_space<hbm>> -> memref<20480x128xf32, #tpu.memory_space<hbm>>
      tpu.enqueue_indirect_dma source(%dma_start3A_646 : memref<20480x128xf32, #tpu.memory_space<hbm>>) target(%arg11 : memref<128x128xf32, #tpu.memory_space<vmem>>) offsets(%dma_start3A_643 : memref<128xi32, #tpu.memory_space<vmem>>) semaphore(%arg13 : memref<!tpu.dma_semaphore, #tpu.memory_space<semaphore_mem>>)
      %dma_wait3A_647 = arith.constant 4 : i32
      %dma_wait3A_648 = arith.constant 0 : i32
      %dma_wait3A_649 = tpu.memref_slice %arg8[%dma_wait3A_647, %dma_wait3A_648] : memref<16x128xi32, #tpu.memory_space<vmem>> -> memref<1x128xi32, #tpu.memory_space<vmem>>
      %dma_wait3A_650 = tpu.memref_squeeze %dma_wait3A_649 : memref<1x128xi32, #tpu.memory_space<vmem>> -> memref<128xi32, #tpu.memory_space<vmem>>
      %dma_wait3A_651 = arith.constant 0 : i32
      %dma_wait3A_652 = arith.constant 0 : i32
      %dma_wait3A_653 = tpu.memref_slice %arg2[%dma_wait3A_651, %dma_wait3A_652] : memref<20480x128xf32, #tpu.memory_space<hbm>> -> memref<20480x128xf32, #tpu.memory_space<hbm>>
      tpu.wait_indirect_dma semaphore(%arg12 : memref<!tpu.dma_semaphore, #tpu.memory_space<semaphore_mem>>) src(%dma_wait3A_653 : memref<20480x128xf32, #tpu.memory_space<hbm>>) dst(%arg10 : memref<128x128xf32, #tpu.memory_space<vmem>>)
      %dma_start3A_654 = arith.constant 4 : i32
      %dma_start3A_655 = arith.constant 0 : i32
      %dma_start3A_656 = tpu.memref_slice %arg9[%dma_start3A_654, %dma_start3A_655] : memref<16x128xi32, #tpu.memory_space<vmem>> -> memref<1x128xi32, #tpu.memory_space<vmem>>
      %dma_start3A_657 = tpu.memref_squeeze %dma_start3A_656 : memref<1x128xi32, #tpu.memory_space<vmem>> -> memref<128xi32, #tpu.memory_space<vmem>>
      %dma_start3A_658 = arith.constant 0 : i32
      %dma_start3A_659 = arith.constant 0 : i32
      %dma_start3A_660 = tpu.memref_slice %arg20[%dma_start3A_658, %dma_start3A_659] : memref<10240x128xf32, #tpu.memory_space<vmem_shared>> -> memref<10240x128xf32, #tpu.memory_space<vmem_shared>>
      tpu.enqueue_indirect_dma source(%arg10 : memref<128x128xf32, #tpu.memory_space<vmem>>) target(%dma_start3A_660 : memref<10240x128xf32, #tpu.memory_space<vmem_shared>>) offsets(%dma_start3A_657 : memref<128xi32, #tpu.memory_space<vmem>>) semaphore(%arg14 : memref<!tpu.dma_semaphore, #tpu.memory_space<semaphore_mem>>) {add = true}
      %dma_wait3A_661 = arith.constant 4 : i32
      %dma_wait3A_662 = arith.constant 0 : i32
      %dma_wait3A_663 = tpu.memref_slice %arg9[%dma_wait3A_661, %dma_wait3A_662] : memref<16x128xi32, #tpu.memory_space<vmem>> -> memref<1x128xi32, #tpu.memory_space<vmem>>
      %dma_wait3A_664 = tpu.memref_squeeze %dma_wait3A_663 : memref<1x128xi32, #tpu.memory_space<vmem>> -> memref<128xi32, #tpu.memory_space<vmem>>
      %dma_wait3A_665 = arith.constant 0 : i32
      %dma_wait3A_666 = arith.constant 0 : i32
      %dma_wait3A_667 = tpu.memref_slice %arg20[%dma_wait3A_665, %dma_wait3A_666] : memref<10240x128xf32, #tpu.memory_space<vmem_shared>> -> memref<10240x128xf32, #tpu.memory_space<vmem_shared>>
      tpu.wait_indirect_dma semaphore(%arg14 : memref<!tpu.dma_semaphore, #tpu.memory_space<semaphore_mem>>) src(%arg10 : memref<128x128xf32, #tpu.memory_space<vmem>>) dst(%dma_wait3A_667 : memref<10240x128xf32, #tpu.memory_space<vmem_shared>>)
      %dma_start3A_668 = arith.constant 6 : i32
      %dma_start3A_669 = arith.constant 0 : i32
      %dma_start3A_670 = tpu.memref_slice %arg8[%dma_start3A_668, %dma_start3A_669] : memref<16x128xi32, #tpu.memory_space<vmem>> -> memref<1x128xi32, #tpu.memory_space<vmem>>
      %dma_start3A_671 = tpu.memref_squeeze %dma_start3A_670 : memref<1x128xi32, #tpu.memory_space<vmem>> -> memref<128xi32, #tpu.memory_space<vmem>>
      %dma_start3A_672 = arith.constant 0 : i32
      %dma_start3A_673 = arith.constant 0 : i32
      %dma_start3A_674 = tpu.memref_slice %arg2[%dma_start3A_672, %dma_start3A_673] : memref<20480x128xf32, #tpu.memory_space<hbm>> -> memref<20480x128xf32, #tpu.memory_space<hbm>>
      tpu.enqueue_indirect_dma source(%dma_start3A_674 : memref<20480x128xf32, #tpu.memory_space<hbm>>) target(%arg10 : memref<128x128xf32, #tpu.memory_space<vmem>>) offsets(%dma_start3A_671 : memref<128xi32, #tpu.memory_space<vmem>>) semaphore(%arg12 : memref<!tpu.dma_semaphore, #tpu.memory_space<semaphore_mem>>)
      %dma_wait3A_675 = arith.constant 5 : i32
      %dma_wait3A_676 = arith.constant 0 : i32
      %dma_wait3A_677 = tpu.memref_slice %arg8[%dma_wait3A_675, %dma_wait3A_676] : memref<16x128xi32, #tpu.memory_space<vmem>> -> memref<1x128xi32, #tpu.memory_space<vmem>>
      %dma_wait3A_678 = tpu.memref_squeeze %dma_wait3A_677 : memref<1x128xi32, #tpu.memory_space<vmem>> -> memref<128xi32, #tpu.memory_space<vmem>>
      %dma_wait3A_679 = arith.constant 0 : i32
      %dma_wait3A_680 = arith.constant 0 : i32
      %dma_wait3A_681 = tpu.memref_slice %arg2[%dma_wait3A_679, %dma_wait3A_680] : memref<20480x128xf32, #tpu.memory_space<hbm>> -> memref<20480x128xf32, #tpu.memory_space<hbm>>
      tpu.wait_indirect_dma semaphore(%arg13 : memref<!tpu.dma_semaphore, #tpu.memory_space<semaphore_mem>>) src(%dma_wait3A_681 : memref<20480x128xf32, #tpu.memory_space<hbm>>) dst(%arg11 : memref<128x128xf32, #tpu.memory_space<vmem>>)
      %dma_start3A_682 = arith.constant 5 : i32
      %dma_start3A_683 = arith.constant 0 : i32
      %dma_start3A_684 = tpu.memref_slice %arg9[%dma_start3A_682, %dma_start3A_683] : memref<16x128xi32, #tpu.memory_space<vmem>> -> memref<1x128xi32, #tpu.memory_space<vmem>>
      %dma_start3A_685 = tpu.memref_squeeze %dma_start3A_684 : memref<1x128xi32, #tpu.memory_space<vmem>> -> memref<128xi32, #tpu.memory_space<vmem>>
      %dma_start3A_686 = arith.constant 0 : i32
      %dma_start3A_687 = arith.constant 0 : i32
      %dma_start3A_688 = tpu.memref_slice %arg20[%dma_start3A_686, %dma_start3A_687] : memref<10240x128xf32, #tpu.memory_space<vmem_shared>> -> memref<10240x128xf32, #tpu.memory_space<vmem_shared>>
      tpu.enqueue_indirect_dma source(%arg11 : memref<128x128xf32, #tpu.memory_space<vmem>>) target(%dma_start3A_688 : memref<10240x128xf32, #tpu.memory_space<vmem_shared>>) offsets(%dma_start3A_685 : memref<128xi32, #tpu.memory_space<vmem>>) semaphore(%arg15 : memref<!tpu.dma_semaphore, #tpu.memory_space<semaphore_mem>>) {add = true}
      %dma_wait3A_689 = arith.constant 5 : i32
      %dma_wait3A_690 = arith.constant 0 : i32
      %dma_wait3A_691 = tpu.memref_slice %arg9[%dma_wait3A_689, %dma_wait3A_690] : memref<16x128xi32, #tpu.memory_space<vmem>> -> memref<1x128xi32, #tpu.memory_space<vmem>>
      %dma_wait3A_692 = tpu.memref_squeeze %dma_wait3A_691 : memref<1x128xi32, #tpu.memory_space<vmem>> -> memref<128xi32, #tpu.memory_space<vmem>>
      %dma_wait3A_693 = arith.constant 0 : i32
      %dma_wait3A_694 = arith.constant 0 : i32
      %dma_wait3A_695 = tpu.memref_slice %arg20[%dma_wait3A_693, %dma_wait3A_694] : memref<10240x128xf32, #tpu.memory_space<vmem_shared>> -> memref<10240x128xf32, #tpu.memory_space<vmem_shared>>
      tpu.wait_indirect_dma semaphore(%arg15 : memref<!tpu.dma_semaphore, #tpu.memory_space<semaphore_mem>>) src(%arg11 : memref<128x128xf32, #tpu.memory_space<vmem>>) dst(%dma_wait3A_695 : memref<10240x128xf32, #tpu.memory_space<vmem_shared>>)
      %dma_start3A_696 = arith.constant 7 : i32
      %dma_start3A_697 = arith.constant 0 : i32
      %dma_start3A_698 = tpu.memref_slice %arg8[%dma_start3A_696, %dma_start3A_697] : memref<16x128xi32, #tpu.memory_space<vmem>> -> memref<1x128xi32, #tpu.memory_space<vmem>>
      %dma_start3A_699 = tpu.memref_squeeze %dma_start3A_698 : memref<1x128xi32, #tpu.memory_space<vmem>> -> memref<128xi32, #tpu.memory_space<vmem>>
      %dma_start3A_700 = arith.constant 0 : i32
      %dma_start3A_701 = arith.constant 0 : i32
      %dma_start3A_702 = tpu.memref_slice %arg2[%dma_start3A_700, %dma_start3A_701] : memref<20480x128xf32, #tpu.memory_space<hbm>> -> memref<20480x128xf32, #tpu.memory_space<hbm>>
      tpu.enqueue_indirect_dma source(%dma_start3A_702 : memref<20480x128xf32, #tpu.memory_space<hbm>>) target(%arg11 : memref<128x128xf32, #tpu.memory_space<vmem>>) offsets(%dma_start3A_699 : memref<128xi32, #tpu.memory_space<vmem>>) semaphore(%arg13 : memref<!tpu.dma_semaphore, #tpu.memory_space<semaphore_mem>>)
      %dma_wait3A_703 = arith.constant 6 : i32
      %dma_wait3A_704 = arith.constant 0 : i32
      %dma_wait3A_705 = tpu.memref_slice %arg8[%dma_wait3A_703, %dma_wait3A_704] : memref<16x128xi32, #tpu.memory_space<vmem>> -> memref<1x128xi32, #tpu.memory_space<vmem>>
      %dma_wait3A_706 = tpu.memref_squeeze %dma_wait3A_705 : memref<1x128xi32, #tpu.memory_space<vmem>> -> memref<128xi32, #tpu.memory_space<vmem>>
      %dma_wait3A_707 = arith.constant 0 : i32
      %dma_wait3A_708 = arith.constant 0 : i32
      %dma_wait3A_709 = tpu.memref_slice %arg2[%dma_wait3A_707, %dma_wait3A_708] : memref<20480x128xf32, #tpu.memory_space<hbm>> -> memref<20480x128xf32, #tpu.memory_space<hbm>>
      tpu.wait_indirect_dma semaphore(%arg12 : memref<!tpu.dma_semaphore, #tpu.memory_space<semaphore_mem>>) src(%dma_wait3A_709 : memref<20480x128xf32, #tpu.memory_space<hbm>>) dst(%arg10 : memref<128x128xf32, #tpu.memory_space<vmem>>)
      %dma_start3A_710 = arith.constant 6 : i32
      %dma_start3A_711 = arith.constant 0 : i32
      %dma_start3A_712 = tpu.memref_slice %arg9[%dma_start3A_710, %dma_start3A_711] : memref<16x128xi32, #tpu.memory_space<vmem>> -> memref<1x128xi32, #tpu.memory_space<vmem>>
      %dma_start3A_713 = tpu.memref_squeeze %dma_start3A_712 : memref<1x128xi32, #tpu.memory_space<vmem>> -> memref<128xi32, #tpu.memory_space<vmem>>
      %dma_start3A_714 = arith.constant 0 : i32
      %dma_start3A_715 = arith.constant 0 : i32
      %dma_start3A_716 = tpu.memref_slice %arg20[%dma_start3A_714, %dma_start3A_715] : memref<10240x128xf32, #tpu.memory_space<vmem_shared>> -> memref<10240x128xf32, #tpu.memory_space<vmem_shared>>
      tpu.enqueue_indirect_dma source(%arg10 : memref<128x128xf32, #tpu.memory_space<vmem>>) target(%dma_start3A_716 : memref<10240x128xf32, #tpu.memory_space<vmem_shared>>) offsets(%dma_start3A_713 : memref<128xi32, #tpu.memory_space<vmem>>) semaphore(%arg14 : memref<!tpu.dma_semaphore, #tpu.memory_space<semaphore_mem>>) {add = true}
      %dma_wait3A_717 = arith.constant 6 : i32
      %dma_wait3A_718 = arith.constant 0 : i32
      %dma_wait3A_719 = tpu.memref_slice %arg9[%dma_wait3A_717, %dma_wait3A_718] : memref<16x128xi32, #tpu.memory_space<vmem>> -> memref<1x128xi32, #tpu.memory_space<vmem>>
      %dma_wait3A_720 = tpu.memref_squeeze %dma_wait3A_719 : memref<1x128xi32, #tpu.memory_space<vmem>> -> memref<128xi32, #tpu.memory_space<vmem>>
      %dma_wait3A_721 = arith.constant 0 : i32
      %dma_wait3A_722 = arith.constant 0 : i32
      %dma_wait3A_723 = tpu.memref_slice %arg20[%dma_wait3A_721, %dma_wait3A_722] : memref<10240x128xf32, #tpu.memory_space<vmem_shared>> -> memref<10240x128xf32, #tpu.memory_space<vmem_shared>>
      tpu.wait_indirect_dma semaphore(%arg14 : memref<!tpu.dma_semaphore, #tpu.memory_space<semaphore_mem>>) src(%arg10 : memref<128x128xf32, #tpu.memory_space<vmem>>) dst(%dma_wait3A_723 : memref<10240x128xf32, #tpu.memory_space<vmem_shared>>)
      %dma_start3A_724 = arith.constant 8 : i32
      %dma_start3A_725 = arith.constant 0 : i32
      %dma_start3A_726 = tpu.memref_slice %arg8[%dma_start3A_724, %dma_start3A_725] : memref<16x128xi32, #tpu.memory_space<vmem>> -> memref<1x128xi32, #tpu.memory_space<vmem>>
      %dma_start3A_727 = tpu.memref_squeeze %dma_start3A_726 : memref<1x128xi32, #tpu.memory_space<vmem>> -> memref<128xi32, #tpu.memory_space<vmem>>
      %dma_start3A_728 = arith.constant 0 : i32
      %dma_start3A_729 = arith.constant 0 : i32
      %dma_start3A_730 = tpu.memref_slice %arg2[%dma_start3A_728, %dma_start3A_729] : memref<20480x128xf32, #tpu.memory_space<hbm>> -> memref<20480x128xf32, #tpu.memory_space<hbm>>
      tpu.enqueue_indirect_dma source(%dma_start3A_730 : memref<20480x128xf32, #tpu.memory_space<hbm>>) target(%arg10 : memref<128x128xf32, #tpu.memory_space<vmem>>) offsets(%dma_start3A_727 : memref<128xi32, #tpu.memory_space<vmem>>) semaphore(%arg12 : memref<!tpu.dma_semaphore, #tpu.memory_space<semaphore_mem>>)
      %dma_wait3A_731 = arith.constant 7 : i32
      %dma_wait3A_732 = arith.constant 0 : i32
      %dma_wait3A_733 = tpu.memref_slice %arg8[%dma_wait3A_731, %dma_wait3A_732] : memref<16x128xi32, #tpu.memory_space<vmem>> -> memref<1x128xi32, #tpu.memory_space<vmem>>
      %dma_wait3A_734 = tpu.memref_squeeze %dma_wait3A_733 : memref<1x128xi32, #tpu.memory_space<vmem>> -> memref<128xi32, #tpu.memory_space<vmem>>
      %dma_wait3A_735 = arith.constant 0 : i32
      %dma_wait3A_736 = arith.constant 0 : i32
      %dma_wait3A_737 = tpu.memref_slice %arg2[%dma_wait3A_735, %dma_wait3A_736] : memref<20480x128xf32, #tpu.memory_space<hbm>> -> memref<20480x128xf32, #tpu.memory_space<hbm>>
      tpu.wait_indirect_dma semaphore(%arg13 : memref<!tpu.dma_semaphore, #tpu.memory_space<semaphore_mem>>) src(%dma_wait3A_737 : memref<20480x128xf32, #tpu.memory_space<hbm>>) dst(%arg11 : memref<128x128xf32, #tpu.memory_space<vmem>>)
      %dma_start3A_738 = arith.constant 7 : i32
      %dma_start3A_739 = arith.constant 0 : i32
      %dma_start3A_740 = tpu.memref_slice %arg9[%dma_start3A_738, %dma_start3A_739] : memref<16x128xi32, #tpu.memory_space<vmem>> -> memref<1x128xi32, #tpu.memory_space<vmem>>
      %dma_start3A_741 = tpu.memref_squeeze %dma_start3A_740 : memref<1x128xi32, #tpu.memory_space<vmem>> -> memref<128xi32, #tpu.memory_space<vmem>>
      %dma_start3A_742 = arith.constant 0 : i32
      %dma_start3A_743 = arith.constant 0 : i32
      %dma_start3A_744 = tpu.memref_slice %arg20[%dma_start3A_742, %dma_start3A_743] : memref<10240x128xf32, #tpu.memory_space<vmem_shared>> -> memref<10240x128xf32, #tpu.memory_space<vmem_shared>>
      tpu.enqueue_indirect_dma source(%arg11 : memref<128x128xf32, #tpu.memory_space<vmem>>) target(%dma_start3A_744 : memref<10240x128xf32, #tpu.memory_space<vmem_shared>>) offsets(%dma_start3A_741 : memref<128xi32, #tpu.memory_space<vmem>>) semaphore(%arg15 : memref<!tpu.dma_semaphore, #tpu.memory_space<semaphore_mem>>) {add = true}
      %dma_wait3A_745 = arith.constant 7 : i32
      %dma_wait3A_746 = arith.constant 0 : i32
      %dma_wait3A_747 = tpu.memref_slice %arg9[%dma_wait3A_745, %dma_wait3A_746] : memref<16x128xi32, #tpu.memory_space<vmem>> -> memref<1x128xi32, #tpu.memory_space<vmem>>
      %dma_wait3A_748 = tpu.memref_squeeze %dma_wait3A_747 : memref<1x128xi32, #tpu.memory_space<vmem>> -> memref<128xi32, #tpu.memory_space<vmem>>
      %dma_wait3A_749 = arith.constant 0 : i32
      %dma_wait3A_750 = arith.constant 0 : i32
      %dma_wait3A_751 = tpu.memref_slice %arg20[%dma_wait3A_749, %dma_wait3A_750] : memref<10240x128xf32, #tpu.memory_space<vmem_shared>> -> memref<10240x128xf32, #tpu.memory_space<vmem_shared>>
      tpu.wait_indirect_dma semaphore(%arg15 : memref<!tpu.dma_semaphore, #tpu.memory_space<semaphore_mem>>) src(%arg11 : memref<128x128xf32, #tpu.memory_space<vmem>>) dst(%dma_wait3A_751 : memref<10240x128xf32, #tpu.memory_space<vmem_shared>>)
      %dma_start3A_752 = arith.constant 9 : i32
      %dma_start3A_753 = arith.constant 0 : i32
      %dma_start3A_754 = tpu.memref_slice %arg8[%dma_start3A_752, %dma_start3A_753] : memref<16x128xi32, #tpu.memory_space<vmem>> -> memref<1x128xi32, #tpu.memory_space<vmem>>
      %dma_start3A_755 = tpu.memref_squeeze %dma_start3A_754 : memref<1x128xi32, #tpu.memory_space<vmem>> -> memref<128xi32, #tpu.memory_space<vmem>>
      %dma_start3A_756 = arith.constant 0 : i32
      %dma_start3A_757 = arith.constant 0 : i32
      %dma_start3A_758 = tpu.memref_slice %arg2[%dma_start3A_756, %dma_start3A_757] : memref<20480x128xf32, #tpu.memory_space<hbm>> -> memref<20480x128xf32, #tpu.memory_space<hbm>>
      tpu.enqueue_indirect_dma source(%dma_start3A_758 : memref<20480x128xf32, #tpu.memory_space<hbm>>) target(%arg11 : memref<128x128xf32, #tpu.memory_space<vmem>>) offsets(%dma_start3A_755 : memref<128xi32, #tpu.memory_space<vmem>>) semaphore(%arg13 : memref<!tpu.dma_semaphore, #tpu.memory_space<semaphore_mem>>)
      %dma_wait3A_759 = arith.constant 8 : i32
      %dma_wait3A_760 = arith.constant 0 : i32
      %dma_wait3A_761 = tpu.memref_slice %arg8[%dma_wait3A_759, %dma_wait3A_760] : memref<16x128xi32, #tpu.memory_space<vmem>> -> memref<1x128xi32, #tpu.memory_space<vmem>>
      %dma_wait3A_762 = tpu.memref_squeeze %dma_wait3A_761 : memref<1x128xi32, #tpu.memory_space<vmem>> -> memref<128xi32, #tpu.memory_space<vmem>>
      %dma_wait3A_763 = arith.constant 0 : i32
      %dma_wait3A_764 = arith.constant 0 : i32
      %dma_wait3A_765 = tpu.memref_slice %arg2[%dma_wait3A_763, %dma_wait3A_764] : memref<20480x128xf32, #tpu.memory_space<hbm>> -> memref<20480x128xf32, #tpu.memory_space<hbm>>
      tpu.wait_indirect_dma semaphore(%arg12 : memref<!tpu.dma_semaphore, #tpu.memory_space<semaphore_mem>>) src(%dma_wait3A_765 : memref<20480x128xf32, #tpu.memory_space<hbm>>) dst(%arg10 : memref<128x128xf32, #tpu.memory_space<vmem>>)
      %dma_start3A_766 = arith.constant 8 : i32
      %dma_start3A_767 = arith.constant 0 : i32
      %dma_start3A_768 = tpu.memref_slice %arg9[%dma_start3A_766, %dma_start3A_767] : memref<16x128xi32, #tpu.memory_space<vmem>> -> memref<1x128xi32, #tpu.memory_space<vmem>>
      %dma_start3A_769 = tpu.memref_squeeze %dma_start3A_768 : memref<1x128xi32, #tpu.memory_space<vmem>> -> memref<128xi32, #tpu.memory_space<vmem>>
      %dma_start3A_770 = arith.constant 0 : i32
      %dma_start3A_771 = arith.constant 0 : i32
      %dma_start3A_772 = tpu.memref_slice %arg20[%dma_start3A_770, %dma_start3A_771] : memref<10240x128xf32, #tpu.memory_space<vmem_shared>> -> memref<10240x128xf32, #tpu.memory_space<vmem_shared>>
      tpu.enqueue_indirect_dma source(%arg10 : memref<128x128xf32, #tpu.memory_space<vmem>>) target(%dma_start3A_772 : memref<10240x128xf32, #tpu.memory_space<vmem_shared>>) offsets(%dma_start3A_769 : memref<128xi32, #tpu.memory_space<vmem>>) semaphore(%arg14 : memref<!tpu.dma_semaphore, #tpu.memory_space<semaphore_mem>>) {add = true}
      %dma_wait3A_773 = arith.constant 8 : i32
      %dma_wait3A_774 = arith.constant 0 : i32
      %dma_wait3A_775 = tpu.memref_slice %arg9[%dma_wait3A_773, %dma_wait3A_774] : memref<16x128xi32, #tpu.memory_space<vmem>> -> memref<1x128xi32, #tpu.memory_space<vmem>>
      %dma_wait3A_776 = tpu.memref_squeeze %dma_wait3A_775 : memref<1x128xi32, #tpu.memory_space<vmem>> -> memref<128xi32, #tpu.memory_space<vmem>>
      %dma_wait3A_777 = arith.constant 0 : i32
      %dma_wait3A_778 = arith.constant 0 : i32
      %dma_wait3A_779 = tpu.memref_slice %arg20[%dma_wait3A_777, %dma_wait3A_778] : memref<10240x128xf32, #tpu.memory_space<vmem_shared>> -> memref<10240x128xf32, #tpu.memory_space<vmem_shared>>
      tpu.wait_indirect_dma semaphore(%arg14 : memref<!tpu.dma_semaphore, #tpu.memory_space<semaphore_mem>>) src(%arg10 : memref<128x128xf32, #tpu.memory_space<vmem>>) dst(%dma_wait3A_779 : memref<10240x128xf32, #tpu.memory_space<vmem_shared>>)
      %dma_start3A_780 = arith.constant 10 : i32
      %dma_start3A_781 = arith.constant 0 : i32
      %dma_start3A_782 = tpu.memref_slice %arg8[%dma_start3A_780, %dma_start3A_781] : memref<16x128xi32, #tpu.memory_space<vmem>> -> memref<1x128xi32, #tpu.memory_space<vmem>>
      %dma_start3A_783 = tpu.memref_squeeze %dma_start3A_782 : memref<1x128xi32, #tpu.memory_space<vmem>> -> memref<128xi32, #tpu.memory_space<vmem>>
      %dma_start3A_784 = arith.constant 0 : i32
      %dma_start3A_785 = arith.constant 0 : i32
      %dma_start3A_786 = tpu.memref_slice %arg2[%dma_start3A_784, %dma_start3A_785] : memref<20480x128xf32, #tpu.memory_space<hbm>> -> memref<20480x128xf32, #tpu.memory_space<hbm>>
      tpu.enqueue_indirect_dma source(%dma_start3A_786 : memref<20480x128xf32, #tpu.memory_space<hbm>>) target(%arg10 : memref<128x128xf32, #tpu.memory_space<vmem>>) offsets(%dma_start3A_783 : memref<128xi32, #tpu.memory_space<vmem>>) semaphore(%arg12 : memref<!tpu.dma_semaphore, #tpu.memory_space<semaphore_mem>>)
      %dma_wait3A_787 = arith.constant 9 : i32
      %dma_wait3A_788 = arith.constant 0 : i32
      %dma_wait3A_789 = tpu.memref_slice %arg8[%dma_wait3A_787, %dma_wait3A_788] : memref<16x128xi32, #tpu.memory_space<vmem>> -> memref<1x128xi32, #tpu.memory_space<vmem>>
      %dma_wait3A_790 = tpu.memref_squeeze %dma_wait3A_789 : memref<1x128xi32, #tpu.memory_space<vmem>> -> memref<128xi32, #tpu.memory_space<vmem>>
      %dma_wait3A_791 = arith.constant 0 : i32
      %dma_wait3A_792 = arith.constant 0 : i32
      %dma_wait3A_793 = tpu.memref_slice %arg2[%dma_wait3A_791, %dma_wait3A_792] : memref<20480x128xf32, #tpu.memory_space<hbm>> -> memref<20480x128xf32, #tpu.memory_space<hbm>>
      tpu.wait_indirect_dma semaphore(%arg13 : memref<!tpu.dma_semaphore, #tpu.memory_space<semaphore_mem>>) src(%dma_wait3A_793 : memref<20480x128xf32, #tpu.memory_space<hbm>>) dst(%arg11 : memref<128x128xf32, #tpu.memory_space<vmem>>)
      %dma_start3A_794 = arith.constant 9 : i32
      %dma_start3A_795 = arith.constant 0 : i32
      %dma_start3A_796 = tpu.memref_slice %arg9[%dma_start3A_794, %dma_start3A_795] : memref<16x128xi32, #tpu.memory_space<vmem>> -> memref<1x128xi32, #tpu.memory_space<vmem>>
      %dma_start3A_797 = tpu.memref_squeeze %dma_start3A_796 : memref<1x128xi32, #tpu.memory_space<vmem>> -> memref<128xi32, #tpu.memory_space<vmem>>
      %dma_start3A_798 = arith.constant 0 : i32
      %dma_start3A_799 = arith.constant 0 : i32
      %dma_start3A_800 = tpu.memref_slice %arg20[%dma_start3A_798, %dma_start3A_799] : memref<10240x128xf32, #tpu.memory_space<vmem_shared>> -> memref<10240x128xf32, #tpu.memory_space<vmem_shared>>
      tpu.enqueue_indirect_dma source(%arg11 : memref<128x128xf32, #tpu.memory_space<vmem>>) target(%dma_start3A_800 : memref<10240x128xf32, #tpu.memory_space<vmem_shared>>) offsets(%dma_start3A_797 : memref<128xi32, #tpu.memory_space<vmem>>) semaphore(%arg15 : memref<!tpu.dma_semaphore, #tpu.memory_space<semaphore_mem>>) {add = true}
      %dma_wait3A_801 = arith.constant 9 : i32
      %dma_wait3A_802 = arith.constant 0 : i32
      %dma_wait3A_803 = tpu.memref_slice %arg9[%dma_wait3A_801, %dma_wait3A_802] : memref<16x128xi32, #tpu.memory_space<vmem>> -> memref<1x128xi32, #tpu.memory_space<vmem>>
      %dma_wait3A_804 = tpu.memref_squeeze %dma_wait3A_803 : memref<1x128xi32, #tpu.memory_space<vmem>> -> memref<128xi32, #tpu.memory_space<vmem>>
      %dma_wait3A_805 = arith.constant 0 : i32
      %dma_wait3A_806 = arith.constant 0 : i32
      %dma_wait3A_807 = tpu.memref_slice %arg20[%dma_wait3A_805, %dma_wait3A_806] : memref<10240x128xf32, #tpu.memory_space<vmem_shared>> -> memref<10240x128xf32, #tpu.memory_space<vmem_shared>>
      tpu.wait_indirect_dma semaphore(%arg15 : memref<!tpu.dma_semaphore, #tpu.memory_space<semaphore_mem>>) src(%arg11 : memref<128x128xf32, #tpu.memory_space<vmem>>) dst(%dma_wait3A_807 : memref<10240x128xf32, #tpu.memory_space<vmem_shared>>)
      %dma_start3A_808 = arith.constant 11 : i32
      %dma_start3A_809 = arith.constant 0 : i32
      %dma_start3A_810 = tpu.memref_slice %arg8[%dma_start3A_808, %dma_start3A_809] : memref<16x128xi32, #tpu.memory_space<vmem>> -> memref<1x128xi32, #tpu.memory_space<vmem>>
      %dma_start3A_811 = tpu.memref_squeeze %dma_start3A_810 : memref<1x128xi32, #tpu.memory_space<vmem>> -> memref<128xi32, #tpu.memory_space<vmem>>
      %dma_start3A_812 = arith.constant 0 : i32
      %dma_start3A_813 = arith.constant 0 : i32
      %dma_start3A_814 = tpu.memref_slice %arg2[%dma_start3A_812, %dma_start3A_813] : memref<20480x128xf32, #tpu.memory_space<hbm>> -> memref<20480x128xf32, #tpu.memory_space<hbm>>
      tpu.enqueue_indirect_dma source(%dma_start3A_814 : memref<20480x128xf32, #tpu.memory_space<hbm>>) target(%arg11 : memref<128x128xf32, #tpu.memory_space<vmem>>) offsets(%dma_start3A_811 : memref<128xi32, #tpu.memory_space<vmem>>) semaphore(%arg13 : memref<!tpu.dma_semaphore, #tpu.memory_space<semaphore_mem>>)
      %dma_wait3A_815 = arith.constant 10 : i32
      %dma_wait3A_816 = arith.constant 0 : i32
      %dma_wait3A_817 = tpu.memref_slice %arg8[%dma_wait3A_815, %dma_wait3A_816] : memref<16x128xi32, #tpu.memory_space<vmem>> -> memref<1x128xi32, #tpu.memory_space<vmem>>
      %dma_wait3A_818 = tpu.memref_squeeze %dma_wait3A_817 : memref<1x128xi32, #tpu.memory_space<vmem>> -> memref<128xi32, #tpu.memory_space<vmem>>
      %dma_wait3A_819 = arith.constant 0 : i32
      %dma_wait3A_820 = arith.constant 0 : i32
      %dma_wait3A_821 = tpu.memref_slice %arg2[%dma_wait3A_819, %dma_wait3A_820] : memref<20480x128xf32, #tpu.memory_space<hbm>> -> memref<20480x128xf32, #tpu.memory_space<hbm>>
      tpu.wait_indirect_dma semaphore(%arg12 : memref<!tpu.dma_semaphore, #tpu.memory_space<semaphore_mem>>) src(%dma_wait3A_821 : memref<20480x128xf32, #tpu.memory_space<hbm>>) dst(%arg10 : memref<128x128xf32, #tpu.memory_space<vmem>>)
      %dma_start3A_822 = arith.constant 10 : i32
      %dma_start3A_823 = arith.constant 0 : i32
      %dma_start3A_824 = tpu.memref_slice %arg9[%dma_start3A_822, %dma_start3A_823] : memref<16x128xi32, #tpu.memory_space<vmem>> -> memref<1x128xi32, #tpu.memory_space<vmem>>
      %dma_start3A_825 = tpu.memref_squeeze %dma_start3A_824 : memref<1x128xi32, #tpu.memory_space<vmem>> -> memref<128xi32, #tpu.memory_space<vmem>>
      %dma_start3A_826 = arith.constant 0 : i32
      %dma_start3A_827 = arith.constant 0 : i32
      %dma_start3A_828 = tpu.memref_slice %arg20[%dma_start3A_826, %dma_start3A_827] : memref<10240x128xf32, #tpu.memory_space<vmem_shared>> -> memref<10240x128xf32, #tpu.memory_space<vmem_shared>>
      tpu.enqueue_indirect_dma source(%arg10 : memref<128x128xf32, #tpu.memory_space<vmem>>) target(%dma_start3A_828 : memref<10240x128xf32, #tpu.memory_space<vmem_shared>>) offsets(%dma_start3A_825 : memref<128xi32, #tpu.memory_space<vmem>>) semaphore(%arg14 : memref<!tpu.dma_semaphore, #tpu.memory_space<semaphore_mem>>) {add = true}
      %dma_wait3A_829 = arith.constant 10 : i32
      %dma_wait3A_830 = arith.constant 0 : i32
      %dma_wait3A_831 = tpu.memref_slice %arg9[%dma_wait3A_829, %dma_wait3A_830] : memref<16x128xi32, #tpu.memory_space<vmem>> -> memref<1x128xi32, #tpu.memory_space<vmem>>
      %dma_wait3A_832 = tpu.memref_squeeze %dma_wait3A_831 : memref<1x128xi32, #tpu.memory_space<vmem>> -> memref<128xi32, #tpu.memory_space<vmem>>
      %dma_wait3A_833 = arith.constant 0 : i32
      %dma_wait3A_834 = arith.constant 0 : i32
      %dma_wait3A_835 = tpu.memref_slice %arg20[%dma_wait3A_833, %dma_wait3A_834] : memref<10240x128xf32, #tpu.memory_space<vmem_shared>> -> memref<10240x128xf32, #tpu.memory_space<vmem_shared>>
      tpu.wait_indirect_dma semaphore(%arg14 : memref<!tpu.dma_semaphore, #tpu.memory_space<semaphore_mem>>) src(%arg10 : memref<128x128xf32, #tpu.memory_space<vmem>>) dst(%dma_wait3A_835 : memref<10240x128xf32, #tpu.memory_space<vmem_shared>>)
      %dma_start3A_836 = arith.constant 12 : i32
      %dma_start3A_837 = arith.constant 0 : i32
      %dma_start3A_838 = tpu.memref_slice %arg8[%dma_start3A_836, %dma_start3A_837] : memref<16x128xi32, #tpu.memory_space<vmem>> -> memref<1x128xi32, #tpu.memory_space<vmem>>
      %dma_start3A_839 = tpu.memref_squeeze %dma_start3A_838 : memref<1x128xi32, #tpu.memory_space<vmem>> -> memref<128xi32, #tpu.memory_space<vmem>>
      %dma_start3A_840 = arith.constant 0 : i32
      %dma_start3A_841 = arith.constant 0 : i32
      %dma_start3A_842 = tpu.memref_slice %arg2[%dma_start3A_840, %dma_start3A_841] : memref<20480x128xf32, #tpu.memory_space<hbm>> -> memref<20480x128xf32, #tpu.memory_space<hbm>>
      tpu.enqueue_indirect_dma source(%dma_start3A_842 : memref<20480x128xf32, #tpu.memory_space<hbm>>) target(%arg10 : memref<128x128xf32, #tpu.memory_space<vmem>>) offsets(%dma_start3A_839 : memref<128xi32, #tpu.memory_space<vmem>>) semaphore(%arg12 : memref<!tpu.dma_semaphore, #tpu.memory_space<semaphore_mem>>)
      %dma_wait3A_843 = arith.constant 11 : i32
      %dma_wait3A_844 = arith.constant 0 : i32
      %dma_wait3A_845 = tpu.memref_slice %arg8[%dma_wait3A_843, %dma_wait3A_844] : memref<16x128xi32, #tpu.memory_space<vmem>> -> memref<1x128xi32, #tpu.memory_space<vmem>>
      %dma_wait3A_846 = tpu.memref_squeeze %dma_wait3A_845 : memref<1x128xi32, #tpu.memory_space<vmem>> -> memref<128xi32, #tpu.memory_space<vmem>>
      %dma_wait3A_847 = arith.constant 0 : i32
      %dma_wait3A_848 = arith.constant 0 : i32
      %dma_wait3A_849 = tpu.memref_slice %arg2[%dma_wait3A_847, %dma_wait3A_848] : memref<20480x128xf32, #tpu.memory_space<hbm>> -> memref<20480x128xf32, #tpu.memory_space<hbm>>
      tpu.wait_indirect_dma semaphore(%arg13 : memref<!tpu.dma_semaphore, #tpu.memory_space<semaphore_mem>>) src(%dma_wait3A_849 : memref<20480x128xf32, #tpu.memory_space<hbm>>) dst(%arg11 : memref<128x128xf32, #tpu.memory_space<vmem>>)
      %dma_start3A_850 = arith.constant 11 : i32
      %dma_start3A_851 = arith.constant 0 : i32
      %dma_start3A_852 = tpu.memref_slice %arg9[%dma_start3A_850, %dma_start3A_851] : memref<16x128xi32, #tpu.memory_space<vmem>> -> memref<1x128xi32, #tpu.memory_space<vmem>>
      %dma_start3A_853 = tpu.memref_squeeze %dma_start3A_852 : memref<1x128xi32, #tpu.memory_space<vmem>> -> memref<128xi32, #tpu.memory_space<vmem>>
      %dma_start3A_854 = arith.constant 0 : i32
      %dma_start3A_855 = arith.constant 0 : i32
      %dma_start3A_856 = tpu.memref_slice %arg20[%dma_start3A_854, %dma_start3A_855] : memref<10240x128xf32, #tpu.memory_space<vmem_shared>> -> memref<10240x128xf32, #tpu.memory_space<vmem_shared>>
      tpu.enqueue_indirect_dma source(%arg11 : memref<128x128xf32, #tpu.memory_space<vmem>>) target(%dma_start3A_856 : memref<10240x128xf32, #tpu.memory_space<vmem_shared>>) offsets(%dma_start3A_853 : memref<128xi32, #tpu.memory_space<vmem>>) semaphore(%arg15 : memref<!tpu.dma_semaphore, #tpu.memory_space<semaphore_mem>>) {add = true}
      %dma_wait3A_857 = arith.constant 11 : i32
      %dma_wait3A_858 = arith.constant 0 : i32
      %dma_wait3A_859 = tpu.memref_slice %arg9[%dma_wait3A_857, %dma_wait3A_858] : memref<16x128xi32, #tpu.memory_space<vmem>> -> memref<1x128xi32, #tpu.memory_space<vmem>>
      %dma_wait3A_860 = tpu.memref_squeeze %dma_wait3A_859 : memref<1x128xi32, #tpu.memory_space<vmem>> -> memref<128xi32, #tpu.memory_space<vmem>>
      %dma_wait3A_861 = arith.constant 0 : i32
      %dma_wait3A_862 = arith.constant 0 : i32
      %dma_wait3A_863 = tpu.memref_slice %arg20[%dma_wait3A_861, %dma_wait3A_862] : memref<10240x128xf32, #tpu.memory_space<vmem_shared>> -> memref<10240x128xf32, #tpu.memory_space<vmem_shared>>
      tpu.wait_indirect_dma semaphore(%arg15 : memref<!tpu.dma_semaphore, #tpu.memory_space<semaphore_mem>>) src(%arg11 : memref<128x128xf32, #tpu.memory_space<vmem>>) dst(%dma_wait3A_863 : memref<10240x128xf32, #tpu.memory_space<vmem_shared>>)
      %dma_start3A_864 = arith.constant 13 : i32
      %dma_start3A_865 = arith.constant 0 : i32
      %dma_start3A_866 = tpu.memref_slice %arg8[%dma_start3A_864, %dma_start3A_865] : memref<16x128xi32, #tpu.memory_space<vmem>> -> memref<1x128xi32, #tpu.memory_space<vmem>>
      %dma_start3A_867 = tpu.memref_squeeze %dma_start3A_866 : memref<1x128xi32, #tpu.memory_space<vmem>> -> memref<128xi32, #tpu.memory_space<vmem>>
      %dma_start3A_868 = arith.constant 0 : i32
      %dma_start3A_869 = arith.constant 0 : i32
      %dma_start3A_870 = tpu.memref_slice %arg2[%dma_start3A_868, %dma_start3A_869] : memref<20480x128xf32, #tpu.memory_space<hbm>> -> memref<20480x128xf32, #tpu.memory_space<hbm>>
      tpu.enqueue_indirect_dma source(%dma_start3A_870 : memref<20480x128xf32, #tpu.memory_space<hbm>>) target(%arg11 : memref<128x128xf32, #tpu.memory_space<vmem>>) offsets(%dma_start3A_867 : memref<128xi32, #tpu.memory_space<vmem>>) semaphore(%arg13 : memref<!tpu.dma_semaphore, #tpu.memory_space<semaphore_mem>>)
      %dma_wait3A_871 = arith.constant 12 : i32
      %dma_wait3A_872 = arith.constant 0 : i32
      %dma_wait3A_873 = tpu.memref_slice %arg8[%dma_wait3A_871, %dma_wait3A_872] : memref<16x128xi32, #tpu.memory_space<vmem>> -> memref<1x128xi32, #tpu.memory_space<vmem>>
      %dma_wait3A_874 = tpu.memref_squeeze %dma_wait3A_873 : memref<1x128xi32, #tpu.memory_space<vmem>> -> memref<128xi32, #tpu.memory_space<vmem>>
      %dma_wait3A_875 = arith.constant 0 : i32
      %dma_wait3A_876 = arith.constant 0 : i32
      %dma_wait3A_877 = tpu.memref_slice %arg2[%dma_wait3A_875, %dma_wait3A_876] : memref<20480x128xf32, #tpu.memory_space<hbm>> -> memref<20480x128xf32, #tpu.memory_space<hbm>>
      tpu.wait_indirect_dma semaphore(%arg12 : memref<!tpu.dma_semaphore, #tpu.memory_space<semaphore_mem>>) src(%dma_wait3A_877 : memref<20480x128xf32, #tpu.memory_space<hbm>>) dst(%arg10 : memref<128x128xf32, #tpu.memory_space<vmem>>)
      %dma_start3A_878 = arith.constant 12 : i32
      %dma_start3A_879 = arith.constant 0 : i32
      %dma_start3A_880 = tpu.memref_slice %arg9[%dma_start3A_878, %dma_start3A_879] : memref<16x128xi32, #tpu.memory_space<vmem>> -> memref<1x128xi32, #tpu.memory_space<vmem>>
      %dma_start3A_881 = tpu.memref_squeeze %dma_start3A_880 : memref<1x128xi32, #tpu.memory_space<vmem>> -> memref<128xi32, #tpu.memory_space<vmem>>
      %dma_start3A_882 = arith.constant 0 : i32
      %dma_start3A_883 = arith.constant 0 : i32
      %dma_start3A_884 = tpu.memref_slice %arg20[%dma_start3A_882, %dma_start3A_883] : memref<10240x128xf32, #tpu.memory_space<vmem_shared>> -> memref<10240x128xf32, #tpu.memory_space<vmem_shared>>
      tpu.enqueue_indirect_dma source(%arg10 : memref<128x128xf32, #tpu.memory_space<vmem>>) target(%dma_start3A_884 : memref<10240x128xf32, #tpu.memory_space<vmem_shared>>) offsets(%dma_start3A_881 : memref<128xi32, #tpu.memory_space<vmem>>) semaphore(%arg14 : memref<!tpu.dma_semaphore, #tpu.memory_space<semaphore_mem>>) {add = true}
      %dma_wait3A_885 = arith.constant 12 : i32
      %dma_wait3A_886 = arith.constant 0 : i32
      %dma_wait3A_887 = tpu.memref_slice %arg9[%dma_wait3A_885, %dma_wait3A_886] : memref<16x128xi32, #tpu.memory_space<vmem>> -> memref<1x128xi32, #tpu.memory_space<vmem>>
      %dma_wait3A_888 = tpu.memref_squeeze %dma_wait3A_887 : memref<1x128xi32, #tpu.memory_space<vmem>> -> memref<128xi32, #tpu.memory_space<vmem>>
      %dma_wait3A_889 = arith.constant 0 : i32
      %dma_wait3A_890 = arith.constant 0 : i32
      %dma_wait3A_891 = tpu.memref_slice %arg20[%dma_wait3A_889, %dma_wait3A_890] : memref<10240x128xf32, #tpu.memory_space<vmem_shared>> -> memref<10240x128xf32, #tpu.memory_space<vmem_shared>>
      tpu.wait_indirect_dma semaphore(%arg14 : memref<!tpu.dma_semaphore, #tpu.memory_space<semaphore_mem>>) src(%arg10 : memref<128x128xf32, #tpu.memory_space<vmem>>) dst(%dma_wait3A_891 : memref<10240x128xf32, #tpu.memory_space<vmem_shared>>)
      %dma_start3A_892 = arith.constant 14 : i32
      %dma_start3A_893 = arith.constant 0 : i32
      %dma_start3A_894 = tpu.memref_slice %arg8[%dma_start3A_892, %dma_start3A_893] : memref<16x128xi32, #tpu.memory_space<vmem>> -> memref<1x128xi32, #tpu.memory_space<vmem>>
      %dma_start3A_895 = tpu.memref_squeeze %dma_start3A_894 : memref<1x128xi32, #tpu.memory_space<vmem>> -> memref<128xi32, #tpu.memory_space<vmem>>
      %dma_start3A_896 = arith.constant 0 : i32
      %dma_start3A_897 = arith.constant 0 : i32
      %dma_start3A_898 = tpu.memref_slice %arg2[%dma_start3A_896, %dma_start3A_897] : memref<20480x128xf32, #tpu.memory_space<hbm>> -> memref<20480x128xf32, #tpu.memory_space<hbm>>
      tpu.enqueue_indirect_dma source(%dma_start3A_898 : memref<20480x128xf32, #tpu.memory_space<hbm>>) target(%arg10 : memref<128x128xf32, #tpu.memory_space<vmem>>) offsets(%dma_start3A_895 : memref<128xi32, #tpu.memory_space<vmem>>) semaphore(%arg12 : memref<!tpu.dma_semaphore, #tpu.memory_space<semaphore_mem>>)
      %dma_wait3A_899 = arith.constant 13 : i32
      %dma_wait3A_900 = arith.constant 0 : i32
      %dma_wait3A_901 = tpu.memref_slice %arg8[%dma_wait3A_899, %dma_wait3A_900] : memref<16x128xi32, #tpu.memory_space<vmem>> -> memref<1x128xi32, #tpu.memory_space<vmem>>
      %dma_wait3A_902 = tpu.memref_squeeze %dma_wait3A_901 : memref<1x128xi32, #tpu.memory_space<vmem>> -> memref<128xi32, #tpu.memory_space<vmem>>
      %dma_wait3A_903 = arith.constant 0 : i32
      %dma_wait3A_904 = arith.constant 0 : i32
      %dma_wait3A_905 = tpu.memref_slice %arg2[%dma_wait3A_903, %dma_wait3A_904] : memref<20480x128xf32, #tpu.memory_space<hbm>> -> memref<20480x128xf32, #tpu.memory_space<hbm>>
      tpu.wait_indirect_dma semaphore(%arg13 : memref<!tpu.dma_semaphore, #tpu.memory_space<semaphore_mem>>) src(%dma_wait3A_905 : memref<20480x128xf32, #tpu.memory_space<hbm>>) dst(%arg11 : memref<128x128xf32, #tpu.memory_space<vmem>>)
      %dma_start3A_906 = arith.constant 13 : i32
      %dma_start3A_907 = arith.constant 0 : i32
      %dma_start3A_908 = tpu.memref_slice %arg9[%dma_start3A_906, %dma_start3A_907] : memref<16x128xi32, #tpu.memory_space<vmem>> -> memref<1x128xi32, #tpu.memory_space<vmem>>
      %dma_start3A_909 = tpu.memref_squeeze %dma_start3A_908 : memref<1x128xi32, #tpu.memory_space<vmem>> -> memref<128xi32, #tpu.memory_space<vmem>>
      %dma_start3A_910 = arith.constant 0 : i32
      %dma_start3A_911 = arith.constant 0 : i32
      %dma_start3A_912 = tpu.memref_slice %arg20[%dma_start3A_910, %dma_start3A_911] : memref<10240x128xf32, #tpu.memory_space<vmem_shared>> -> memref<10240x128xf32, #tpu.memory_space<vmem_shared>>
      tpu.enqueue_indirect_dma source(%arg11 : memref<128x128xf32, #tpu.memory_space<vmem>>) target(%dma_start3A_912 : memref<10240x128xf32, #tpu.memory_space<vmem_shared>>) offsets(%dma_start3A_909 : memref<128xi32, #tpu.memory_space<vmem>>) semaphore(%arg15 : memref<!tpu.dma_semaphore, #tpu.memory_space<semaphore_mem>>) {add = true}
      %dma_wait3A_913 = arith.constant 13 : i32
      %dma_wait3A_914 = arith.constant 0 : i32
      %dma_wait3A_915 = tpu.memref_slice %arg9[%dma_wait3A_913, %dma_wait3A_914] : memref<16x128xi32, #tpu.memory_space<vmem>> -> memref<1x128xi32, #tpu.memory_space<vmem>>
      %dma_wait3A_916 = tpu.memref_squeeze %dma_wait3A_915 : memref<1x128xi32, #tpu.memory_space<vmem>> -> memref<128xi32, #tpu.memory_space<vmem>>
      %dma_wait3A_917 = arith.constant 0 : i32
      %dma_wait3A_918 = arith.constant 0 : i32
      %dma_wait3A_919 = tpu.memref_slice %arg20[%dma_wait3A_917, %dma_wait3A_918] : memref<10240x128xf32, #tpu.memory_space<vmem_shared>> -> memref<10240x128xf32, #tpu.memory_space<vmem_shared>>
      tpu.wait_indirect_dma semaphore(%arg15 : memref<!tpu.dma_semaphore, #tpu.memory_space<semaphore_mem>>) src(%arg11 : memref<128x128xf32, #tpu.memory_space<vmem>>) dst(%dma_wait3A_919 : memref<10240x128xf32, #tpu.memory_space<vmem_shared>>)
      %dma_start3A_920 = arith.constant 15 : i32
      %dma_start3A_921 = arith.constant 0 : i32
      %dma_start3A_922 = tpu.memref_slice %arg8[%dma_start3A_920, %dma_start3A_921] : memref<16x128xi32, #tpu.memory_space<vmem>> -> memref<1x128xi32, #tpu.memory_space<vmem>>
      %dma_start3A_923 = tpu.memref_squeeze %dma_start3A_922 : memref<1x128xi32, #tpu.memory_space<vmem>> -> memref<128xi32, #tpu.memory_space<vmem>>
      %dma_start3A_924 = arith.constant 0 : i32
      %dma_start3A_925 = arith.constant 0 : i32
      %dma_start3A_926 = tpu.memref_slice %arg2[%dma_start3A_924, %dma_start3A_925] : memref<20480x128xf32, #tpu.memory_space<hbm>> -> memref<20480x128xf32, #tpu.memory_space<hbm>>
      tpu.enqueue_indirect_dma source(%dma_start3A_926 : memref<20480x128xf32, #tpu.memory_space<hbm>>) target(%arg11 : memref<128x128xf32, #tpu.memory_space<vmem>>) offsets(%dma_start3A_923 : memref<128xi32, #tpu.memory_space<vmem>>) semaphore(%arg13 : memref<!tpu.dma_semaphore, #tpu.memory_space<semaphore_mem>>)
      %dma_wait3A_927 = arith.constant 14 : i32
      %dma_wait3A_928 = arith.constant 0 : i32
      %dma_wait3A_929 = tpu.memref_slice %arg8[%dma_wait3A_927, %dma_wait3A_928] : memref<16x128xi32, #tpu.memory_space<vmem>> -> memref<1x128xi32, #tpu.memory_space<vmem>>
      %dma_wait3A_930 = tpu.memref_squeeze %dma_wait3A_929 : memref<1x128xi32, #tpu.memory_space<vmem>> -> memref<128xi32, #tpu.memory_space<vmem>>
      %dma_wait3A_931 = arith.constant 0 : i32
      %dma_wait3A_932 = arith.constant 0 : i32
      %dma_wait3A_933 = tpu.memref_slice %arg2[%dma_wait3A_931, %dma_wait3A_932] : memref<20480x128xf32, #tpu.memory_space<hbm>> -> memref<20480x128xf32, #tpu.memory_space<hbm>>
      tpu.wait_indirect_dma semaphore(%arg12 : memref<!tpu.dma_semaphore, #tpu.memory_space<semaphore_mem>>) src(%dma_wait3A_933 : memref<20480x128xf32, #tpu.memory_space<hbm>>) dst(%arg10 : memref<128x128xf32, #tpu.memory_space<vmem>>)
      %dma_start3A_934 = arith.constant 14 : i32
      %dma_start3A_935 = arith.constant 0 : i32
      %dma_start3A_936 = tpu.memref_slice %arg9[%dma_start3A_934, %dma_start3A_935] : memref<16x128xi32, #tpu.memory_space<vmem>> -> memref<1x128xi32, #tpu.memory_space<vmem>>
      %dma_start3A_937 = tpu.memref_squeeze %dma_start3A_936 : memref<1x128xi32, #tpu.memory_space<vmem>> -> memref<128xi32, #tpu.memory_space<vmem>>
      %dma_start3A_938 = arith.constant 0 : i32
      %dma_start3A_939 = arith.constant 0 : i32
      %dma_start3A_940 = tpu.memref_slice %arg20[%dma_start3A_938, %dma_start3A_939] : memref<10240x128xf32, #tpu.memory_space<vmem_shared>> -> memref<10240x128xf32, #tpu.memory_space<vmem_shared>>
      tpu.enqueue_indirect_dma source(%arg10 : memref<128x128xf32, #tpu.memory_space<vmem>>) target(%dma_start3A_940 : memref<10240x128xf32, #tpu.memory_space<vmem_shared>>) offsets(%dma_start3A_937 : memref<128xi32, #tpu.memory_space<vmem>>) semaphore(%arg14 : memref<!tpu.dma_semaphore, #tpu.memory_space<semaphore_mem>>) {add = true}
      %dma_wait3A_941 = arith.constant 15 : i32
      %dma_wait3A_942 = arith.constant 0 : i32
      %dma_wait3A_943 = tpu.memref_slice %arg8[%dma_wait3A_941, %dma_wait3A_942] : memref<16x128xi32, #tpu.memory_space<vmem>> -> memref<1x128xi32, #tpu.memory_space<vmem>>
      %dma_wait3A_944 = tpu.memref_squeeze %dma_wait3A_943 : memref<1x128xi32, #tpu.memory_space<vmem>> -> memref<128xi32, #tpu.memory_space<vmem>>
      %dma_wait3A_945 = arith.constant 0 : i32
      %dma_wait3A_946 = arith.constant 0 : i32
      %dma_wait3A_947 = tpu.memref_slice %arg2[%dma_wait3A_945, %dma_wait3A_946] : memref<20480x128xf32, #tpu.memory_space<hbm>> -> memref<20480x128xf32, #tpu.memory_space<hbm>>
      tpu.wait_indirect_dma semaphore(%arg13 : memref<!tpu.dma_semaphore, #tpu.memory_space<semaphore_mem>>) src(%dma_wait3A_947 : memref<20480x128xf32, #tpu.memory_space<hbm>>) dst(%arg11 : memref<128x128xf32, #tpu.memory_space<vmem>>)
      %dma_start3A_948 = arith.constant 15 : i32
      %dma_start3A_949 = arith.constant 0 : i32
      %dma_start3A_950 = tpu.memref_slice %arg9[%dma_start3A_948, %dma_start3A_949] : memref<16x128xi32, #tpu.memory_space<vmem>> -> memref<1x128xi32, #tpu.memory_space<vmem>>
      %dma_start3A_951 = tpu.memref_squeeze %dma_start3A_950 : memref<1x128xi32, #tpu.memory_space<vmem>> -> memref<128xi32, #tpu.memory_space<vmem>>
      %dma_start3A_952 = arith.constant 0 : i32
      %dma_start3A_953 = arith.constant 0 : i32
      %dma_start3A_954 = tpu.memref_slice %arg20[%dma_start3A_952, %dma_start3A_953] : memref<10240x128xf32, #tpu.memory_space<vmem_shared>> -> memref<10240x128xf32, #tpu.memory_space<vmem_shared>>
      tpu.enqueue_indirect_dma source(%arg11 : memref<128x128xf32, #tpu.memory_space<vmem>>) target(%dma_start3A_954 : memref<10240x128xf32, #tpu.memory_space<vmem_shared>>) offsets(%dma_start3A_951 : memref<128xi32, #tpu.memory_space<vmem>>) semaphore(%arg15 : memref<!tpu.dma_semaphore, #tpu.memory_space<semaphore_mem>>) {add = true}
      %dma_wait3A_955 = arith.constant 14 : i32
      %dma_wait3A_956 = arith.constant 0 : i32
      %dma_wait3A_957 = tpu.memref_slice %arg9[%dma_wait3A_955, %dma_wait3A_956] : memref<16x128xi32, #tpu.memory_space<vmem>> -> memref<1x128xi32, #tpu.memory_space<vmem>>
      %dma_wait3A_958 = tpu.memref_squeeze %dma_wait3A_957 : memref<1x128xi32, #tpu.memory_space<vmem>> -> memref<128xi32, #tpu.memory_space<vmem>>
      %dma_wait3A_959 = arith.constant 0 : i32
      %dma_wait3A_960 = arith.constant 0 : i32
      %dma_wait3A_961 = tpu.memref_slice %arg20[%dma_wait3A_959, %dma_wait3A_960] : memref<10240x128xf32, #tpu.memory_space<vmem_shared>> -> memref<10240x128xf32, #tpu.memory_space<vmem_shared>>
      tpu.wait_indirect_dma semaphore(%arg14 : memref<!tpu.dma_semaphore, #tpu.memory_space<semaphore_mem>>) src(%arg10 : memref<128x128xf32, #tpu.memory_space<vmem>>) dst(%dma_wait3A_961 : memref<10240x128xf32, #tpu.memory_space<vmem_shared>>)
      %dma_wait3A_962 = arith.constant 15 : i32
      %dma_wait3A_963 = arith.constant 0 : i32
      %dma_wait3A_964 = tpu.memref_slice %arg9[%dma_wait3A_962, %dma_wait3A_963] : memref<16x128xi32, #tpu.memory_space<vmem>> -> memref<1x128xi32, #tpu.memory_space<vmem>>
      %dma_wait3A_965 = tpu.memref_squeeze %dma_wait3A_964 : memref<1x128xi32, #tpu.memory_space<vmem>> -> memref<128xi32, #tpu.memory_space<vmem>>
      %dma_wait3A_966 = arith.constant 0 : i32
      %dma_wait3A_967 = arith.constant 0 : i32
      %dma_wait3A_968 = tpu.memref_slice %arg20[%dma_wait3A_966, %dma_wait3A_967] : memref<10240x128xf32, #tpu.memory_space<vmem_shared>> -> memref<10240x128xf32, #tpu.memory_space<vmem_shared>>
      tpu.wait_indirect_dma semaphore(%arg15 : memref<!tpu.dma_semaphore, #tpu.memory_space<semaphore_mem>>) src(%arg11 : memref<128x128xf32, #tpu.memory_space<vmem>>) dst(%dma_wait3A_968 : memref<10240x128xf32, #tpu.memory_space<vmem_shared>>)
      %add3A_969 = arith.constant 32 : i32
      %add3A_970 = arith.addi %add3A_51, %add3A_969 : i32
      %add3A_971 = arith.constant 16 : i32
      %add3A_972 = arith.addi %add3A_970, %add3A_971 : i32
      %lt3A_973 = arith.constant 160 : i32
      %lt3A_974 = arith.cmpi slt, %add3A_972, %lt3A_973 : i32
      %convert_element_type3A_975 = arith.extui %lt3A_974 : i1 to i32
      %cond3A_976 = arith.constant 0 : i32
      %cond3A_977 = arith.cmpi ne, %convert_element_type3A_975, %cond3A_976 : i32
      scf.if %cond3A_977 {
        %add3A_978 = arith.addi %mul3A_11, %add3A_972 : i32
        %dma_start3A_979 = arith.constant 0 : i32
        %dma_start3A_980 = tpu.memref_slice %arg3[%add3A_978, %dma_start3A_979] : memref<5120x128xi32, #tpu.memory_space<hbm>> -> memref<16x128xi32, #tpu.memory_space<hbm>>
        %dma_start3A_981 = arith.constant 0 : i32
        %dma_start3A_982 = tpu.memref_slice %arg3[%add3A_978, %dma_start3A_981] : memref<5120x128xi32, #tpu.memory_space<hbm>> -> memref<16x128xi32, #tpu.memory_space<hbm>>
        tpu.enqueue_dma source(%dma_start3A_982 : memref<16x128xi32, #tpu.memory_space<hbm>>) target(%arg8 : memref<16x128xi32, #tpu.memory_space<vmem>>) target_semaphore(%arg18 : memref<!tpu.dma_semaphore, #tpu.memory_space<semaphore_mem>>)
        %add3A_983 = arith.addi %mul3A_13, %add3A_972 : i32
        %dma_start3A_984 = arith.constant 0 : i32
        %dma_start3A_985 = tpu.memref_slice %arg4[%add3A_983, %dma_start3A_984] : memref<2560x128xi32, #tpu.memory_space<hbm>> -> memref<16x128xi32, #tpu.memory_space<hbm>>
        %dma_start3A_986 = arith.constant 0 : i32
        %dma_start3A_987 = tpu.memref_slice %arg4[%add3A_983, %dma_start3A_986] : memref<2560x128xi32, #tpu.memory_space<hbm>> -> memref<16x128xi32, #tpu.memory_space<hbm>>
        tpu.enqueue_dma source(%dma_start3A_987 : memref<16x128xi32, #tpu.memory_space<hbm>>) target(%arg9 : memref<16x128xi32, #tpu.memory_space<vmem>>) target_semaphore(%arg19 : memref<!tpu.dma_semaphore, #tpu.memory_space<semaphore_mem>>)
      } else {
      }
    }
    %scan3A_41 = arith.constant 5 : i32
    %barrier3A_42 = arith.constant 0 : index
    tpu.barrier barrier_id(%barrier3A_42)
    %mul3A_43 = arith.constant 640 : i32
    %mul3A_44 = arith.muli %arg1, %mul3A_43 : i32
    %mul3A_45 = arith.constant 640 : i32
    %mul3A_46 = arith.muli %arg1, %mul3A_45 : i32
    "tpu.region"() ({
      %run_scoped3A = tpu.sem_alloc : memref<!tpu.dma_semaphore, #tpu.memory_space<semaphore_mem>>
      %dma_start3A_47 = arith.constant 0 : i32
      %dma_start3A_48 = tpu.memref_slice %arg5[%arg0, %mul3A_46, %dma_start3A_47] : memref<2x10240x128xf32, #tpu.memory_space<hbm>> -> memref<1x640x128xf32, #tpu.memory_space<hbm>>
      %dma_start3A_49 = tpu.memref_squeeze %dma_start3A_48 : memref<1x640x128xf32, #tpu.memory_space<hbm>> -> memref<640x128xf32, #tpu.memory_space<hbm>>
      %dma_start3A_50 = arith.constant 0 : i32
      %dma_start3A_51 = tpu.memref_slice %arg20[%mul3A_44, %dma_start3A_50] : memref<10240x128xf32, #tpu.memory_space<vmem_shared>> -> memref<640x128xf32, #tpu.memory_space<vmem_shared>>
      tpu.enqueue_dma source(%dma_start3A_51 : memref<640x128xf32, #tpu.memory_space<vmem_shared>>) target(%dma_start3A_49 : memref<640x128xf32, #tpu.memory_space<hbm>>) target_semaphore(%run_scoped3A : memref<!tpu.dma_semaphore, #tpu.memory_space<semaphore_mem>>)
      %dma_wait3A = arith.constant 0 : i32
      %dma_wait3A_52 = tpu.memref_slice %arg5[%arg0, %mul3A_46, %dma_wait3A] : memref<2x10240x128xf32, #tpu.memory_space<hbm>> -> memref<1x640x128xf32, #tpu.memory_space<hbm>>
      %dma_wait3A_53 = tpu.memref_squeeze %dma_wait3A_52 : memref<1x640x128xf32, #tpu.memory_space<hbm>> -> memref<640x128xf32, #tpu.memory_space<hbm>>
      %dma_wait3A_54 = arith.constant 0 : i32
      %dma_wait3A_55 = tpu.memref_slice %arg20[%mul3A_44, %dma_wait3A_54] : memref<10240x128xf32, #tpu.memory_space<vmem_shared>> -> memref<640x128xf32, #tpu.memory_space<vmem_shared>>
      tpu.wait_dma2 semaphore(%run_scoped3A : memref<!tpu.dma_semaphore, #tpu.memory_space<semaphore_mem>>) src(%dma_wait3A_55 : memref<640x128xf32, #tpu.memory_space<vmem_shared>>) dst(%dma_wait3A_53 : memref<640x128xf32, #tpu.memory_space<hbm>>)
      tpu.yield
    }) : () -> ()
    return
  }
}

module attributes {stable_mosaic.version = 14 : i64} {
  func.func @_mv_body(%arg0: i32, %arg1: memref<512x128xf32, #tpu.memory_space<vmem>>, %arg2: memref<128x128xf32, #tpu.memory_space<vmem>>, %arg3: memref<128x128xf32, #tpu.memory_space<vmem>>, %arg4: memref<1x128xf32, #tpu.memory_space<vmem>>, %arg5: memref<1x128xf32, #tpu.memory_space<vmem>>, %arg6: memref<512x128xf32, #tpu.memory_space<vmem>>, %arg7: memref<512x128xf32, #tpu.memory_space<vmem>>) attributes {dimension_semantics = [#tpu.dimension_semantics<arbitrary>], iteration_bounds = array<i64: 20>, scalar_prefetch = 0 : i64, scratch_operands = 0 : i64, tpu.core_type = #tpu.core_type<tc>, window_params = [{transform_indices = @transform_0, window_bounds = array<i64: 512, 128>}, {pipeline_mode = #tpu.pipeline_mode<synchronous>, transform_indices = @transform_1, window_bounds = array<i64: 128, 128>}, {pipeline_mode = #tpu.pipeline_mode<synchronous>, transform_indices = @transform_2, window_bounds = array<i64: 128, 128>}, {pipeline_mode = #tpu.pipeline_mode<synchronous>, transform_indices = @transform_3, window_bounds = array<i64: 1, 128>}, {pipeline_mode = #tpu.pipeline_mode<synchronous>, transform_indices = @transform_4, window_bounds = array<i64: 1, 128>}, {transform_indices = @transform_5, window_bounds = array<i64: 512, 128>}, {transform_indices = @transform_6, window_bounds = array<i64: 512, 128>}]} {
    %get3A = arith.constant 0 : index
    %get3A_0 = arith.constant 0 : index
    %get3A_1 = vector.load %arg1[%get3A, %get3A_0] : memref<512x128xf32, #tpu.memory_space<vmem>>, vector<512x128xf32>
    %get3A_2 = arith.constant 0 : index
    %get3A_3 = arith.constant 0 : index
    %get3A_4 = vector.load %arg2[%get3A_2, %get3A_3] : memref<128x128xf32, #tpu.memory_space<vmem>>, vector<128x128xf32>
    %dot_general3A = arith.constant dense<0.000000e+00> : vector<512x128xf32>
    %dot_general3A_5 = tpu.matmul %get3A_1, %get3A_4, %dot_general3A {dimension_numbers = #tpu.dot_dimension_numbers<[1], [0], [0], [1], [0, 0, 1, 1], [], []>, transpose_lhs_hint = false} : vector<512x128xf32>, vector<128x128xf32>, vector<512x128xf32> -> vector<512x128xf32>
    %get3A_6 = arith.constant 0 : index
    %get3A_7 = arith.constant 0 : index
    %get3A_8 = vector.load %arg3[%get3A_6, %get3A_7] : memref<128x128xf32, #tpu.memory_space<vmem>>, vector<128x128xf32>
    %dot_general3A_9 = arith.constant dense<0.000000e+00> : vector<512x128xf32>
    %dot_general3A_10 = tpu.matmul %get3A_1, %get3A_8, %dot_general3A_9 {dimension_numbers = #tpu.dot_dimension_numbers<[1], [0], [0], [1], [0, 0, 1, 1], [], []>, transpose_lhs_hint = false} : vector<512x128xf32>, vector<128x128xf32>, vector<512x128xf32> -> vector<512x128xf32>
    %get3A_11 = arith.constant 0 : index
    %get3A_12 = arith.constant 0 : index
    %get3A_13 = vector.load %arg4[%get3A_11, %get3A_12] : memref<1x128xf32, #tpu.memory_space<vmem>>, vector<1x128xf32>
    %add3A = vector.broadcast %get3A_13 : vector<1x128xf32> to vector<512x128xf32>
    %add3A_14 = arith.addf %dot_general3A_5, %add3A : vector<512x128xf32>
    %max3A = arith.constant 0.000000e+00 : f32
    %max3A_15 = vector.broadcast %max3A : f32 to vector<512x128xf32>
    %max3A_16 = arith.maximumf %add3A_14, %max3A_15 : vector<512x128xf32>
    %get3A_17 = arith.constant 0 : index
    %get3A_18 = arith.constant 0 : index
    %get3A_19 = vector.load %arg5[%get3A_17, %get3A_18] : memref<1x128xf32, #tpu.memory_space<vmem>>, vector<1x128xf32>
    %add3A_20 = vector.broadcast %get3A_19 : vector<1x128xf32> to vector<512x128xf32>
    %add3A_21 = arith.addf %dot_general3A_10, %add3A_20 : vector<512x128xf32>
    %max3A_22 = arith.constant 0.000000e+00 : f32
    %max3A_23 = vector.broadcast %max3A_22 : f32 to vector<512x128xf32>
    %max3A_24 = arith.maximumf %add3A_21, %max3A_23 : vector<512x128xf32>
    %neg3A = arith.constant 0.000000e+00 : f32
    %neg3A_25 = vector.broadcast %neg3A : f32 to vector<512x128xf32>
    %neg3A_26 = arith.subf %neg3A_25, %max3A_24 : vector<512x128xf32>
    %exp3A = math.exp %neg3A_26 : vector<512x128xf32>
    %mul3A = arith.mulf %max3A_16, %exp3A : vector<512x128xf32>
    %swap3A = arith.constant 0 : index
    %swap3A_27 = arith.constant 0 : index
    %swap3A_28 = vector.load %arg6[%swap3A, %swap3A_27] : memref<512x128xf32, #tpu.memory_space<vmem>>, vector<512x128xf32>
    tpu.vector_store %arg6[%swap3A, %swap3A_27], %mul3A {strides = array<i32>} : memref<512x128xf32, #tpu.memory_space<vmem>>, vector<512x128xf32>,
    %mul3A_29 = arith.mulf %max3A_24, %exp3A : vector<512x128xf32>
    %mul3A_30 = arith.mulf %mul3A_29, %exp3A : vector<512x128xf32>
    %swap3A_31 = arith.constant 0 : index
    %swap3A_32 = arith.constant 0 : index
    %swap3A_33 = vector.load %arg7[%swap3A_31, %swap3A_32] : memref<512x128xf32, #tpu.memory_space<vmem>>, vector<512x128xf32>
    tpu.vector_store %arg7[%swap3A_31, %swap3A_32], %mul3A_30 {strides = array<i32>} : memref<512x128xf32, #tpu.memory_space<vmem>>, vector<512x128xf32>,
    return
  }
  func.func @transform_0(%arg0: i32) -> (i32, i32) {
    %c0_i32 = arith.constant 0 : i32
    %c0_i32_0 = arith.constant 0 : i32
    return %arg0, %c0_i32 : i32, i32
  }
  func.func @transform_1(%arg0: i32) -> (i32, i32) {
    %c0_i32 = arith.constant 0 : i32
    %c0_i32_0 = arith.constant 0 : i32
    %c0_i32_1 = arith.constant 0 : i32
    return %c0_i32, %c0_i32_0 : i32, i32
  }
  func.func @transform_2(%arg0: i32) -> (i32, i32) {
    %c0_i32 = arith.constant 0 : i32
    %c0_i32_0 = arith.constant 0 : i32
    %c0_i32_1 = arith.constant 0 : i32
    return %c0_i32, %c0_i32_0 : i32, i32
  }
  func.func @transform_3(%arg0: i32) -> (i32, i32) {
    %c0_i32 = arith.constant 0 : i32
    %c0_i32_0 = arith.constant 0 : i32
    %c0_i32_1 = arith.constant 0 : i32
    return %c0_i32, %c0_i32_0 : i32, i32
  }
  func.func @transform_4(%arg0: i32) -> (i32, i32) {
    %c0_i32 = arith.constant 0 : i32
    %c0_i32_0 = arith.constant 0 : i32
    %c0_i32_1 = arith.constant 0 : i32
    return %c0_i32, %c0_i32_0 : i32, i32
  }
  func.func @transform_5(%arg0: i32) -> (i32, i32) {
    %c0_i32 = arith.constant 0 : i32
    %c0_i32_0 = arith.constant 0 : i32
    return %arg0, %c0_i32 : i32, i32
  }
  func.func @transform_6(%arg0: i32) -> (i32, i32) {
    %c0_i32 = arith.constant 0 : i32
    %c0_i32_0 = arith.constant 0 : i32
    return %arg0, %c0_i32 : i32, i32
  }
}

module attributes {stable_mosaic.version = 14 : i64} {
  func.func @_table_body(%arg0: i32, %arg1: i32, %arg2: memref<2x512x16xf32, #tpu.memory_space<vmem>>, %arg3: memref<512x128xf32, #tpu.memory_space<vmem>>, %arg4: memref<512x128xf32, #tpu.memory_space<vmem>>, %arg5: memref<512x128xf32, #tpu.memory_space<vmem>>) attributes {dimension_semantics = [#tpu.dimension_semantics<arbitrary>, #tpu.dimension_semantics<arbitrary>], iteration_bounds = array<i64: 2, 20>, scalar_prefetch = 0 : i64, scratch_operands = 0 : i64, tpu.core_type = #tpu.core_type<tc>, window_params = [{transform_indices = @transform_0, window_bounds = array<i64: 2, 512, 16>}, {transform_indices = @transform_1, window_bounds = array<i64: 512, 128>}, {transform_indices = @transform_2, window_bounds = array<i64: 512, 128>}, {transform_indices = @transform_3, window_bounds = array<i64: 512, 128>}]} {
    %get3A = arith.constant 0 : index
    %get3A_0 = arith.constant 0 : index
    %get3A_1 = arith.constant 0 : index
    %get3A_2 = vector.load %arg2[%get3A, %get3A_0, %get3A_1] : memref<2x512x16xf32, #tpu.memory_space<vmem>>, vector<1x512x1xf32>
    %get3A_3 = vector.shape_cast %get3A_2 : vector<1x512x1xf32> to vector<512xf32>
    %add3A = arith.constant 1.000000e+00 : f32
    %add3A_4 = vector.broadcast %add3A : f32 to vector<512xf32>
    %add3A_5 = arith.addf %add3A_4, %get3A_3 : vector<512xf32>
    %get3A_6 = arith.constant 1 : index
    %get3A_7 = arith.constant 0 : index
    %get3A_8 = arith.constant 0 : index
    %get3A_9 = vector.load %arg2[%get3A_6, %get3A_7, %get3A_8] : memref<2x512x16xf32, #tpu.memory_space<vmem>>, vector<1x512x1xf32>
    %get3A_10 = vector.shape_cast %get3A_9 : vector<1x512x1xf32> to vector<512xf32>
    %add3A_11 = arith.addf %add3A_5, %get3A_10 : vector<512xf32>
    %rsqrt3A = math.rsqrt %add3A_11 : vector<512xf32>
    %broadcast_in_dim3A = vector.shape_cast %rsqrt3A : vector<512xf32> to vector<512x1xf32>
    %get3A_12 = arith.constant 0 : index
    %get3A_13 = arith.constant 0 : index
    %get3A_14 = vector.load %arg3[%get3A_12, %get3A_13] : memref<512x128xf32, #tpu.memory_space<vmem>>, vector<512x128xf32>
    %mul3A = vector.broadcast %broadcast_in_dim3A : vector<512x1xf32> to vector<512x128xf32>
    %mul3A_15 = arith.mulf %mul3A, %get3A_14 : vector<512x128xf32>
    %mul3A_16 = arith.mulf %rsqrt3A, %rsqrt3A : vector<512xf32>
    %broadcast_in_dim3A_17 = vector.shape_cast %mul3A_16 : vector<512xf32> to vector<512x1xf32>
    %get3A_18 = arith.constant 0 : index
    %get3A_19 = arith.constant 0 : index
    %get3A_20 = vector.load %arg4[%get3A_18, %get3A_19] : memref<512x128xf32, #tpu.memory_space<vmem>>, vector<512x128xf32>
    %mul3A_21 = vector.broadcast %broadcast_in_dim3A_17 : vector<512x1xf32> to vector<512x128xf32>
    %mul3A_22 = arith.mulf %mul3A_21, %get3A_20 : vector<512x128xf32>
    %eq3A = arith.constant 0 : i32
    %eq3A_23 = arith.cmpi eq, %arg0, %eq3A : i32
    %select_n3A = arith.select %eq3A_23, %mul3A_15, %mul3A_22 : vector<512x128xf32>
    %swap3A = arith.constant 0 : index
    %swap3A_24 = arith.constant 0 : index
    %swap3A_25 = vector.load %arg5[%swap3A, %swap3A_24] : memref<512x128xf32, #tpu.memory_space<vmem>>, vector<512x128xf32>
    tpu.vector_store %arg5[%swap3A, %swap3A_24], %select_n3A {strides = array<i32>} : memref<512x128xf32, #tpu.memory_space<vmem>>, vector<512x128xf32>,
    return
  }
  func.func @transform_0(%arg0: i32, %arg1: i32) -> (i32, i32, i32) {
    %c0_i32 = arith.constant 0 : i32
    %c0_i32_0 = arith.constant 0 : i32
    %c0_i32_1 = arith.constant 0 : i32
    return %c0_i32, %arg1, %c0_i32_0 : i32, i32, i32
  }
  func.func @transform_1(%arg0: i32, %arg1: i32) -> (i32, i32) {
    %c0_i32 = arith.constant 0 : i32
    %c0_i32_0 = arith.constant 0 : i32
    return %arg1, %c0_i32 : i32, i32
  }
  func.func @transform_2(%arg0: i32, %arg1: i32) -> (i32, i32) {
    %c0_i32 = arith.constant 0 : i32
    %c0_i32_0 = arith.constant 0 : i32
    return %arg1, %c0_i32 : i32, i32
  }
  func.func @transform_3(%arg0: i32, %arg1: i32) -> (i32, i32) {
    %mul3A = arith.constant 20 : i32
    %mul3A_0 = arith.muli %arg0, %mul3A : i32
    %add3A = arith.addi %mul3A_0, %arg1 : i32
    %c0_i32 = arith.constant 0 : i32
    %c0_i32_1 = arith.constant 0 : i32
    return %add3A, %c0_i32 : i32, i32
  }
}

module attributes {stable_mosaic.version = 14 : i64} {
  func.func @_final_body(%arg0: i32, %arg1: memref<2x512x16xf32, #tpu.memory_space<vmem>>, %arg2: memref<2x512x128xf32, #tpu.memory_space<vmem>>, %arg3: memref<512x128xf32, #tpu.memory_space<vmem>>, %arg4: memref<512x128xf32, #tpu.memory_space<vmem>>, %arg5: memref<512x128xf32, #tpu.memory_space<vmem>>, %arg6: memref<512x128xf32, #tpu.memory_space<vmem>>) attributes {dimension_semantics = [#tpu.dimension_semantics<arbitrary>], iteration_bounds = array<i64: 20>, scalar_prefetch = 0 : i64, scratch_operands = 0 : i64, tpu.core_type = #tpu.core_type<tc>, window_params = [{transform_indices = @transform_0, window_bounds = array<i64: 2, 512, 16>}, {transform_indices = @transform_1, window_bounds = array<i64: 2, 512, 128>}, {transform_indices = @transform_2, window_bounds = array<i64: 512, 128>}, {transform_indices = @transform_3, window_bounds = array<i64: 512, 128>}, {transform_indices = @transform_4, window_bounds = array<i64: 512, 128>}, {transform_indices = @transform_5, window_bounds = array<i64: 512, 128>}]} {
    %get3A = arith.constant 0 : index
    %get3A_0 = arith.constant 0 : index
    %get3A_1 = arith.constant 0 : index
    %get3A_2 = vector.load %arg1[%get3A, %get3A_0, %get3A_1] : memref<2x512x16xf32, #tpu.memory_space<vmem>>, vector<1x512x1xf32>
    %get3A_3 = vector.shape_cast %get3A_2 : vector<1x512x1xf32> to vector<512xf32>
    %add3A = arith.constant 1.000000e+00 : f32
    %add3A_4 = vector.broadcast %add3A : f32 to vector<512xf32>
    %add3A_5 = arith.addf %add3A_4, %get3A_3 : vector<512xf32>
    %get3A_6 = arith.constant 1 : index
    %get3A_7 = arith.constant 0 : index
    %get3A_8 = arith.constant 0 : index
    %get3A_9 = vector.load %arg1[%get3A_6, %get3A_7, %get3A_8] : memref<2x512x16xf32, #tpu.memory_space<vmem>>, vector<1x512x1xf32>
    %get3A_10 = vector.shape_cast %get3A_9 : vector<1x512x1xf32> to vector<512xf32>
    %add3A_11 = arith.addf %add3A_5, %get3A_10 : vector<512xf32>
    %rsqrt3A = math.rsqrt %add3A_11 : vector<512xf32>
    %broadcast_in_dim3A = vector.shape_cast %rsqrt3A : vector<512xf32> to vector<512x1xf32>
    %mul3A = arith.mulf %broadcast_in_dim3A, %broadcast_in_dim3A : vector<512x1xf32>
    %get3A_12 = arith.constant 0 : index
    %get3A_13 = arith.constant 0 : index
    %get3A_14 = arith.constant 0 : index
    %get3A_15 = vector.load %arg2[%get3A_12, %get3A_13, %get3A_14] : memref<2x512x128xf32, #tpu.memory_space<vmem>>, vector<1x512x128xf32>
    %get3A_16 = vector.shape_cast %get3A_15 : vector<1x512x128xf32> to vector<512x128xf32>
    %mul3A_17 = vector.broadcast %broadcast_in_dim3A : vector<512x1xf32> to vector<512x128xf32>
    %mul3A_18 = arith.mulf %mul3A_17, %get3A_16 : vector<512x128xf32>
    %get3A_19 = arith.constant 0 : index
    %get3A_20 = arith.constant 0 : index
    %get3A_21 = vector.load %arg3[%get3A_19, %get3A_20] : memref<512x128xf32, #tpu.memory_space<vmem>>, vector<512x128xf32>
    %mul3A_22 = vector.broadcast %mul3A : vector<512x1xf32> to vector<512x128xf32>
    %mul3A_23 = arith.mulf %mul3A_22, %get3A_21 : vector<512x128xf32>
    %add3A_24 = arith.addf %mul3A_18, %mul3A_23 : vector<512x128xf32>
    %swap3A = arith.constant 0 : index
    %swap3A_25 = arith.constant 0 : index
    %swap3A_26 = vector.load %arg5[%swap3A, %swap3A_25] : memref<512x128xf32, #tpu.memory_space<vmem>>, vector<512x128xf32>
    tpu.vector_store %arg5[%swap3A, %swap3A_25], %add3A_24 {strides = array<i32>} : memref<512x128xf32, #tpu.memory_space<vmem>>, vector<512x128xf32>,
    %get3A_27 = arith.constant 1 : index
    %get3A_28 = arith.constant 0 : index
    %get3A_29 = arith.constant 0 : index
    %get3A_30 = vector.load %arg2[%get3A_27, %get3A_28, %get3A_29] : memref<2x512x128xf32, #tpu.memory_space<vmem>>, vector<1x512x128xf32>
    %get3A_31 = vector.shape_cast %get3A_30 : vector<1x512x128xf32> to vector<512x128xf32>
    %mul3A_32 = vector.broadcast %mul3A : vector<512x1xf32> to vector<512x128xf32>
    %mul3A_33 = arith.mulf %mul3A_32, %get3A_31 : vector<512x128xf32>
    %mul3A_34 = arith.mulf %mul3A, %mul3A : vector<512x1xf32>
    %get3A_35 = arith.constant 0 : index
    %get3A_36 = arith.constant 0 : index
    %get3A_37 = vector.load %arg4[%get3A_35, %get3A_36] : memref<512x128xf32, #tpu.memory_space<vmem>>, vector<512x128xf32>
    %mul3A_38 = vector.broadcast %mul3A_34 : vector<512x1xf32> to vector<512x128xf32>
    %mul3A_39 = arith.mulf %mul3A_38, %get3A_37 : vector<512x128xf32>
    %add3A_40 = arith.addf %mul3A_33, %mul3A_39 : vector<512x128xf32>
    %swap3A_41 = arith.constant 0 : index
    %swap3A_42 = arith.constant 0 : index
    %swap3A_43 = vector.load %arg6[%swap3A_41, %swap3A_42] : memref<512x128xf32, #tpu.memory_space<vmem>>, vector<512x128xf32>
    tpu.vector_store %arg6[%swap3A_41, %swap3A_42], %add3A_40 {strides = array<i32>} : memref<512x128xf32, #tpu.memory_space<vmem>>, vector<512x128xf32>,
    return
  }
  func.func @transform_0(%arg0: i32) -> (i32, i32, i32) {
    %c0_i32 = arith.constant 0 : i32
    %c0_i32_0 = arith.constant 0 : i32
    %c0_i32_1 = arith.constant 0 : i32
    return %c0_i32, %arg0, %c0_i32_0 : i32, i32, i32
  }
  func.func @transform_1(%arg0: i32) -> (i32, i32, i32) {
    %c0_i32 = arith.constant 0 : i32
    %c0_i32_0 = arith.constant 0 : i32
    %c0_i32_1 = arith.constant 0 : i32
    return %c0_i32, %arg0, %c0_i32_0 : i32, i32, i32
  }
  func.func @transform_2(%arg0: i32) -> (i32, i32) {
    %c0_i32 = arith.constant 0 : i32
    %c0_i32_0 = arith.constant 0 : i32
    return %arg0, %c0_i32 : i32, i32
  }
  func.func @transform_3(%arg0: i32) -> (i32, i32) {
    %c0_i32 = arith.constant 0 : i32
    %c0_i32_0 = arith.constant 0 : i32
    return %arg0, %c0_i32 : i32, i32
  }
  func.func @transform_4(%arg0: i32) -> (i32, i32) {
    %c0_i32 = arith.constant 0 : i32
    %c0_i32_0 = arith.constant 0 : i32
    return %arg0, %c0_i32 : i32, i32
  }
  func.func @transform_5(%arg0: i32) -> (i32, i32) {
    %c0_i32 = arith.constant 0 : i32
    %c0_i32_0 = arith.constant 0 : i32
    return %arg0, %c0_i32 : i32, i32
  }
}

</mosaic_0001>

<sc_bundles>
// kernel: kernel.10.cloned.1.call-start
scs
__scs_entry_jumppad:
0x0: {  	(pc) =	sbr.rel $0x88, $3  }
0x1: {  	(tag) =	ssettag $0x0;
	lr =	simm.s32 $0x1  }
0x2: {  	[smem:$0x3F9B] =	sst lr;
	_ =	strace $0xD0000000  }
0x3: {  	_ = 	snop  }
0x4: {  	_ = 	snop  }
0x5: {  	_ = 	snop  }
0x6: {  	_ = 	snop  }
0x7: {  	_ = 	snop  }
__scs_overlays_trampoline_lowered:
0x8: {  	[smem:$0x3FAA] =	sst s0  }
0x9: {  	[smem:$0x3FAB] =	sst s1  }
0xa: {  	[smem:$0x3FAC] =	sst s2  }
0xb: {  	[smem:$0x3FAD] =	sst s3  }
0xc: {  	[smem:$0x3FAE] =	sst s4  }
0xd: {  	[smem:$0x3FAF] =	sst s5  }
0xe: {  	[smem:$0x3FB0] =	sst s6  }
0xf: {  	[smem:$0x3FB1] =	sst s7  }
0x10: {  	[smem:$0x3FB2] =	sst s8  }
0x11: {  	[smem:$0x3FB3] =	sst s9;
	s0 =	simm.s32 @!p0 $0x0  }
0x12: {  	s1 =	sld [smem:$0x3F99];
	s0 =	simm.s32 @p0 $0x1  }
0x13: {  	[smem:$0x3FB4] =	sst s0;
	s0 =	simm.s32 @!p1 $0x0  }
0x14: {  	s2 =	sld [smem:$0x3F98];
	s0 =	simm.s32 @p1 $0x1  }
0x15: {  	[smem:$0x3FB5] =	sst s0;
	s0 =	simm.s32 @!p2 $0x0  }
0x16: {  	s3 =	sld [smem:$0x3FDB];
	s0 =	simm.s32 @p2 $0x1  }
0x17: {  	s4 =	simm.s32 $0x1BF5;
	[smem:$0x3FB7] =	sst s0  }
0x18: {  	s0 =	sld [smem:$0x3F9A];
	_ =	swait.ge [sflag:s4], $0x0  }
0x19: {  	s7 =	sld [smem:$0x3F9B]  }
0x1a: {  	s8 =	sadd.s32 $0xFFFFE003, lr  }
0x1b: {  	s9 =	sadd.s32 $0xFFFFFEF7, lr;
	s5 =	simm.s32 $0xFFFFFFFF;
	p2 =	slt.u32 s8, $0xFFFFF086  }
0x1c: {  	p1 =	slt.u32 s9, $0xF7A;
	s5 =	simm.s32 @!p2 $0x0  }
0x1d: {  	s5 =	simm.s32 @p1 $0x1;
	p0 =	seq.s32 s7, s2  }
0x1e: {  	s7 =	smul.u32 @!p0 $0xF7A, s2;
	p2 =	seq.s32 @!p0 s5, $0x0  }
0x1f: {  	s9 =	smul.u32 $0xF7A, s1;
	s8 =	simm.s32 @!p0 $0x1BF5;
	p2 =	por !p2, p0  }
0x20: {  	[sflag:s8] =	ssyncset.s32 @!p0 $0xFFFFF086;
	s6 =	sadd.s32 @!p0 s3, s7;
	s7 =	simm.s32 @!p0 $0x108  }
0x21: {  	s3 =	sadd.s32 s3, s9;
	s6 =	sadd.s32 @!p0 $0x88, s6;
	s7 =	simm.s32 @p2 $0x1082  }
0x22: {  	[simem:s7], [sflag:s8] =	dma.local @!p0 [hbm:s6], $0xF7A  }
0x23: {  	s9 =	sor.u32 $0xD0000000, s2;
	s6 =	simm.s32 $0x108;
	_ =	swait.ge @!p0 [sflag:s8], $0x0  }
0x24: {  	s3 =	sadd.s32 $0x88, s3;
	s6 =	simm.s32 @!p1 $0x1082;
	[sflag:s4] =	ssyncset.s32 $0xFFFFF086  }
0x25: {  	[simem:s6], [sflag:s4] =	dma.local [hbm:s3], $0xF7A  }
0x26: {  	[smem:$0x3F9B] =	sst s1;
	(tag) =	ssettag s2;
	_ =	strace s9  }
0x27: {  	s1 =	sld [smem:$0x3FAB]  }
0x28: {  	s2 =	sld [smem:$0x3FAC]  }
0x29: {  	s4 =	sld [smem:$0x3FAE]  }
0x2a: {  	p0 =	seq.s32 s5, $0x0;
	s5 =	sld [smem:$0x3FAF]  }
0x2b: {  	s6 =	sld [smem:$0x3FB0]  }
0x2c: {  	s7 =	sld [smem:$0x3FB1]  }
0x2d: {  	s3 =	simm.s32 $0x108;
	s8 =	sld [smem:$0x3FB2]  }
0x2e: {  	s3 =	simm.s32 @!p0 $0x1082;
	s9 =	sld [smem:$0x3FB3]  }
0x2f: {  	lr =	sadd.s32 s0, s3;
	s0 =	sld [smem:$0x3FAA]  }
0x30: {  	s3 =	sld [smem:$0x3FAD]  }
0x31: {  	[smem:$0x3FB6] =	sst s10  }
0x32: {  	s10 =	sld [smem:$0x3FB4];
	_ =	sdelay $0x3  }
0x33: {  	p0 =	seq.s32 s10, $0x1;
	s10 =	sld [smem:$0x3FB6];
	_ =	sdelay $0x3  }
0x34: {  	[smem:$0x3FB6] =	sst s10  }
0x35: {  	s10 =	sld [smem:$0x3FB5];
	_ =	sdelay $0x3  }
0x36: {  	p1 =	seq.s32 s10, $0x1;
	s10 =	sld [smem:$0x3FB6];
	_ =	sdelay $0x3  }
0x37: {  	[smem:$0x3FB6] =	sst s10  }
0x38: {  	s10 =	sld [smem:$0x3FB7]  }
0x39: {  	_ = 	snop;
	(pc) =	sbr.ind lr, $3  }
0x3a: {  	_ = 	snop  }
0x3b: {  	_ = 	snop  }
0x3c: {  	p2 =	seq.s32 s10, $0x1;
	s10 =	sld [smem:$0x3FB6]  }
0x3d: {  	_ =	shalt  }
0x3e: {  	_ =	shalt  }
0x3f: {  	_ =	shalt  }
0x40: {  	_ =	shalt  }
0x41: {  	_ =	shalt  }
0x42: {  	_ =	shalt  }
0x43: {  	_ =	shalt  }
0x44: {  	_ =	shalt  }
0x45: {  	_ =	shalt  }
0x46: {  	_ =	shalt  }
0x47: {  	_ =	shalt  }
0x48: {  	_ =	shalt  }
0x49: {  	_ =	shalt  }
0x4a: {  	_ =	shalt  }
0x4b: {  	_ =	shalt  }
0x4c: {  	_ =	shalt  }
0x4d: {  	_ =	shalt  }
0x4e: {  	_ =	shalt  }
0x4f: {  	_ =	shalt  }
0x50: {  	_ =	shalt  }
0x51: {  	_ =	shalt  }
0x52: {  	_ =	shalt  }
0x53: {  	_ =	shalt  }
0x54: {  	_ =	shalt  }
0x55: {  	_ =	shalt  }
0x56: {  	_ =	shalt  }
0x57: {  	_ =	shalt  }
0x58: {  	_ =	shalt  }
0x59: {  	_ =	shalt  }
0x5a: {  	_ =	shalt  }
0x5b: {  	_ =	shalt  }
0x5c: {  	_ =	shalt  }
0x5d: {  	_ =	shalt  }
0x5e: {  	_ =	shalt  }
0x5f: {  	_ =	shalt  }
0x60: {  	_ =	shalt  }
0x61: {  	_ =	shalt  }
0x62: {  	_ =	shalt  }
0x63: {  	_ =	shalt  }
0x64: {  	_ =	shalt  }
0x65: {  	_ =	shalt  }
0x66: {  	_ =	shalt  }
0x67: {  	_ =	shalt  }
0x68: {  	_ =	shalt  }
0x69: {  	_ =	shalt  }
0x6a: {  	_ =	shalt  }
0x6b: {  	_ =	shalt  }
0x6c: {  	_ =	shalt  }
0x6d: {  	_ =	shalt  }
0x6e: {  	_ =	shalt  }
0x6f: {  	_ =	shalt  }
0x70: {  	_ =	shalt  }
0x71: {  	_ =	shalt  }
0x72: {  	_ =	shalt  }
0x73: {  	_ =	shalt  }
0x74: {  	_ =	shalt  }
0x75: {  	_ =	shalt  }
0x76: {  	_ =	shalt  }
0x77: {  	_ =	shalt  }
0x78: {  	_ =	shalt  }
0x79: {  	_ =	shalt  }
0x7a: {  	_ =	shalt  }
0x7b: {  	_ =	shalt  }
0x7c: {  	_ =	shalt  }
0x7d: {  	_ =	shalt  }
0x7e: {  	_ =	shalt  }
0x7f: {  	_ =	shalt  }
0x80: {  	_ =	shalt  }
0x81: {  	_ =	shalt  }
0x82: {  	_ =	shalt  }
0x83: {  	_ =	shalt  }
0x84: {  	_ =	shalt  }
0x85: {  	_ =	shalt  }
0x86: {  	_ =	shalt  }
0x87: {  	_ =	shalt  }
.Lfunc_end0:
.L_simem_size_0:
called_computation.1_lowered:
.L_overlay_start_0:
0x88: {  	s2 =	sld [smem:$0x3FD9]  }
0x89: {  	s3 =	sld [smem:$0x3FFE];
	_ =	sdelay $0x1  }
0x8a: {  	s1 =	srdreg.scid  }
0x8b: {  	s0 =	sand.u32 $0x1, s1  }
0x8c: {  	s14 =	sshll.u32 s0, $0xA;
	s2 =	sadd.s32 s3, s2  }
0x8d: {  	s2 =	sadd.s32 s2, s14  }
0x8e: {  	[smem:$0x3FC2] =	sst s2  }
0x8f: {  	_ = 	snop  }
0x90: {  	s2 =	sld [smem:$0x3FD0];
	_ =	sdelay $0x2  }
0x91: {  	s15 =	simm.s32 $0xA;
	s4 =	simm.s32 $0x10  }
0x92: {  	[smem:s4], [sflag:s15] =	dma.local [hbm:s2], $0x1  }
0x93: {  	_ =	swait.eq [sflag:s15], $0x1  }
0x94: {  	[sflag:s15] =	ssyncset.done $0x0  }
0x95: {  	s16 =	sld [smem:$0x10];
	[sflag:s15] =	ssyncadd.s32 $0xFFFFFFFF  }
0x96: {  	s17 =	sld [smem:$0x11];
	(tm) =	ssettm $0x1  }
0x97: {  	s18 =	sld [smem:$0x3FFB];
	_ =	sdelay $0x3  }
0x98: {  	_ =	strace s18  }
0x99: {  	s4 =	sld [smem:$0x3FFC];
	_ =	sdelay $0x3  }
0x9a: {  	_ =	strace s4  }
0x9b: {  	s4 =	sld [smem:$0x3FFD];
	_ =	sdelay $0x3  }
0x9c: {  	_ =	strace s4  }
0x9d: {  	_ =	strace $0x8FFFFFFF  }
0x9e: {  	s19 =	sld [smem:$0x3FDB];
	_ =	sdelay $0x1  }
0x9f: {  	s5 =	simm.s32 $_scs_section_size  }
0xa0: {  	s6 =	simm.s32 $_size__tile_overlayer_lowered;
	s7 =	simm.s32 $_tile_overlayer_lowered  }
0xa1: {  	s22 =	simm.s32 $0x1BFF;
	s21 =	sshll.u32 s7, $0x1;
	s4 =	sadd.s32 s5, s19  }
0xa2: {  	s8 =	simm.s32 $0x0;
	s20 =	sshll.u32 s6, $0x1;
	s6 =	sadd.s32 s21, s4  }
0xa3: {  	[timem:s8], [sflag:s22] =	dma.local [hbm:s6], s20  }
0xa4: {  	_ =	swait.ge [sflag:s22], s20  }
0xa5: {  	s5 =	ssub.s32 $0x0, s20;
	[sflag:s22] =	ssyncset.done $0x0  }
0xa6: {  	[sflag:s22] =	ssyncadd.s32 s5;
	_ =	sdelay $0x1  }
0xa7: {  	s23 =	simm.s32 $0x1B8B  }
0xa8: {  	_ =	swait.ge [sflag:s23], $0x1  }
0xa9: {  	[sflag:s23] =	ssyncset.done $0x0  }
0xaa: {  	s25 =	simm.s32 $0x1B8E;
	s24 =	sld [smem:$0x3FFE];
	[sflag:s23] =	ssyncadd.s32 $0xFFFFFFFF  }
0xab: {  	s26 =	simm.s32 $execute0_lowered;
	[smem:$0x3FD2] =	sst s25  }
0xac: {  	s6 =	sshll.u32 s26, $0x1;
	_ =	strace $0x80000049;
	[dreg:$0x1] =	wrdreg $0xFFFFFFFF  }
0xad: {  	s28 =	simm.s32 $_size_execute0_lowered;
	s4 =	sadd.s32 s4, s6;
	[dreg:$0x0] =	wrdreg $0x0  }
0xae: {  	s6 =	sshll.u32 s28, $0x1;
	[dreg:$0x2] =	wrdreg s4  }
0xaf: {  	[dreg:$0x3] =	wrdreg s6  }
0xb0: {  	[dreg:$0x4] =	wrdreg $0xC0  }
0xb1: {  	_ =	task [dreg:s8], $0x5FFFF  }
0xb2: {  	[dreg:$0x1] =	wrdreg $0xFFFFFFFF  }
0xb3: {  	[dreg:$0x0] =	wrdreg $0x60  }
0xb4: {  	[dreg:$0x2] =	wrdreg s24  }
0xb5: {  	[dreg:$0x3] =	wrdreg s17  }
0xb6: {  	[dreg:$0x4] =	wrdreg s16  }
0xb7: {  	[dreg:$0x5] =	wrdreg $0xA0000  }
0xb8: {  	[dreg:$0x6] =	wrdreg $0x9  }
0xb9: {  	_ =	task.clear_ibuf [dreg:s8], $0x7FFFF;
	_ =	strace $0x90000049  }
0xba: {  	s29 =	simm.s32 $0x9;
	_ =	strace $0x8000004B  }
0xbb: {  	_ =	swait.ge [sflag:s29], $0x1  }
0xbc: {  	[sflag:s29] =	ssyncadd.s32 $0xFFFFFFFF  }
0xbd: {  	_ =	strace $0x9000004B  }
0xbe: {  	_ =	sfence  }
0xbf: {  	s30 =	sld [smem:$0x0];
	_ =	sdelay $0x2  }
0xc0: {  	s31 =	sshll.u32 s1, $0xD;
	s1 =	sshrl.u32 s1, $0x2  }
0xc1: {  	s3 =	sand.u32 $0x4000, s31;
	s1 =	sadd.s32 s1, s30  }
0xc2: {  	s0 =	sor.u32 s3, s0;
	s1 =	sshll.u32 s1, $0x11  }
0xc3: {  	s0 =	sor.u32 s1, s0  }
0xc4: {  	s0 =	sadd.s32 $0x8F2B, s0  }
0xc5: {  	[sflag:s0] =	ssyncadd.remote.s32 $0x1  }
0xc6: {  	_ =	sfence.sel $0xFFFF  }
0xc7: {  	[dreg:$0x0] =	wrdreg $0xFFFFFFFF;
	(pc) =	sbr.abs _section_cstart, $3  }
0xc8: {  	[dreg:$0x1] =	wrdreg $0xFFFFFFFF  }
0xc9: {  	_ =	task.clear_ibuf [dreg:s8], $0x2FFFF;
	_ =	strace $0x9FFFFFFF  }
0xca: {  	(tm) =	ssettm $0x7FFFFFFF  }
0xcb: {  	_ =	shalt  }
tec
execute0_lowered:
.L_overlay_start_1:
0x0: {  	(tag) =	ssettag $0x1  }
0x1: {  	s0 =	rddreg [dreg:$0x0]  }
0x2: {  	s2 =	rddreg [dreg:$0x1]  }
0x3: {  	s5 =	rddreg [dreg:$0x2]  }
0x4: {  	s1 =	rddreg [dreg:$0x3];
	s3 =	srdreg.scid  }
0x5: {  	s11 =	stileid.u32;
	s13 =	simm.s32 $0x9;
	s28 =	simm.s32 $0x3  }
0x6: {  	s30 =	simm.s32 $0x2;
	s29 =	simm.s32 $0x7;
	s31 =	simm.s32 $0x8  }
0x7: {  	s14 =	simm.s32 $0x1600;
	s15 =	simm.s32 $0x1D80;
	s8 =	smul.u32 $0x14000, s11  }
0x8: {  	s6 =	sand.u32 $0x1, s3;
	s3 =	simm.s32 $0x0;
	s9 =	smul.u32 $0x50000, s11  }
0x9: {  	s4 =	sadd.s32 $0x51600, s0;
	s7 =	smul.u32 $0x140000, s6;
	[smem:$0x7FF] =	sst s3  }
0xa: {  	s16 =	sshll.u32 s6, $0x4;
	s17 =	ssub.s32 $0x2, s6;
	s19 =	smul.u32 $0xA000, s6  }
0xb: {  	s6 =	simm.s32 $0x1680;
	_ =	strace $0x8000004A;
	s10 =	sshrl.u32 s17, $0x1  }
0xc: {  	s9 =	sshrl.u32 s9, $0x2;
	s7 =	sadd.s32 s8, s7;
	s8 =	sor.u32 s11, s16  }
0xd: {  	s11 =	smul.u32 $0xA00, s11;
	s10 =	ssub.s32 s17, s10;
	s12 =	sadd.s32 s9, s1  }
0xe: {  	s24 =	sadd.s32 s19, s2;
	s17 =	simm.s32 $0x2000;
	s19 =	simm.s32 $0x1780  }
0xf: {  	s9 =	simm.s32 $0x1F80;
	s21 =	smax.u32 s10, $0x1;
	[dreg:$0x5] =	wrdreg s12  }
0x10: {  	s7 =	sshrl.u32 s7, $0x3;
	s22 =	sadd.s32 $0x4000, s12;
	[dreg:$0xa] =	wrdreg s21  }
0x11: {  	s8 =	smul.u32 $0xA00, s8;
	s23 =	sadd.s32 $0x8000, s12;
	[dreg:$0xb] =	wrdreg s22  }
0x12: {  	s25 =	sadd.s32 $0xC000, s12;
	s26 =	sadd.s32 $0x10000, s12;
	[dreg:$0xc] =	wrdreg s23  }
0x13: {  	s0 =	sadd.s32 s7, s0;
	s7 =	sadd.s32 s5, s11;
	[dreg:$0xd] =	wrdreg s25  }
0x14: {  	[dreg:$0xe] =	wrdreg s26;
	s16 =	sadd.s32 s11, s24;
	s21 =	simm.s32 $0x1800  }
0x15: {  	s22 =	simm.s32 $0x5;
	s23 =	simm.s32 $0x6;
	s24 =	simm.s32 $0x80  }
0x16: {  	s25 =	simm.s32 $0x6000;
	s26 =	simm.s32 $0x1;
	s5 =	simm.s32 $0x1E00  }
.Ltmp0:
0x17: {  	s11 =	simm.s32 $0x0;
	s8 =	sadd.s32 s2, s8;
	(pc) =	sbr.rel .LBB2_1-.Ltmp0, $4  }
0x18: {  	s20 =	sadd.s32 $0x100, s7;
	s0 =	sadd.s32 $0xA1600, s0;
	[dreg:$0x6] =	wrdreg s8  }
0x19: {  	s2 =	simm.s32 $0x1E80;
	s18 =	sadd.s32 $0x100, s8;
	[dreg:$0x8] =	wrdreg s20  }
0x1a: {  	[dreg:$0x9] =	wrdreg s0;
	s20 =	simm.s32 $0x1000;
	s0 =	simm.s32 $0x4  }
0x1b: {  	v0 =	vimm.f32 $0.0e+00;
	s8 =	simm.s32 $0x1F00;
	[dreg:$0x7] =	wrdreg s18;
	s18 =	simm.s32 $0x1700  }
.LBB2_6:
0x1c: {  	s10 =	stileid.u32;
	[bflag:$0x0] =	sbarrier.arrive $0xFFFF  }
0x1d: {  	s10 =	sshll.u32 s10, $0x6;
	s12 =	rddreg [dreg:$0x5]  }
0x1e: {  	s13 =	rddreg [dreg:$0x9];
	s10 =	sor.u32 $0x1C09, s10;
	s11 =	sshrl.u32 s12, $0x3  }
0x1f: {  	[hbm:s13], [sflag:s10] =	dma.local [spmem:s11], $0x2800  }
0x20: {  	s13 =	simm.s32 $0x9  }
0x21: {  	_ =	swait.ge [sflag:s13], $0x2800  }
0x22: {  	s10 =	rddreg [dreg:$0xf]  }
0x23: {  	s11 =	sadd.s32 $0x1, s10;
	s10 =	rddreg [dreg:$0xa]  }
0x24: {  	p0 =	sne.s32 s11, s10  }
.Ltmp1:
0x25: {  	_ = 	snop;
	(pc) =	sbr.rel @!p0 .LBB2_7-.Ltmp1, $3  }
0x26: {  	_ =	sdelay $0x1  }
0x27: {  	[sflag:s13] =	ssyncset.done $0x0  }
0x28: {  	[sflag:s13] =	ssyncadd.s32 $0xFFFFD800  }
.LBB2_1:
0x29: {  	[dreg:$0xf] =	wrdreg s11;
	s10 =	simm.s32 $0x0;
	s11 =	simm.s32 $0x200  }
.LBB2_2:
0x2a: {  	p0 =	sne.s32 s11, $0xFE00;
	[tilespmem:s10+$0x2070] =	vst v0  }
0x2b: {  	[tilespmem:s10+$0x2000] =	vst v0  }
0x2c: {  	[tilespmem:s10+$0x2010] =	vst v0  }
.Ltmp2:
0x2d: {  	[tilespmem:s10+$0x2020] =	vst v0;
	(pc) =	sbr.rel @p0 .LBB2_2-.Ltmp2, $4  }
0x2e: {  	[tilespmem:s10+$0x2030] =	vst v0  }
0x2f: {  	[tilespmem:s10+$0x2040] =	vst v0  }
0x30: {  	[tilespmem:s10+$0x2050] =	vst v0  }
0x31: {  	[tilespmem:s10+$0x2060] =	vst v0;
	s10 =	sshra.s32 s11, $0x2;
	s11 =	sadd.s32 $0x200, s11  }
0x32: {  	[tilespmem:s10+$0x2070] =	vst v0  }
0x33: {  	[tilespmem:s10+$0x2000] =	vst v0  }
0x34: {  	[tilespmem:s10+$0x2010] =	vst v0  }
0x35: {  	[tilespmem:s10+$0x2020] =	vst v0  }
0x36: {  	[tilespmem:s10+$0x2030] =	vst v0  }
0x37: {  	[tilespmem:s10+$0x2040] =	vst v0  }
0x38: {  	[tilespmem:s10+$0x2050] =	vst v0  }
0x39: {  	[tilespmem:s10+$0x2060] =	vst v0  }
0x3a: {  	[spmem:s12] =	stream.linear.scatter [tilespmem:s17], [sflag:$0x9], $0x4000, $0x38;
	[tilespmem:$0x1E000] =	vst v63  }
0x3b: {  	_ =	swait.ge [sflag:s13], $0x4000  }
0x3c: {  	[sflag:s13] =	ssyncset.done $0x0  }
0x3d: {  	s11 =	rddreg [dreg:$0xb];
	[sflag:s13] =	ssyncadd.s32 $0xFFFFC000  }
0x3e: {  	[spmem:s11] =	stream.linear.scatter [tilespmem:s17], [sflag:$0x9], $0x4000, $0x38;
	[tilespmem:$0x1E000] =	vst v63  }
0x3f: {  	_ =	swait.ge [sflag:s13], $0x4000  }
0x40: {  	[sflag:s13] =	ssyncset.done $0x0  }
0x41: {  	s12 =	rddreg [dreg:$0xc];
	[sflag:s13] =	ssyncadd.s32 $0xFFFFC000  }
0x42: {  	[spmem:s12] =	stream.linear.scatter [tilespmem:s17], [sflag:$0x9], $0x4000, $0x38;
	[tilespmem:$0x1E000] =	vst v63  }
0x43: {  	_ =	swait.ge [sflag:s13], $0x4000  }
0x44: {  	[sflag:s13] =	ssyncset.done $0x0  }
0x45: {  	s11 =	rddreg [dreg:$0xd];
	[sflag:s13] =	ssyncadd.s32 $0xFFFFC000  }
0x46: {  	[spmem:s11] =	stream.linear.scatter [tilespmem:s17], [sflag:$0x9], $0x4000, $0x38;
	[tilespmem:$0x1E000] =	vst v63  }
0x47: {  	_ =	swait.ge [sflag:s13], $0x4000  }
0x48: {  	[sflag:s13] =	ssyncset.done $0x0  }
0x49: {  	s12 =	rddreg [dreg:$0xe];
	[sflag:s13] =	ssyncadd.s32 $0xFFFFC000  }
0x4a: {  	[spmem:s12] =	stream.linear.scatter [tilespmem:s17], [sflag:$0x9], $0x4000, $0x38;
	[tilespmem:$0x1E000] =	vst v63  }
0x4b: {  	_ =	swait.ge [sflag:s13], $0x4000  }
0x4c: {  	[sflag:s13] =	ssyncset.done $0x0  }
0x4d: {  	s10 =	simm.s32 $0x0;
	s11 =	rddreg [dreg:$0x6];
	[sflag:s13] =	ssyncadd.s32 $0xFFFFC000  }
0x4e: {  	[tilespmem:s10], [sflag:$0x5] =	stream.linear.gather [hbm4b:s11+s10], $0x800, $0x38;
	[tilespmem:$0x1E000] =	vst v63  }
0x4f: {  	s13 =	simm.s32 $0x800  }
0x50: {  	[tilespmem:s13], [sflag:$0x6] =	stream.linear.gather [hbm4b:s7+s10], $0x800, $0x38;
	[tilespmem:$0x1E000] =	vst v63  }
0x51: {  	s12 =	rddreg [dreg:$0x7]  }
0x52: {  	[tilespmem:s20], [sflag:$0x7] =	stream.linear.gather [hbm4b:s12+s10], $0x800, $0x38;
	[tilespmem:$0x1E000] =	vst v63  }
0x53: {  	s13 =	rddreg [dreg:$0x8]  }
0x54: {  	[tilespmem:s21], [sflag:$0x8] =	stream.linear.gather [hbm4b:s13+s10], $0x800, $0x38;
	[tilespmem:$0x1E000] =	vst v63  }
0x55: {  	[bflag:$0x0] =	sbarrier.arrive $0xFFFF  }
.LBB2_4:
0x56: {  	_ =	swait.ge [sflag:s22], $0x800  }
0x57: {  	[sflag:s22] =	ssyncset.done $0x0  }
0x58: {  	[sflag:s22] =	ssyncadd.s32 $0xFFFFF800  }
0x59: {  	_ =	swait.ge [sflag:s23], $0x800  }
0x5a: {  	[sflag:s23] =	ssyncset.done $0x0  }
0x5b: {  	[sflag:s23] =	ssyncadd.s32 $0xFFFFF800  }
0x5c: {  	[tilespmem:s17], [sflag:$0x1] =	stream.indirect.gather [hbm4b:s4+s24], $0x80, s3, s24, $0xb8;
	[tilespmem:$0x1E000] =	vst v63  }
0x5d: {  	_ = 	snop  }
0x5e: {  	[tilespmem:s25], [sflag:$0x2] =	stream.indirect.gather [hbm4b:s4+s24], $0x80, s24, s24, $0xb8;
	[tilespmem:$0x1E000] =	vst v63  }
0x5f: {  	_ =	swait.ge [sflag:s26], $0x4000  }
0x60: {  	[sflag:s26] =	ssyncset.done $0x0  }
0x61: {  	s11 =	simm.s32 $0x800;
	[sflag:s26] =	ssyncadd.s32 $0xFFFFC000  }
0x62: {  	[spmem:s1] =	stream.indirect.scatter.add.f32 [tilespmem:s17], [sflag:$0x3], $0x80, s11, s24, $0xb8;
	[tilespmem:$0x1E000] =	vst v63  }
0x63: {  	_ =	swait.ge [sflag:s28], $0x4000  }
0x64: {  	[sflag:s28] =	ssyncset.done $0x0  }
0x65: {  	s12 =	simm.s32 $0x100;
	[sflag:s28] =	ssyncadd.s32 $0xFFFFC000  }
0x66: {  	[tilespmem:s17], [sflag:$0x1] =	stream.indirect.gather [hbm4b:s4+s24], $0x80, s12, s24, $0xb8;
	[tilespmem:$0x1E000] =	vst v63  }
0x67: {  	_ =	swait.ge [sflag:s30], $0x4000  }
0x68: {  	[sflag:s30] =	ssyncset.done $0x0  }
0x69: {  	s13 =	simm.s32 $0x880;
	[sflag:s30] =	ssyncadd.s32 $0xFFFFC000  }
0x6a: {  	[spmem:s1] =	stream.indirect.scatter.add.f32 [tilespmem:s25], [sflag:$0x4], $0x80, s13, s24, $0xb8;
	[tilespmem:$0x1E000] =	vst v63  }
0x6b: {  	_ =	swait.ge [sflag:s0], $0x4000  }
0x6c: {  	[sflag:s0] =	ssyncset.done $0x0  }
0x6d: {  	s12 =	simm.s32 $0x180;
	[sflag:s0] =	ssyncadd.s32 $0xFFFFC000  }
0x6e: {  	[tilespmem:s25], [sflag:$0x2] =	stream.indirect.gather [hbm4b:s4+s24], $0x80, s12, s24, $0xb8;
	[tilespmem:$0x1E000] =	vst v63  }
0x6f: {  	_ =	swait.ge [sflag:s26], $0x4000  }
0x70: {  	[sflag:s26] =	ssyncset.done $0x0  }
0x71: {  	s13 =	simm.s32 $0x900;
	[sflag:s26] =	ssyncadd.s32 $0xFFFFC000  }
0x72: {  	[spmem:s1] =	stream.indirect.scatter.add.f32 [tilespmem:s17], [sflag:$0x3], $0x80, s13, s24, $0xb8;
	[tilespmem:$0x1E000] =	vst v63  }
0x73: {  	_ =	swait.ge [sflag:s28], $0x4000  }
0x74: {  	[sflag:s28] =	ssyncset.done $0x0  }
0x75: {  	s12 =	simm.s32 $0x200;
	[sflag:s28] =	ssyncadd.s32 $0xFFFFC000  }
0x76: {  	[tilespmem:s17], [sflag:$0x1] =	stream.indirect.gather [hbm4b:s4+s24], $0x80, s12, s24, $0xb8;
	[tilespmem:$0x1E000] =	vst v63  }
0x77: {  	_ =	swait.ge [sflag:s30], $0x4000  }
0x78: {  	[sflag:s30] =	ssyncset.done $0x0  }
0x79: {  	s13 =	simm.s32 $0x980;
	[sflag:s30] =	ssyncadd.s32 $0xFFFFC000  }
0x7a: {  	[spmem:s1] =	stream.indirect.scatter.add.f32 [tilespmem:s25], [sflag:$0x4], $0x80, s13, s24, $0xb8;
	[tilespmem:$0x1E000] =	vst v63  }
0x7b: {  	_ =	swait.ge [sflag:s0], $0x4000  }
0x7c: {  	[sflag:s0] =	ssyncset.done $0x0  }
0x7d: {  	s12 =	simm.s32 $0x280;
	[sflag:s0] =	ssyncadd.s32 $0xFFFFC000  }
0x7e: {  	[tilespmem:s25], [sflag:$0x2] =	stream.indirect.gather [hbm4b:s4+s24], $0x80, s12, s24, $0xb8;
	[tilespmem:$0x1E000] =	vst v63  }
0x7f: {  	_ =	swait.ge [sflag:s26], $0x4000  }
0x80: {  	[sflag:s26] =	ssyncset.done $0x0  }
0x81: {  	s13 =	simm.s32 $0xA00;
	[sflag:s26] =	ssyncadd.s32 $0xFFFFC000  }
0x82: {  	[spmem:s1] =	stream.indirect.scatter.add.f32 [tilespmem:s17], [sflag:$0x3], $0x80, s13, s24, $0xb8;
	[tilespmem:$0x1E000] =	vst v63  }
0x83: {  	_ =	swait.ge [sflag:s28], $0x4000  }
0x84: {  	[sflag:s28] =	ssyncset.done $0x0  }
0x85: {  	s12 =	simm.s32 $0x300;
	[sflag:s28] =	ssyncadd.s32 $0xFFFFC000  }
0x86: {  	[tilespmem:s17], [sflag:$0x1] =	stream.indirect.gather [hbm4b:s4+s24], $0x80, s12, s24, $0xb8;
	[tilespmem:$0x1E000] =	vst v63  }
0x87: {  	_ =	swait.ge [sflag:s30], $0x4000  }
0x88: {  	[sflag:s30] =	ssyncset.done $0x0  }
0x89: {  	s13 =	simm.s32 $0xA80;
	[sflag:s30] =	ssyncadd.s32 $0xFFFFC000  }
0x8a: {  	[spmem:s1] =	stream.indirect.scatter.add.f32 [tilespmem:s25], [sflag:$0x4], $0x80, s13, s24, $0xb8;
	[tilespmem:$0x1E000] =	vst v63  }
0x8b: {  	_ =	swait.ge [sflag:s0], $0x4000  }
0x8c: {  	[sflag:s0] =	ssyncset.done $0x0  }
0x8d: {  	s12 =	simm.s32 $0x380;
	[sflag:s0] =	ssyncadd.s32 $0xFFFFC000  }
0x8e: {  	[tilespmem:s25], [sflag:$0x2] =	stream.indirect.gather [hbm4b:s4+s24], $0x80, s12, s24, $0xb8;
	[tilespmem:$0x1E000] =	vst v63  }
0x8f: {  	_ =	swait.ge [sflag:s26], $0x4000  }
0x90: {  	[sflag:s26] =	ssyncset.done $0x0  }
0x91: {  	s13 =	simm.s32 $0xB00;
	[sflag:s26] =	ssyncadd.s32 $0xFFFFC000  }
0x92: {  	[spmem:s1] =	stream.indirect.scatter.add.f32 [tilespmem:s17], [sflag:$0x3], $0x80, s13, s24, $0xb8;
	[tilespmem:$0x1E000] =	vst v63  }
0x93: {  	_ =	swait.ge [sflag:s28], $0x4000  }
0x94: {  	[sflag:s28] =	ssyncset.done $0x0  }
0x95: {  	s12 =	simm.s32 $0x400;
	[sflag:s28] =	ssyncadd.s32 $0xFFFFC000  }
0x96: {  	[tilespmem:s17], [sflag:$0x1] =	stream.indirect.gather [hbm4b:s4+s24], $0x80, s12, s24, $0xb8;
	[tilespmem:$0x1E000] =	vst v63  }
0x97: {  	_ =	swait.ge [sflag:s30], $0x4000  }
0x98: {  	[sflag:s30] =	ssyncset.done $0x0  }
0x99: {  	s13 =	simm.s32 $0xB80;
	[sflag:s30] =	ssyncadd.s32 $0xFFFFC000  }
0x9a: {  	[spmem:s1] =	stream.indirect.scatter.add.f32 [tilespmem:s25], [sflag:$0x4], $0x80, s13, s24, $0xb8;
	[tilespmem:$0x1E000] =	vst v63  }
0x9b: {  	_ =	swait.ge [sflag:s0], $0x4000  }
0x9c: {  	[sflag:s0] =	ssyncset.done $0x0  }
0x9d: {  	s12 =	simm.s32 $0x480;
	[sflag:s0] =	ssyncadd.s32 $0xFFFFC000  }
0x9e: {  	[tilespmem:s25], [sflag:$0x2] =	stream.indirect.gather [hbm4b:s4+s24], $0x80, s12, s24, $0xb8;
	[tilespmem:$0x1E000] =	vst v63  }
0x9f: {  	_ =	swait.ge [sflag:s26], $0x4000  }
0xa0: {  	[sflag:s26] =	ssyncset.done $0x0  }
0xa1: {  	s13 =	simm.s32 $0xC00;
	[sflag:s26] =	ssyncadd.s32 $0xFFFFC000  }
0xa2: {  	[spmem:s1] =	stream.indirect.scatter.add.f32 [tilespmem:s17], [sflag:$0x3], $0x80, s13, s24, $0xb8;
	[tilespmem:$0x1E000] =	vst v63  }
0xa3: {  	_ =	swait.ge [sflag:s28], $0x4000  }
0xa4: {  	[sflag:s28] =	ssyncset.done $0x0  }
0xa5: {  	s12 =	simm.s32 $0x500;
	[sflag:s28] =	ssyncadd.s32 $0xFFFFC000  }
0xa6: {  	[tilespmem:s17], [sflag:$0x1] =	stream.indirect.gather [hbm4b:s4+s24], $0x80, s12, s24, $0xb8;
	[tilespmem:$0x1E000] =	vst v63  }
0xa7: {  	_ =	swait.ge [sflag:s30], $0x4000  }
0xa8: {  	[sflag:s30] =	ssyncset.done $0x0  }
0xa9: {  	s13 =	simm.s32 $0xC80;
	[sflag:s30] =	ssyncadd.s32 $0xFFFFC000  }
0xaa: {  	[spmem:s1] =	stream.indirect.scatter.add.f32 [tilespmem:s25], [sflag:$0x4], $0x80, s13, s24, $0xb8;
	[tilespmem:$0x1E000] =	vst v63  }
0xab: {  	_ =	swait.ge [sflag:s0], $0x4000  }
0xac: {  	[sflag:s0] =	ssyncset.done $0x0  }
0xad: {  	s12 =	simm.s32 $0x580;
	[sflag:s0] =	ssyncadd.s32 $0xFFFFC000  }
0xae: {  	[tilespmem:s25], [sflag:$0x2] =	stream.indirect.gather [hbm4b:s4+s24], $0x80, s12, s24, $0xb8;
	[tilespmem:$0x1E000] =	vst v63  }
0xaf: {  	_ =	swait.ge [sflag:s26], $0x4000  }
0xb0: {  	[sflag:s26] =	ssyncset.done $0x0  }
0xb1: {  	s13 =	simm.s32 $0xD00;
	[sflag:s26] =	ssyncadd.s32 $0xFFFFC000  }
0xb2: {  	[spmem:s1] =	stream.indirect.scatter.add.f32 [tilespmem:s17], [sflag:$0x3], $0x80, s13, s24, $0xb8;
	[tilespmem:$0x1E000] =	vst v63  }
0xb3: {  	_ =	swait.ge [sflag:s28], $0x4000  }
0xb4: {  	[sflag:s28] =	ssyncset.done $0x0  }
0xb5: {  	s12 =	simm.s32 $0x600;
	[sflag:s28] =	ssyncadd.s32 $0xFFFFC000  }
0xb6: {  	[tilespmem:s17], [sflag:$0x1] =	stream.indirect.gather [hbm4b:s4+s24], $0x80, s12, s24, $0xb8;
	[tilespmem:$0x1E000] =	vst v63  }
0xb7: {  	_ =	swait.ge [sflag:s30], $0x4000  }
0xb8: {  	[sflag:s30] =	ssyncset.done $0x0  }
0xb9: {  	s13 =	simm.s32 $0xD80;
	[sflag:s30] =	ssyncadd.s32 $0xFFFFC000  }
0xba: {  	[spmem:s1] =	stream.indirect.scatter.add.f32 [tilespmem:s25], [sflag:$0x4], $0x80, s13, s24, $0xb8;
	[tilespmem:$0x1E000] =	vst v63  }
0xbb: {  	_ =	swait.ge [sflag:s0], $0x4000  }
0xbc: {  	[sflag:s0] =	ssyncset.done $0x0  }
0xbd: {  	s12 =	simm.s32 $0x680;
	[sflag:s0] =	ssyncadd.s32 $0xFFFFC000  }
0xbe: {  	[tilespmem:s25], [sflag:$0x2] =	stream.indirect.gather [hbm4b:s4+s24], $0x80, s12, s24, $0xb8;
	[tilespmem:$0x1E000] =	vst v63  }
0xbf: {  	_ =	swait.ge [sflag:s26], $0x4000  }
0xc0: {  	[sflag:s26] =	ssyncset.done $0x0  }
0xc1: {  	s13 =	simm.s32 $0xE00;
	[sflag:s26] =	ssyncadd.s32 $0xFFFFC000  }
0xc2: {  	[spmem:s1] =	stream.indirect.scatter.add.f32 [tilespmem:s17], [sflag:$0x3], $0x80, s13, s24, $0xb8;
	[tilespmem:$0x1E000] =	vst v63  }
0xc3: {  	_ =	swait.ge [sflag:s28], $0x4000  }
0xc4: {  	[sflag:s28] =	ssyncset.done $0x0  }
0xc5: {  	s12 =	simm.s32 $0x700;
	[sflag:s28] =	ssyncadd.s32 $0xFFFFC000  }
0xc6: {  	[tilespmem:s17], [sflag:$0x1] =	stream.indirect.gather [hbm4b:s4+s24], $0x80, s12, s24, $0xb8;
	[tilespmem:$0x1E000] =	vst v63  }
0xc7: {  	_ =	swait.ge [sflag:s30], $0x4000  }
0xc8: {  	[sflag:s30] =	ssyncset.done $0x0  }
0xc9: {  	s13 =	simm.s32 $0xE80;
	[sflag:s30] =	ssyncadd.s32 $0xFFFFC000  }
0xca: {  	[spmem:s1] =	stream.indirect.scatter.add.f32 [tilespmem:s25], [sflag:$0x4], $0x80, s13, s24, $0xb8;
	[tilespmem:$0x1E000] =	vst v63  }
0xcb: {  	_ =	swait.ge [sflag:s0], $0x4000  }
0xcc: {  	[sflag:s0] =	ssyncset.done $0x0  }
0xcd: {  	s12 =	simm.s32 $0x780;
	[sflag:s0] =	ssyncadd.s32 $0xFFFFC000  }
0xce: {  	[tilespmem:s25], [sflag:$0x2] =	stream.indirect.gather [hbm4b:s4+s24], $0x80, s12, s24, $0xb8;
	[tilespmem:$0x1E000] =	vst v63  }
0xcf: {  	_ =	swait.ge [sflag:s26], $0x4000  }
0xd0: {  	[sflag:s26] =	ssyncset.done $0x0  }
0xd1: {  	s13 =	simm.s32 $0xF00;
	[sflag:s26] =	ssyncadd.s32 $0xFFFFC000  }
0xd2: {  	[spmem:s1] =	stream.indirect.scatter.add.f32 [tilespmem:s17], [sflag:$0x3], $0x80, s13, s24, $0xb8;
	[tilespmem:$0x1E000] =	vst v63  }
0xd3: {  	_ =	swait.ge [sflag:s30], $0x4000  }
0xd4: {  	[sflag:s30] =	ssyncset.done $0x0  }
0xd5: {  	s12 =	simm.s32 $0xF80;
	[sflag:s30] =	ssyncadd.s32 $0xFFFFC000  }
0xd6: {  	[spmem:s1] =	stream.indirect.scatter.add.f32 [tilespmem:s25], [sflag:$0x4], $0x80, s12, s24, $0xb8;
	[tilespmem:$0x1E000] =	vst v63  }
0xd7: {  	_ =	swait.ge [sflag:s28], $0x4000  }
0xd8: {  	[sflag:s28] =	ssyncset.done $0x0  }
0xd9: {  	[sflag:s28] =	ssyncadd.s32 $0xFFFFC000  }
0xda: {  	p0 =	seq.s32 s10, $0x800;
	_ =	swait.ge [sflag:s0], $0x4000  }
0xdb: {  	s11 =	sadd.s32 @!p0 s10, s16;
	[sflag:s0] =	ssyncset.done $0x0  }
0xdc: {  	s11 =	sadd.s32 @!p0 $0x200, s11;
	s12 =	simm.s32 @!p0 $0x0;
	[sflag:s0] =	ssyncadd.s32 $0xFFFFC000  }
0xdd: {  	[tilespmem:s12], [sflag:$0x5] =	stream.linear.gather @!p0 [hbm4b:s11+s12], $0x800, $0x38;
	[tilespmem:$0x1E000] =	vst v63  }
0xde: {  	s11 =	sadd.s32 @!p0 s10, s7  }
0xdf: {  	s13 =	simm.s32 @!p0 $0x800;
	s11 =	sadd.s32 @!p0 $0x200, s11  }
0xe0: {  	[tilespmem:s13], [sflag:$0x6] =	stream.linear.gather @!p0 [hbm4b:s11+s12], $0x800, $0x38;
	[tilespmem:$0x1E000] =	vst v63  }
0xe1: {  	_ =	swait.ge [sflag:s29], $0x800  }
0xe2: {  	[sflag:s29] =	ssyncset.done $0x0  }
0xe3: {  	[sflag:s29] =	ssyncadd.s32 $0xFFFFF800  }
0xe4: {  	_ =	swait.ge [sflag:s31], $0x800  }
0xe5: {  	[sflag:s31] =	ssyncset.done $0x0  }
0xe6: {  	[sflag:s31] =	ssyncadd.s32 $0xFFFFF800  }
0xe7: {  	[tilespmem:s17], [sflag:$0x1] =	stream.indirect.gather [hbm4b:s4+s24], $0x80, s20, s24, $0xb8;
	[tilespmem:$0x1E000] =	vst v63  }
0xe8: {  	s13 =	simm.s32 $0x1080  }
0xe9: {  	[tilespmem:s25], [sflag:$0x2] =	stream.indirect.gather [hbm4b:s4+s24], $0x80, s13, s24, $0xb8;
	[tilespmem:$0x1E000] =	vst v63  }
0xea: {  	_ =	swait.ge [sflag:s26], $0x4000  }
0xeb: {  	[sflag:s26] =	ssyncset.done $0x0  }
0xec: {  	[sflag:s26] =	ssyncadd.s32 $0xFFFFC000  }
0xed: {  	[spmem:s1] =	stream.indirect.scatter.add.f32 [tilespmem:s17], [sflag:$0x3], $0x80, s21, s24, $0xb8;
	[tilespmem:$0x1E000] =	vst v63  }
0xee: {  	_ =	swait.ge [sflag:s28], $0x4000  }
0xef: {  	[sflag:s28] =	ssyncset.done $0x0  }
0xf0: {  	s12 =	simm.s32 $0x1100;
	[sflag:s28] =	ssyncadd.s32 $0xFFFFC000  }
0xf1: {  	[tilespmem:s17], [sflag:$0x1] =	stream.indirect.gather [hbm4b:s4+s24], $0x80, s12, s24, $0xb8;
	[tilespmem:$0x1E000] =	vst v63  }
0xf2: {  	_ =	swait.ge [sflag:s30], $0x4000  }
0xf3: {  	[sflag:s30] =	ssyncset.done $0x0  }
0xf4: {  	s13 =	simm.s32 $0x1880;
	[sflag:s30] =	ssyncadd.s32 $0xFFFFC000  }
0xf5: {  	[spmem:s1] =	stream.indirect.scatter.add.f32 [tilespmem:s25], [sflag:$0x4], $0x80, s13, s24, $0xb8;
	[tilespmem:$0x1E000] =	vst v63  }
0xf6: {  	_ =	swait.ge [sflag:s0], $0x4000  }
0xf7: {  	[sflag:s0] =	ssyncset.done $0x0  }
0xf8: {  	s12 =	simm.s32 $0x1180;
	[sflag:s0] =	ssyncadd.s32 $0xFFFFC000  }
0xf9: {  	[tilespmem:s25], [sflag:$0x2] =	stream.indirect.gather [hbm4b:s4+s24], $0x80, s12, s24, $0xb8;
	[tilespmem:$0x1E000] =	vst v63  }
0xfa: {  	_ =	swait.ge [sflag:s26], $0x4000  }
0xfb: {  	[sflag:s26] =	ssyncset.done $0x0  }
0xfc: {  	s13 =	simm.s32 $0x1900;
	[sflag:s26] =	ssyncadd.s32 $0xFFFFC000  }
0xfd: {  	[spmem:s1] =	stream.indirect.scatter.add.f32 [tilespmem:s17], [sflag:$0x3], $0x80, s13, s24, $0xb8;
	[tilespmem:$0x1E000] =	vst v63  }
0xfe: {  	_ =	swait.ge [sflag:s28], $0x4000  }
0xff: {  	[sflag:s28] =	ssyncset.done $0x0  }
0x100: {  	s12 =	simm.s32 $0x1200;
	[sflag:s28] =	ssyncadd.s32 $0xFFFFC000  }
0x101: {  	[tilespmem:s17], [sflag:$0x1] =	stream.indirect.gather [hbm4b:s4+s24], $0x80, s12, s24, $0xb8;
	[tilespmem:$0x1E000] =	vst v63  }
0x102: {  	_ =	swait.ge [sflag:s30], $0x4000  }
0x103: {  	[sflag:s30] =	ssyncset.done $0x0  }
0x104: {  	s13 =	simm.s32 $0x1980;
	[sflag:s30] =	ssyncadd.s32 $0xFFFFC000  }
0x105: {  	[spmem:s1] =	stream.indirect.scatter.add.f32 [tilespmem:s25], [sflag:$0x4], $0x80, s13, s24, $0xb8;
	[tilespmem:$0x1E000] =	vst v63  }
0x106: {  	_ =	swait.ge [sflag:s0], $0x4000  }
0x107: {  	[sflag:s0] =	ssyncset.done $0x0  }
0x108: {  	s12 =	simm.s32 $0x1280;
	[sflag:s0] =	ssyncadd.s32 $0xFFFFC000  }
0x109: {  	[tilespmem:s25], [sflag:$0x2] =	stream.indirect.gather [hbm4b:s4+s24], $0x80, s12, s24, $0xb8;
	[tilespmem:$0x1E000] =	vst v63  }
0x10a: {  	_ =	swait.ge [sflag:s26], $0x4000  }
0x10b: {  	[sflag:s26] =	ssyncset.done $0x0  }
0x10c: {  	s13 =	simm.s32 $0x1A00;
	[sflag:s26] =	ssyncadd.s32 $0xFFFFC000  }
0x10d: {  	[spmem:s1] =	stream.indirect.scatter.add.f32 [tilespmem:s17], [sflag:$0x3], $0x80, s13, s24, $0xb8;
	[tilespmem:$0x1E000] =	vst v63  }
0x10e: {  	_ =	swait.ge [sflag:s28], $0x4000  }
0x10f: {  	[sflag:s28] =	ssyncset.done $0x0  }
0x110: {  	s12 =	simm.s32 $0x1300;
	[sflag:s28] =	ssyncadd.s32 $0xFFFFC000  }
0x111: {  	[tilespmem:s17], [sflag:$0x1] =	stream.indirect.gather [hbm4b:s4+s24], $0x80, s12, s24, $0xb8;
	[tilespmem:$0x1E000] =	vst v63  }
0x112: {  	_ =	swait.ge [sflag:s30], $0x4000  }
0x113: {  	[sflag:s30] =	ssyncset.done $0x0  }
0x114: {  	s13 =	simm.s32 $0x1A80;
	[sflag:s30] =	ssyncadd.s32 $0xFFFFC000  }
0x115: {  	[spmem:s1] =	stream.indirect.scatter.add.f32 [tilespmem:s25], [sflag:$0x4], $0x80, s13, s24, $0xb8;
	[tilespmem:$0x1E000] =	vst v63  }
0x116: {  	_ =	swait.ge [sflag:s0], $0x4000  }
0x117: {  	[sflag:s0] =	ssyncset.done $0x0  }
0x118: {  	s12 =	simm.s32 $0x1380;
	[sflag:s0] =	ssyncadd.s32 $0xFFFFC000  }
0x119: {  	[tilespmem:s25], [sflag:$0x2] =	stream.indirect.gather [hbm4b:s4+s24], $0x80, s12, s24, $0xb8;
	[tilespmem:$0x1E000] =	vst v63  }
0x11a: {  	_ =	swait.ge [sflag:s26], $0x4000  }
0x11b: {  	[sflag:s26] =	ssyncset.done $0x0  }
0x11c: {  	s13 =	simm.s32 $0x1B00;
	[sflag:s26] =	ssyncadd.s32 $0xFFFFC000  }
0x11d: {  	[spmem:s1] =	stream.indirect.scatter.add.f32 [tilespmem:s17], [sflag:$0x3], $0x80, s13, s24, $0xb8;
	[tilespmem:$0x1E000] =	vst v63  }
0x11e: {  	_ =	swait.ge [sflag:s28], $0x4000  }
0x11f: {  	[sflag:s28] =	ssyncset.done $0x0  }
0x120: {  	s12 =	simm.s32 $0x1400;
	[sflag:s28] =	ssyncadd.s32 $0xFFFFC000  }
0x121: {  	[tilespmem:s17], [sflag:$0x1] =	stream.indirect.gather [hbm4b:s4+s24], $0x80, s12, s24, $0xb8;
	[tilespmem:$0x1E000] =	vst v63  }
0x122: {  	_ =	swait.ge [sflag:s30], $0x4000  }
0x123: {  	[sflag:s30] =	ssyncset.done $0x0  }
0x124: {  	s13 =	simm.s32 $0x1B80;
	[sflag:s30] =	ssyncadd.s32 $0xFFFFC000  }
0x125: {  	[spmem:s1] =	stream.indirect.scatter.add.f32 [tilespmem:s25], [sflag:$0x4], $0x80, s13, s24, $0xb8;
	[tilespmem:$0x1E000] =	vst v63  }
0x126: {  	_ =	swait.ge [sflag:s0], $0x4000  }
0x127: {  	[sflag:s0] =	ssyncset.done $0x0  }
0x128: {  	s12 =	simm.s32 $0x1480;
	[sflag:s0] =	ssyncadd.s32 $0xFFFFC000  }
0x129: {  	[tilespmem:s25], [sflag:$0x2] =	stream.indirect.gather [hbm4b:s4+s24], $0x80, s12, s24, $0xb8;
	[tilespmem:$0x1E000] =	vst v63  }
0x12a: {  	_ =	swait.ge [sflag:s26], $0x4000  }
0x12b: {  	[sflag:s26] =	ssyncset.done $0x0  }
0x12c: {  	s13 =	simm.s32 $0x1C00;
	[sflag:s26] =	ssyncadd.s32 $0xFFFFC000  }
0x12d: {  	[spmem:s1] =	stream.indirect.scatter.add.f32 [tilespmem:s17], [sflag:$0x3], $0x80, s13, s24, $0xb8;
	[tilespmem:$0x1E000] =	vst v63  }
0x12e: {  	_ =	swait.ge [sflag:s28], $0x4000  }
0x12f: {  	[sflag:s28] =	ssyncset.done $0x0  }
0x130: {  	s12 =	simm.s32 $0x1500;
	[sflag:s28] =	ssyncadd.s32 $0xFFFFC000  }
0x131: {  	[tilespmem:s17], [sflag:$0x1] =	stream.indirect.gather [hbm4b:s4+s24], $0x80, s12, s24, $0xb8;
	[tilespmem:$0x1E000] =	vst v63  }
0x132: {  	_ =	swait.ge [sflag:s30], $0x4000  }
0x133: {  	[sflag:s30] =	ssyncset.done $0x0  }
0x134: {  	s13 =	simm.s32 $0x1C80;
	[sflag:s30] =	ssyncadd.s32 $0xFFFFC000  }
0x135: {  	[spmem:s1] =	stream.indirect.scatter.add.f32 [tilespmem:s25], [sflag:$0x4], $0x80, s13, s24, $0xb8;
	[tilespmem:$0x1E000] =	vst v63  }
0x136: {  	_ =	swait.ge [sflag:s0], $0x4000  }
0x137: {  	[sflag:s0] =	ssyncset.done $0x0  }
0x138: {  	s12 =	simm.s32 $0x1580;
	[sflag:s0] =	ssyncadd.s32 $0xFFFFC000  }
0x139: {  	[tilespmem:s25], [sflag:$0x2] =	stream.indirect.gather [hbm4b:s4+s24], $0x80, s12, s24, $0xb8;
	[tilespmem:$0x1E000] =	vst v63  }
0x13a: {  	_ =	swait.ge [sflag:s26], $0x4000  }
0x13b: {  	[sflag:s26] =	ssyncset.done $0x0  }
0x13c: {  	s13 =	simm.s32 $0x1D00;
	[sflag:s26] =	ssyncadd.s32 $0xFFFFC000  }
0x13d: {  	[spmem:s1] =	stream.indirect.scatter.add.f32 [tilespmem:s17], [sflag:$0x3], $0x80, s13, s24, $0xb8;
	[tilespmem:$0x1E000] =	vst v63  }
0x13e: {  	_ =	swait.ge [sflag:s28], $0x4000  }
0x13f: {  	[sflag:s28] =	ssyncset.done $0x0  }
0x140: {  	[sflag:s28] =	ssyncadd.s32 $0xFFFFC000  }
0x141: {  	[tilespmem:s17], [sflag:$0x1] =	stream.indirect.gather [hbm4b:s4+s24], $0x80, s14, s24, $0xb8;
	[tilespmem:$0x1E000] =	vst v63  }
0x142: {  	_ =	swait.ge [sflag:s30], $0x4000  }
0x143: {  	[sflag:s30] =	ssyncset.done $0x0  }
0x144: {  	[sflag:s30] =	ssyncadd.s32 $0xFFFFC000  }
0x145: {  	[spmem:s1] =	stream.indirect.scatter.add.f32 [tilespmem:s25], [sflag:$0x4], $0x80, s15, s24, $0xb8;
	[tilespmem:$0x1E000] =	vst v63  }
0x146: {  	_ =	swait.ge [sflag:s0], $0x4000  }
0x147: {  	[sflag:s0] =	ssyncset.done $0x0  }
0x148: {  	[sflag:s0] =	ssyncadd.s32 $0xFFFFC000  }
0x149: {  	[tilespmem:s25], [sflag:$0x2] =	stream.indirect.gather [hbm4b:s4+s24], $0x80, s6, s24, $0xb8;
	[tilespmem:$0x1E000] =	vst v63  }
0x14a: {  	_ =	swait.ge [sflag:s26], $0x4000  }
0x14b: {  	[sflag:s26] =	ssyncset.done $0x0  }
0x14c: {  	[sflag:s26] =	ssyncadd.s32 $0xFFFFC000  }
0x14d: {  	[spmem:s1] =	stream.indirect.scatter.add.f32 [tilespmem:s17], [sflag:$0x3], $0x80, s5, s24, $0xb8;
	[tilespmem:$0x1E000] =	vst v63  }
0x14e: {  	_ =	swait.ge [sflag:s28], $0x4000  }
0x14f: {  	[sflag:s28] =	ssyncset.done $0x0  }
0x150: {  	[sflag:s28] =	ssyncadd.s32 $0xFFFFC000  }
0x151: {  	[tilespmem:s17], [sflag:$0x1] =	stream.indirect.gather [hbm4b:s4+s24], $0x80, s18, s24, $0xb8;
	[tilespmem:$0x1E000] =	vst v63  }
0x152: {  	_ =	swait.ge [sflag:s30], $0x4000  }
0x153: {  	[sflag:s30] =	ssyncset.done $0x0  }
0x154: {  	[sflag:s30] =	ssyncadd.s32 $0xFFFFC000  }
0x155: {  	[spmem:s1] =	stream.indirect.scatter.add.f32 [tilespmem:s25], [sflag:$0x4], $0x80, s2, s24, $0xb8;
	[tilespmem:$0x1E000] =	vst v63  }
0x156: {  	_ =	swait.ge [sflag:s0], $0x4000  }
0x157: {  	[sflag:s0] =	ssyncset.done $0x0  }
0x158: {  	[sflag:s0] =	ssyncadd.s32 $0xFFFFC000  }
0x159: {  	[tilespmem:s25], [sflag:$0x2] =	stream.indirect.gather [hbm4b:s4+s24], $0x80, s19, s24, $0xb8;
	[tilespmem:$0x1E000] =	vst v63  }
0x15a: {  	_ =	swait.ge [sflag:s26], $0x4000  }
0x15b: {  	[sflag:s26] =	ssyncset.done $0x0  }
0x15c: {  	[sflag:s26] =	ssyncadd.s32 $0xFFFFC000  }
0x15d: {  	[spmem:s1] =	stream.indirect.scatter.add.f32 [tilespmem:s17], [sflag:$0x3], $0x80, s8, s24, $0xb8;
	[tilespmem:$0x1E000] =	vst v63  }
0x15e: {  	_ =	swait.ge [sflag:s30], $0x4000  }
0x15f: {  	[sflag:s30] =	ssyncset.done $0x0  }
0x160: {  	[sflag:s30] =	ssyncadd.s32 $0xFFFFC000  }
0x161: {  	[spmem:s1] =	stream.indirect.scatter.add.f32 [tilespmem:s25], [sflag:$0x4], $0x80, s9, s24, $0xb8;
	[tilespmem:$0x1E000] =	vst v63  }
0x162: {  	_ =	swait.ge [sflag:s28], $0x4000  }
.Ltmp3:
0x163: {  	[sflag:s28] =	ssyncset.done $0x0;
	(pc) =	sbr.rel @p0 .LBB2_6-.Ltmp3, $4  }
0x164: {  	[sflag:s28] =	ssyncadd.s32 $0xFFFFC000  }
0x165: {  	_ =	swait.ge [sflag:s0], $0x4000  }
0x166: {  	[sflag:s0] =	ssyncset.done $0x0  }
0x167: {  	[sflag:s0] =	ssyncadd.s32 $0xFFFFC000  }
.Ltmp4:
0x168: {  	s11 =	sadd.s32 s10, s16;
	(pc) =	sbr.rel .LBB2_4-.Ltmp4, $4  }
0x169: {  	s13 =	sadd.s32 s10, s7;
	s11 =	sadd.s32 $0x300, s11  }
0x16a: {  	[tilespmem:s20], [sflag:$0x7] =	stream.linear.gather [hbm4b:s11+s3], $0x800, $0x38;
	[tilespmem:$0x1E000] =	vst v63  }
0x16b: {  	s10 =	sadd.s32 $0x200, s10;
	s11 =	sadd.s32 $0x300, s13  }
0x16c: {  	[tilespmem:s21], [sflag:$0x8] =	stream.linear.gather [hbm4b:s11+s3], $0x800, $0x38;
	[tilespmem:$0x1E000] =	vst v63  }
.LBB2_7:
0x16d: {  	_ =	sfence.sel $0x180000  }
0x16e: {  	[bflag:$0x0] =	sbarrier.arrive $0xFFFF  }
0x16f: {  	_ =	strace $0x9000004A  }
0x170: {  	s0 =	stileid.u32;
	[bflag:$0x2] =	sbarrier.arrive $0xFFFF  }
0x171: {  	p0 =	sne.s32 s0, $0x0;
	s0 =	rddreg [dreg:$0x4]  }
0x172: {  	s0 =	sadd.s32 @!p0 $0x100000, s0  }
0x173: {  	[sflag:s0] =	ssyncadd.tile.s32 @!p0 $0x1;
	_ =	shalt  }
.Lfunc_end2:
_tile_overlayer_lowered:
.L_overlay_start_2:
0x174: {  	(tag) =	ssettag $0x2  }
0x175: {  	s0 =	rddreg [dreg:$0x0];
	s2 =	stileid.u32  }
0x176: {  	s1 =	rddreg [dreg:$0x1];
	p0 =	sne.s32 s2, $0x0  }
0x177: {  	s3 =	rddreg [dreg:$0x2];
	[bflag:$0x3] =	sbarrier.arrive $0xFFFF;
	s2 =	simm.s32 @!p0 $0x1C09  }
0x178: {  	[timem:s3], [sflag:s2] =	dma.local @!p0 [hbm:s0], s1  }
0x179: {  	s0 =	simm.s32 @!p0 $0x9  }
0x17a: {  	_ =	swait.ge @!p0 [sflag:s0], s1  }
0x17b: {  	s1 =	ssub.s32 @!p0 $0x0, s1;
	[sflag:s0] =	ssyncset.done @!p0 $0x0  }
0x17c: {  	[sflag:s0] =	ssyncadd.s32 @!p0 s1  }
0x17d: {  	[bflag:$0x3] =	sbarrier.arrive $0xFFFF  }
0x17e: {  	_ =	shalt  }

// kernel: kernel.7.cloned.1.call-start
scs
__scs_entry_jumppad:
0x0: {  	(pc) =	sbr.rel $0x88, $3  }
0x1: {  	(tag) =	ssettag $0x0;
	lr =	simm.s32 $0x1  }
0x2: {  	[smem:$0x3F9B] =	sst lr;
	_ =	strace $0xD0000000  }
0x3: {  	_ = 	snop  }
0x4: {  	_ = 	snop  }
0x5: {  	_ = 	snop  }
0x6: {  	_ = 	snop  }
0x7: {  	_ = 	snop  }
__scs_overlays_trampoline_lowered:
0x8: {  	[smem:$0x3FAA] =	sst s0  }
0x9: {  	[smem:$0x3FAB] =	sst s1  }
0xa: {  	[smem:$0x3FAC] =	sst s2  }
0xb: {  	[smem:$0x3FAD] =	sst s3  }
0xc: {  	[smem:$0x3FAE] =	sst s4  }
0xd: {  	[smem:$0x3FAF] =	sst s5  }
0xe: {  	[smem:$0x3FB0] =	sst s6  }
0xf: {  	[smem:$0x3FB1] =	sst s7  }
0x10: {  	[smem:$0x3FB2] =	sst s8  }
0x11: {  	[smem:$0x3FB3] =	sst s9;
	s0 =	simm.s32 @!p0 $0x0  }
0x12: {  	s1 =	sld [smem:$0x3F99];
	s0 =	simm.s32 @p0 $0x1  }
0x13: {  	[smem:$0x3FB4] =	sst s0;
	s0 =	simm.s32 @!p1 $0x0  }
0x14: {  	s2 =	sld [smem:$0x3F98];
	s0 =	simm.s32 @p1 $0x1  }
0x15: {  	[smem:$0x3FB5] =	sst s0;
	s0 =	simm.s32 @!p2 $0x0  }
0x16: {  	s3 =	sld [smem:$0x3FDB];
	s0 =	simm.s32 @p2 $0x1  }
0x17: {  	s4 =	simm.s32 $0x1BF5;
	[smem:$0x3FB7] =	sst s0  }
0x18: {  	s0 =	sld [smem:$0x3F9A];
	_ =	swait.ge [sflag:s4], $0x0  }
0x19: {  	s7 =	sld [smem:$0x3F9B]  }
0x1a: {  	s8 =	sadd.s32 $0xFFFFE003, lr  }
0x1b: {  	s9 =	sadd.s32 $0xFFFFFEF7, lr;
	s5 =	simm.s32 $0xFFFFFFFF;
	p2 =	slt.u32 s8, $0xFFFFF086  }
0x1c: {  	p1 =	slt.u32 s9, $0xF7A;
	s5 =	simm.s32 @!p2 $0x0  }
0x1d: {  	s5 =	simm.s32 @p1 $0x1;
	p0 =	seq.s32 s7, s2  }
0x1e: {  	s7 =	smul.u32 @!p0 $0xF7A, s2;
	p2 =	seq.s32 @!p0 s5, $0x0  }
0x1f: {  	s9 =	smul.u32 $0xF7A, s1;
	s8 =	simm.s32 @!p0 $0x1BF5;
	p2 =	por !p2, p0  }
0x20: {  	[sflag:s8] =	ssyncset.s32 @!p0 $0xFFFFF086;
	s6 =	sadd.s32 @!p0 s3, s7;
	s7 =	simm.s32 @!p0 $0x108  }
0x21: {  	s3 =	sadd.s32 s3, s9;
	s6 =	sadd.s32 @!p0 $0x88, s6;
	s7 =	simm.s32 @p2 $0x1082  }
0x22: {  	[simem:s7], [sflag:s8] =	dma.local @!p0 [hbm:s6], $0xF7A  }
0x23: {  	s9 =	sor.u32 $0xD0000000, s2;
	s6 =	simm.s32 $0x108;
	_ =	swait.ge @!p0 [sflag:s8], $0x0  }
0x24: {  	s3 =	sadd.s32 $0x88, s3;
	s6 =	simm.s32 @!p1 $0x1082;
	[sflag:s4] =	ssyncset.s32 $0xFFFFF086  }
0x25: {  	[simem:s6], [sflag:s4] =	dma.local [hbm:s3], $0xF7A  }
0x26: {  	[smem:$0x3F9B] =	sst s1;
	(tag) =	ssettag s2;
	_ =	strace s9  }
0x27: {  	s1 =	sld [smem:$0x3FAB]  }
0x28: {  	s2 =	sld [smem:$0x3FAC]  }
0x29: {  	s4 =	sld [smem:$0x3FAE]  }
0x2a: {  	p0 =	seq.s32 s5, $0x0;
	s5 =	sld [smem:$0x3FAF]  }
0x2b: {  	s6 =	sld [smem:$0x3FB0]  }
0x2c: {  	s7 =	sld [smem:$0x3FB1]  }
0x2d: {  	s3 =	simm.s32 $0x108;
	s8 =	sld [smem:$0x3FB2]  }
0x2e: {  	s3 =	simm.s32 @!p0 $0x1082;
	s9 =	sld [smem:$0x3FB3]  }
0x2f: {  	lr =	sadd.s32 s0, s3;
	s0 =	sld [smem:$0x3FAA]  }
0x30: {  	s3 =	sld [smem:$0x3FAD]  }
0x31: {  	[smem:$0x3FB6] =	sst s10  }
0x32: {  	s10 =	sld [smem:$0x3FB4];
	_ =	sdelay $0x3  }
0x33: {  	p0 =	seq.s32 s10, $0x1;
	s10 =	sld [smem:$0x3FB6];
	_ =	sdelay $0x3  }
0x34: {  	[smem:$0x3FB6] =	sst s10  }
0x35: {  	s10 =	sld [smem:$0x3FB5];
	_ =	sdelay $0x3  }
0x36: {  	p1 =	seq.s32 s10, $0x1;
	s10 =	sld [smem:$0x3FB6];
	_ =	sdelay $0x3  }
0x37: {  	[smem:$0x3FB6] =	sst s10  }
0x38: {  	s10 =	sld [smem:$0x3FB7]  }
0x39: {  	_ = 	snop;
	(pc) =	sbr.ind lr, $3  }
0x3a: {  	_ = 	snop  }
0x3b: {  	_ = 	snop  }
0x3c: {  	p2 =	seq.s32 s10, $0x1;
	s10 =	sld [smem:$0x3FB6]  }
0x3d: {  	_ =	shalt  }
0x3e: {  	_ =	shalt  }
0x3f: {  	_ =	shalt  }
0x40: {  	_ =	shalt  }
0x41: {  	_ =	shalt  }
0x42: {  	_ =	shalt  }
0x43: {  	_ =	shalt  }
0x44: {  	_ =	shalt  }
0x45: {  	_ =	shalt  }
0x46: {  	_ =	shalt  }
0x47: {  	_ =	shalt  }
0x48: {  	_ =	shalt  }
0x49: {  	_ =	shalt  }
0x4a: {  	_ =	shalt  }
0x4b: {  	_ =	shalt  }
0x4c: {  	_ =	shalt  }
0x4d: {  	_ =	shalt  }
0x4e: {  	_ =	shalt  }
0x4f: {  	_ =	shalt  }
0x50: {  	_ =	shalt  }
0x51: {  	_ =	shalt  }
0x52: {  	_ =	shalt  }
0x53: {  	_ =	shalt  }
0x54: {  	_ =	shalt  }
0x55: {  	_ =	shalt  }
0x56: {  	_ =	shalt  }
0x57: {  	_ =	shalt  }
0x58: {  	_ =	shalt  }
0x59: {  	_ =	shalt  }
0x5a: {  	_ =	shalt  }
0x5b: {  	_ =	shalt  }
0x5c: {  	_ =	shalt  }
0x5d: {  	_ =	shalt  }
0x5e: {  	_ =	shalt  }
0x5f: {  	_ =	shalt  }
0x60: {  	_ =	shalt  }
0x61: {  	_ =	shalt  }
0x62: {  	_ =	shalt  }
0x63: {  	_ =	shalt  }
0x64: {  	_ =	shalt  }
0x65: {  	_ =	shalt  }
0x66: {  	_ =	shalt  }
0x67: {  	_ =	shalt  }
0x68: {  	_ =	shalt  }
0x69: {  	_ =	shalt  }
0x6a: {  	_ =	shalt  }
0x6b: {  	_ =	shalt  }
0x6c: {  	_ =	shalt  }
0x6d: {  	_ =	shalt  }
0x6e: {  	_ =	shalt  }
0x6f: {  	_ =	shalt  }
0x70: {  	_ =	shalt  }
0x71: {  	_ =	shalt  }
0x72: {  	_ =	shalt  }
0x73: {  	_ =	shalt  }
0x74: {  	_ =	shalt  }
0x75: {  	_ =	shalt  }
0x76: {  	_ =	shalt  }
0x77: {  	_ =	shalt  }
0x78: {  	_ =	shalt  }
0x79: {  	_ =	shalt  }
0x7a: {  	_ =	shalt  }
0x7b: {  	_ =	shalt  }
0x7c: {  	_ =	shalt  }
0x7d: {  	_ =	shalt  }
0x7e: {  	_ =	shalt  }
0x7f: {  	_ =	shalt  }
0x80: {  	_ =	shalt  }
0x81: {  	_ =	shalt  }
0x82: {  	_ =	shalt  }
0x83: {  	_ =	shalt  }
0x84: {  	_ =	shalt  }
0x85: {  	_ =	shalt  }
0x86: {  	_ =	shalt  }
0x87: {  	_ =	shalt  }
.Lfunc_end0:
.L_simem_size_0:
called_computation_lowered:
.L_overlay_start_0:
0x88: {  	s2 =	sld [smem:$0x3FD9]  }
0x89: {  	s3 =	sld [smem:$0x3FFE];
	_ =	sdelay $0x1  }
0x8a: {  	s1 =	srdreg.scid  }
0x8b: {  	s0 =	sand.u32 $0x1, s1  }
0x8c: {  	s14 =	sshll.u32 s0, $0xA;
	s2 =	sadd.s32 s3, s2  }
0x8d: {  	s2 =	sadd.s32 s2, s14  }
0x8e: {  	[smem:$0x3FC2] =	sst s2  }
0x8f: {  	_ = 	snop  }
0x90: {  	s2 =	sld [smem:$0x3FD0];
	_ =	sdelay $0x2  }
0x91: {  	s15 =	simm.s32 $0xA;
	s4 =	simm.s32 $0x10  }
0x92: {  	[smem:s4], [sflag:s15] =	dma.local [hbm:s2], $0x1  }
0x93: {  	_ =	swait.eq [sflag:s15], $0x1  }
0x94: {  	[sflag:s15] =	ssyncset.done $0x0  }
0x95: {  	[sflag:s15] =	ssyncadd.s32 $0xFFFFFFFF  }
0x96: {  	s16 =	sld [smem:$0x10];
	(tm) =	ssettm $0x1  }
0x97: {  	s17 =	sld [smem:$0x3FFB];
	_ =	sdelay $0x3  }
0x98: {  	_ =	strace s17  }
0x99: {  	s3 =	sld [smem:$0x3FFC];
	_ =	sdelay $0x3  }
0x9a: {  	_ =	strace s3  }
0x9b: {  	s3 =	sld [smem:$0x3FFD];
	_ =	sdelay $0x3  }
0x9c: {  	_ =	strace s3  }
0x9d: {  	_ =	strace $0x8FFFFFFF  }
0x9e: {  	s18 =	sld [smem:$0x3FDB];
	_ =	sdelay $0x1  }
0x9f: {  	s19 =	simm.s32 $_scs_section_size  }
0xa0: {  	s5 =	simm.s32 $_size__tile_overlayer_lowered;
	s6 =	simm.s32 $_tile_overlayer_lowered  }
0xa1: {  	s22 =	simm.s32 $0x1BFF;
	s21 =	sshll.u32 s6, $0x1;
	s3 =	sadd.s32 s19, s18  }
0xa2: {  	s7 =	simm.s32 $0x0;
	s20 =	sshll.u32 s5, $0x1;
	s5 =	sadd.s32 s21, s3  }
0xa3: {  	[timem:s7], [sflag:s22] =	dma.local [hbm:s5], s20  }
0xa4: {  	_ =	swait.ge [sflag:s22], s20  }
0xa5: {  	s4 =	ssub.s32 $0x0, s20;
	[sflag:s22] =	ssyncset.done $0x0  }
0xa6: {  	[sflag:s22] =	ssyncadd.s32 s4;
	_ =	sdelay $0x1  }
0xa7: {  	s23 =	simm.s32 $0x1B8B  }
0xa8: {  	_ =	swait.ge [sflag:s23], $0x1  }
0xa9: {  	[sflag:s23] =	ssyncset.done $0x0  }
0xaa: {  	s25 =	simm.s32 $0x1B8E;
	s24 =	sld [smem:$0x3FFE];
	[sflag:s23] =	ssyncadd.s32 $0xFFFFFFFF  }
0xab: {  	s26 =	simm.s32 $execute0_lowered;
	[smem:$0x3FD2] =	sst s25  }
0xac: {  	s5 =	sshll.u32 s26, $0x1;
	_ =	strace $0x80000046;
	[dreg:$0x1] =	wrdreg $0xFFFFFFFF  }
0xad: {  	s28 =	simm.s32 $_size_execute0_lowered;
	s3 =	sadd.s32 s3, s5;
	[dreg:$0x0] =	wrdreg $0x0  }
0xae: {  	s5 =	sshll.u32 s28, $0x1;
	[dreg:$0x2] =	wrdreg s3  }
0xaf: {  	[dreg:$0x3] =	wrdreg s5  }
0xb0: {  	[dreg:$0x4] =	wrdreg $0xC0  }
0xb1: {  	_ =	task [dreg:s7], $0x5FFFF  }
0xb2: {  	[dreg:$0x1] =	wrdreg $0xFFFFFFFF  }
0xb3: {  	[dreg:$0x0] =	wrdreg $0x60  }
0xb4: {  	[dreg:$0x2] =	wrdreg s16  }
0xb5: {  	[dreg:$0x3] =	wrdreg s24  }
0xb6: {  	[dreg:$0x4] =	wrdreg $0x84000  }
0xb7: {  	[dreg:$0x5] =	wrdreg $0x9  }
0xb8: {  	_ =	task.clear_ibuf [dreg:s7], $0x6FFFF;
	_ =	strace $0x90000046  }
0xb9: {  	s29 =	simm.s32 $0x9;
	_ =	strace $0x80000048  }
0xba: {  	_ =	swait.ge [sflag:s29], $0x1  }
0xbb: {  	[sflag:s29] =	ssyncadd.s32 $0xFFFFFFFF  }
0xbc: {  	_ =	strace $0x90000048  }
0xbd: {  	_ =	sfence  }
0xbe: {  	s30 =	sld [smem:$0x0];
	_ =	sdelay $0x2  }
0xbf: {  	s31 =	sshll.u32 s1, $0xD;
	s1 =	sshrl.u32 s1, $0x2  }
0xc0: {  	s3 =	sand.u32 $0x4000, s31;
	s1 =	sadd.s32 s1, s30  }
0xc1: {  	s0 =	sor.u32 s3, s0;
	s1 =	sshll.u32 s1, $0x11  }
0xc2: {  	s0 =	sor.u32 s1, s0  }
0xc3: {  	s0 =	sadd.s32 $0x8F2B, s0  }
0xc4: {  	[sflag:s0] =	ssyncadd.remote.s32 $0x1  }
0xc5: {  	_ =	sfence.sel $0xFFFF  }
0xc6: {  	[dreg:$0x0] =	wrdreg $0xFFFFFFFF;
	(pc) =	sbr.abs _section_cstart, $3  }
0xc7: {  	[dreg:$0x1] =	wrdreg $0xFFFFFFFF  }
0xc8: {  	_ =	task.clear_ibuf [dreg:s7], $0x2FFFF;
	_ =	strace $0x9FFFFFFF  }
0xc9: {  	(tm) =	ssettm $0x7FFFFFFF  }
tec
execute0_lowered:
.L_overlay_start_1:
0x0: {  	(tag) =	ssettag $0x1  }
0x1: {  	s11 =	rddreg [dreg:$0x0]  }
0x2: {  	s4 =	rddreg [dreg:$0x1];
	s0 =	srdreg.scid  }
0x3: {  	s2 =	rddreg [dreg:$0x2];
	s1 =	stileid.u32;
	s3 =	simm.s32 $0x0  }
0x4: {  	s14 =	simm.s32 $0x80;
	s15 =	simm.s32 $0x400;
	s16 =	simm.s32 $0x100  }
0x5: {  	s17 =	simm.s32 $0x180;
	s18 =	simm.s32 $0x200;
	s19 =	simm.s32 $0x280  }
0x6: {  	s20 =	simm.s32 $0x300;
	s21 =	simm.s32 $0x380;
	s6 =	smul.u32 $0x14000, s1  }
0x7: {  	s7 =	sand.u32 $0x1, s0;
	s0 =	rddreg [dreg:$0x3];
	s8 =	smul.u32 $0x50000, s1  }
0x8: {  	s24 =	simm.s32 $0x0;
	[smem:$0x7FF] =	sst s3;
	s13 =	smul.u32 $0x500, s1  }
0x9: {  	s22 =	sshll.u32 s1, $0x6;
	s5 =	smul.u32 $0x140000, s7;
	_ =	strace $0x80000047  }
0xa: {  	s31 =	ssub.s32 $0x2, s7;
	s12 =	smul.u32 $0x5000, s7;
	s22 =	sor.u32 $0x1C01, s22  }
0xb: {  	s9 =	sshrl.u32 s31, $0x1;
	s8 =	sshrl.u32 s8, $0x2;
	s5 =	sadd.s32 s6, s5  }
0xc: {  	s6 =	ssub.s32 s31, s9;
	s11 =	sadd.s32 s12, s11;
	s12 =	simm.s32 $0x4400  }
0xd: {  	s5 =	sshrl.u32 s5, $0x3;
	s6 =	smax.u32 s6, $0x1;
	s11 =	sadd.s32 s13, s11  }
0xe: {  	s13 =	simm.s32 $0x1;
	s5 =	sadd.s32 s5, s4;
	s4 =	sadd.s32 s8, s2  }
0xf: {  	s5 =	sadd.s32 $0x1600, s5;
	s7 =	sadd.s32 $0x4000, s4;
	s8 =	sadd.s32 $0x8000, s4  }
0x10: {  	v0 =	vimm.f32 $1.000000000e+00;
	v1 =	vimm.f32 $0.0e+00;
	s9 =	sadd.s32 $0xC000, s4;
	s10 =	sadd.s32 $0x10000, s4;
	s23 =	sshrl.u32 s4, $0x3  }
.LBB2_1:
0x11: {  	s25 =	simm.s32 $0x200;
	s26 =	simm.s32 $0x0  }
.LBB2_2:
0x12: {  	p0 =	sne.s32 s25, $0xFE00;
	[tilespmem:s26+$0x400] =	vst v0;
	s28 =	smov.u32 s25;
	s25 =	sadd.s32 $0x200, s25  }
.Ltmp0:
0x13: {  	[tilespmem:s26+$0x4400] =	vst v1;
	(pc) =	sbr.rel @p0 .LBB2_2-.Ltmp0, $2  }
0x14: {  	_ =	sdelay $0x2  }
0x15: {  	s26 =	sshra.s32 s28, $0x2  }
0x16: {  	[tilespmem:s26+$0x400] =	vst v0  }
0x17: {  	[tilespmem:s26+$0x4400] =	vst v1  }
0x18: {  	[spmem:s4] =	stream.linear.scatter [tilespmem:s12], [sflag:$0x1], $0x4000, $0x38;
	[tilespmem:$0xAC00] =	vst v63  }
0x19: {  	_ =	swait.ge [sflag:s13], $0x4000  }
0x1a: {  	[sflag:s13] =	ssyncset.done $0x0  }
0x1b: {  	[sflag:s13] =	ssyncadd.s32 $0xFFFFC000  }
0x1c: {  	[spmem:s7] =	stream.linear.scatter [tilespmem:s12], [sflag:$0x1], $0x4000, $0x38;
	[tilespmem:$0xAC00] =	vst v63  }
0x1d: {  	_ =	swait.ge [sflag:s13], $0x4000  }
0x1e: {  	[sflag:s13] =	ssyncset.done $0x0  }
0x1f: {  	[sflag:s13] =	ssyncadd.s32 $0xFFFFC000  }
0x20: {  	[spmem:s8] =	stream.linear.scatter [tilespmem:s12], [sflag:$0x1], $0x4000, $0x38;
	[tilespmem:$0xAC00] =	vst v63  }
0x21: {  	_ =	swait.ge [sflag:s13], $0x4000  }
0x22: {  	[sflag:s13] =	ssyncset.done $0x0  }
0x23: {  	[sflag:s13] =	ssyncadd.s32 $0xFFFFC000  }
0x24: {  	[spmem:s9] =	stream.linear.scatter [tilespmem:s12], [sflag:$0x1], $0x4000, $0x38;
	[tilespmem:$0xAC00] =	vst v63  }
0x25: {  	_ =	swait.ge [sflag:s13], $0x4000  }
0x26: {  	[sflag:s13] =	ssyncset.done $0x0  }
0x27: {  	[sflag:s13] =	ssyncadd.s32 $0xFFFFC000  }
0x28: {  	[spmem:s10] =	stream.linear.scatter [tilespmem:s12], [sflag:$0x1], $0x4000, $0x38;
	[tilespmem:$0xAC00] =	vst v63  }
0x29: {  	_ =	swait.ge [sflag:s13], $0x4000  }
0x2a: {  	[sflag:s13] =	ssyncset.done $0x0  }
0x2b: {  	[sflag:s13] =	ssyncadd.s32 $0xFFFFC000  }
0x2c: {  	s25 =	sadd.s32 $0x0, s11;
	[bflag:$0x0] =	sbarrier.arrive $0xFFFF  }
0x2d: {  	[tilespmem:s3], [sflag:$0x1] =	stream.linear.gather [hbm4b:s25+s3], $0x400, $0x38;
	[tilespmem:$0xAC00] =	vst v63  }
0x2e: {  	_ =	swait.ge [sflag:s13], $0x400  }
0x2f: {  	[sflag:s13] =	ssyncset.done $0x0  }
0x30: {  	[sflag:s13] =	ssyncadd.s32 $0xFFFFFC00  }
0x31: {  	[spmem:s2] =	stream.indirect.scatter.add.f32 [tilespmem:s15], [sflag:$0x1], $0x10, s3, s14, $0xb8;
	[tilespmem:$0xAC00] =	vst v63  }
0x32: {  	_ =	swait.ge [sflag:s13], $0x800  }
0x33: {  	[sflag:s13] =	ssyncset.done $0x0  }
0x34: {  	[sflag:s13] =	ssyncadd.s32 $0xFFFFF800  }
0x35: {  	[spmem:s2] =	stream.indirect.scatter.add.f32 [tilespmem:s15], [sflag:$0x1], $0x10, s14, s14, $0xb8;
	[tilespmem:$0xAC00] =	vst v63  }
0x36: {  	_ =	swait.ge [sflag:s13], $0x800  }
0x37: {  	[sflag:s13] =	ssyncset.done $0x0  }
0x38: {  	[sflag:s13] =	ssyncadd.s32 $0xFFFFF800  }
0x39: {  	[spmem:s2] =	stream.indirect.scatter.add.f32 [tilespmem:s15], [sflag:$0x1], $0x10, s16, s14, $0xb8;
	[tilespmem:$0xAC00] =	vst v63  }
0x3a: {  	_ =	swait.ge [sflag:s13], $0x800  }
0x3b: {  	[sflag:s13] =	ssyncset.done $0x0  }
0x3c: {  	[sflag:s13] =	ssyncadd.s32 $0xFFFFF800  }
0x3d: {  	[spmem:s2] =	stream.indirect.scatter.add.f32 [tilespmem:s15], [sflag:$0x1], $0x10, s17, s14, $0xb8;
	[tilespmem:$0xAC00] =	vst v63  }
0x3e: {  	_ =	swait.ge [sflag:s13], $0x800  }
0x3f: {  	[sflag:s13] =	ssyncset.done $0x0  }
0x40: {  	[sflag:s13] =	ssyncadd.s32 $0xFFFFF800  }
0x41: {  	[spmem:s2] =	stream.indirect.scatter.add.f32 [tilespmem:s15], [sflag:$0x1], $0x10, s18, s14, $0xb8;
	[tilespmem:$0xAC00] =	vst v63  }
0x42: {  	_ =	swait.ge [sflag:s13], $0x800  }
0x43: {  	[sflag:s13] =	ssyncset.done $0x0  }
0x44: {  	[sflag:s13] =	ssyncadd.s32 $0xFFFFF800  }
0x45: {  	[spmem:s2] =	stream.indirect.scatter.add.f32 [tilespmem:s15], [sflag:$0x1], $0x10, s19, s14, $0xb8;
	[tilespmem:$0xAC00] =	vst v63  }
0x46: {  	_ =	swait.ge [sflag:s13], $0x800  }
0x47: {  	[sflag:s13] =	ssyncset.done $0x0  }
0x48: {  	[sflag:s13] =	ssyncadd.s32 $0xFFFFF800  }
0x49: {  	[spmem:s2] =	stream.indirect.scatter.add.f32 [tilespmem:s15], [sflag:$0x1], $0x10, s20, s14, $0xb8;
	[tilespmem:$0xAC00] =	vst v63  }
0x4a: {  	_ =	swait.ge [sflag:s13], $0x800  }
0x4b: {  	[sflag:s13] =	ssyncset.done $0x0  }
0x4c: {  	[sflag:s13] =	ssyncadd.s32 $0xFFFFF800  }
0x4d: {  	[spmem:s2] =	stream.indirect.scatter.add.f32 [tilespmem:s15], [sflag:$0x1], $0x10, s21, s14, $0xb8;
	[tilespmem:$0xAC00] =	vst v63  }
0x4e: {  	_ =	swait.ge [sflag:s13], $0x800  }
0x4f: {  	s28 =	simm.s32 $0x100;
	s25 =	simm.s32 $0x80;
	[sflag:s13] =	ssyncset.done $0x0  }
.LBB2_4:
0x50: {  	s29 =	sadd.s32 s25, s11  }
0x51: {  	[sflag:s13] =	ssyncadd.s32 $0xFFFFF800;
	s25 =	smov.u32 s28;
	s26 =	sadd.s32 $0x80, s28  }
0x52: {  	[tilespmem:s3], [sflag:$0x1] =	stream.linear.gather [hbm4b:s29+s3], $0x400, $0x38;
	[tilespmem:$0xAC00] =	vst v63  }
0x53: {  	p0 =	sne.s32 s28, $0x480;
	_ =	swait.ge [sflag:s13], $0x400  }
0x54: {  	[sflag:s13] =	ssyncset.done $0x0  }
0x55: {  	[sflag:s13] =	ssyncadd.s32 $0xFFFFFC00  }
0x56: {  	[spmem:s2] =	stream.indirect.scatter.add.f32 [tilespmem:s15], [sflag:$0x1], $0x10, s3, s14, $0xb8;
	[tilespmem:$0xAC00] =	vst v63  }
0x57: {  	_ =	swait.ge [sflag:s13], $0x800  }
0x58: {  	[sflag:s13] =	ssyncset.done $0x0  }
0x59: {  	[sflag:s13] =	ssyncadd.s32 $0xFFFFF800  }
0x5a: {  	[spmem:s2] =	stream.indirect.scatter.add.f32 [tilespmem:s15], [sflag:$0x1], $0x10, s14, s14, $0xb8;
	[tilespmem:$0xAC00] =	vst v63  }
0x5b: {  	_ =	swait.ge [sflag:s13], $0x800  }
0x5c: {  	[sflag:s13] =	ssyncset.done $0x0  }
0x5d: {  	[sflag:s13] =	ssyncadd.s32 $0xFFFFF800  }
0x5e: {  	[spmem:s2] =	stream.indirect.scatter.add.f32 [tilespmem:s15], [sflag:$0x1], $0x10, s16, s14, $0xb8;
	[tilespmem:$0xAC00] =	vst v63  }
0x5f: {  	_ =	swait.ge [sflag:s13], $0x800  }
0x60: {  	[sflag:s13] =	ssyncset.done $0x0  }
0x61: {  	[sflag:s13] =	ssyncadd.s32 $0xFFFFF800  }
0x62: {  	[spmem:s2] =	stream.indirect.scatter.add.f32 [tilespmem:s15], [sflag:$0x1], $0x10, s17, s14, $0xb8;
	[tilespmem:$0xAC00] =	vst v63  }
0x63: {  	_ =	swait.ge [sflag:s13], $0x800  }
0x64: {  	[sflag:s13] =	ssyncset.done $0x0  }
0x65: {  	[sflag:s13] =	ssyncadd.s32 $0xFFFFF800  }
0x66: {  	[spmem:s2] =	stream.indirect.scatter.add.f32 [tilespmem:s15], [sflag:$0x1], $0x10, s18, s14, $0xb8;
	[tilespmem:$0xAC00] =	vst v63  }
0x67: {  	_ =	swait.ge [sflag:s13], $0x800  }
0x68: {  	[sflag:s13] =	ssyncset.done $0x0  }
0x69: {  	[sflag:s13] =	ssyncadd.s32 $0xFFFFF800  }
0x6a: {  	[spmem:s2] =	stream.indirect.scatter.add.f32 [tilespmem:s15], [sflag:$0x1], $0x10, s19, s14, $0xb8;
	[tilespmem:$0xAC00] =	vst v63  }
0x6b: {  	_ =	swait.ge [sflag:s13], $0x800  }
0x6c: {  	[sflag:s13] =	ssyncset.done $0x0  }
0x6d: {  	[sflag:s13] =	ssyncadd.s32 $0xFFFFF800  }
0x6e: {  	[spmem:s2] =	stream.indirect.scatter.add.f32 [tilespmem:s15], [sflag:$0x1], $0x10, s20, s14, $0xb8;
	[tilespmem:$0xAC00] =	vst v63  }
0x6f: {  	_ =	swait.ge [sflag:s13], $0x800  }
.Ltmp1:
0x70: {  	[sflag:s13] =	ssyncset.done $0x0;
	(pc) =	sbr.rel @p0 .LBB2_4-.Ltmp1, $4  }
0x71: {  	[sflag:s13] =	ssyncadd.s32 $0xFFFFF800  }
0x72: {  	[spmem:s2] =	stream.indirect.scatter.add.f32 [tilespmem:s15], [sflag:$0x1], $0x10, s21, s14, $0xb8;
	[tilespmem:$0xAC00] =	vst v63  }
0x73: {  	_ =	swait.ge [sflag:s13], $0x800  }
0x74: {  	s28 =	smov.u32 s26;
	[sflag:s13] =	ssyncset.done $0x0  }
0x75: {  	s25 =	sadd.s32 s25, s11;
	[sflag:s13] =	ssyncadd.s32 $0xFFFFF800  }
0x76: {  	[tilespmem:s3], [sflag:$0x1] =	stream.linear.gather [hbm4b:s25+s3], $0x400, $0x38;
	[tilespmem:$0xAC00] =	vst v63  }
0x77: {  	_ =	swait.ge [sflag:s13], $0x400  }
0x78: {  	[sflag:s13] =	ssyncset.done $0x0  }
0x79: {  	[sflag:s13] =	ssyncadd.s32 $0xFFFFFC00  }
0x7a: {  	[spmem:s2] =	stream.indirect.scatter.add.f32 [tilespmem:s15], [sflag:$0x1], $0x10, s3, s14, $0xb8;
	[tilespmem:$0xAC00] =	vst v63  }
0x7b: {  	_ =	swait.ge [sflag:s13], $0x800  }
0x7c: {  	[sflag:s13] =	ssyncset.done $0x0  }
0x7d: {  	[sflag:s13] =	ssyncadd.s32 $0xFFFFF800  }
0x7e: {  	[spmem:s2] =	stream.indirect.scatter.add.f32 [tilespmem:s15], [sflag:$0x1], $0x10, s14, s14, $0xb8;
	[tilespmem:$0xAC00] =	vst v63  }
0x7f: {  	_ =	swait.ge [sflag:s13], $0x800  }
0x80: {  	[sflag:s13] =	ssyncset.done $0x0  }
0x81: {  	[sflag:s13] =	ssyncadd.s32 $0xFFFFF800  }
0x82: {  	[spmem:s2] =	stream.indirect.scatter.add.f32 [tilespmem:s15], [sflag:$0x1], $0x10, s16, s14, $0xb8;
	[tilespmem:$0xAC00] =	vst v63  }
0x83: {  	_ =	swait.ge [sflag:s13], $0x800  }
0x84: {  	[sflag:s13] =	ssyncset.done $0x0  }
0x85: {  	[sflag:s13] =	ssyncadd.s32 $0xFFFFF800  }
0x86: {  	[spmem:s2] =	stream.indirect.scatter.add.f32 [tilespmem:s15], [sflag:$0x1], $0x10, s17, s14, $0xb8;
	[tilespmem:$0xAC00] =	vst v63  }
0x87: {  	_ =	swait.ge [sflag:s13], $0x800  }
0x88: {  	[sflag:s13] =	ssyncset.done $0x0  }
0x89: {  	[sflag:s13] =	ssyncadd.s32 $0xFFFFF800  }
0x8a: {  	[spmem:s2] =	stream.indirect.scatter.add.f32 [tilespmem:s15], [sflag:$0x1], $0x10, s18, s14, $0xb8;
	[tilespmem:$0xAC00] =	vst v63  }
0x8b: {  	_ =	swait.ge [sflag:s13], $0x800  }
0x8c: {  	[sflag:s13] =	ssyncset.done $0x0  }
0x8d: {  	[sflag:s13] =	ssyncadd.s32 $0xFFFFF800  }
0x8e: {  	[spmem:s2] =	stream.indirect.scatter.add.f32 [tilespmem:s15], [sflag:$0x1], $0x10, s19, s14, $0xb8;
	[tilespmem:$0xAC00] =	vst v63  }
0x8f: {  	_ =	swait.ge [sflag:s13], $0x800  }
0x90: {  	[sflag:s13] =	ssyncset.done $0x0  }
0x91: {  	[sflag:s13] =	ssyncadd.s32 $0xFFFFF800  }
0x92: {  	[spmem:s2] =	stream.indirect.scatter.add.f32 [tilespmem:s15], [sflag:$0x1], $0x10, s20, s14, $0xb8;
	[tilespmem:$0xAC00] =	vst v63  }
0x93: {  	_ =	swait.ge [sflag:s13], $0x800  }
0x94: {  	[sflag:s13] =	ssyncset.done $0x0  }
0x95: {  	[sflag:s13] =	ssyncadd.s32 $0xFFFFF800  }
0x96: {  	[spmem:s2] =	stream.indirect.scatter.add.f32 [tilespmem:s15], [sflag:$0x1], $0x10, s21, s14, $0xb8;
	[tilespmem:$0xAC00] =	vst v63  }
0x97: {  	_ =	swait.ge [sflag:s13], $0x800  }
0x98: {  	s24 =	sadd.s32 $0x1, s24;
	[sflag:s13] =	ssyncset.done $0x0  }
0x99: {  	p0 =	sne.s32 s24, s6;
	[sflag:s13] =	ssyncadd.s32 $0xFFFFF800  }
.Ltmp2:
0x9a: {  	[bflag:$0x0] =	sbarrier.arrive $0xFFFF;
	(pc) =	sbr.rel @p0 .LBB2_1-.Ltmp2, $4  }
0x9b: {  	[hbm:s5], [sflag:s22] =	dma.local [spmem:s23], $0x2800  }
0x9c: {  	_ =	swait.ge [sflag:s13], $0x2800  }
0x9d: {  	[sflag:s13] =	ssyncset.done $0x0  }
0x9e: {  	[sflag:s13] =	ssyncadd.s32 $0xFFFFD800  }
0x9f: {  	_ =	sfence.sel $0x180000  }
0xa0: {  	[bflag:$0x0] =	sbarrier.arrive $0xFFFF  }
0xa1: {  	p0 =	sne.s32 s1, $0x0;
	_ =	strace $0x90000047  }
0xa2: {  	s0 =	sadd.s32 @!p0 $0x100000, s0;
	[bflag:$0x2] =	sbarrier.arrive $0xFFFF  }
0xa3: {  	[sflag:s0] =	ssyncadd.tile.s32 @!p0 $0x1;
	_ =	shalt  }
.Lfunc_end2:
_tile_overlayer_lowered:
.L_overlay_start_2:
0xa4: {  	(tag) =	ssettag $0x2  }
0xa5: {  	s0 =	rddreg [dreg:$0x0];
	s2 =	stileid.u32  }
0xa6: {  	s1 =	rddreg [dreg:$0x1];
	p0 =	sne.s32 s2, $0x0  }
0xa7: {  	s3 =	rddreg [dreg:$0x2];
	[bflag:$0x3] =	sbarrier.arrive $0xFFFF;
	s2 =	simm.s32 @!p0 $0x1C01  }
0xa8: {  	[timem:s3], [sflag:s2] =	dma.local @!p0 [hbm:s0], s1  }
0xa9: {  	s0 =	simm.s32 @!p0 $0x1  }
0xaa: {  	_ =	swait.ge @!p0 [sflag:s0], s1  }
0xab: {  	s1 =	ssub.s32 @!p0 $0x0, s1;
	[sflag:s0] =	ssyncset.done @!p0 $0x0  }
0xac: {  	[sflag:s0] =	ssyncadd.s32 @!p0 s1  }
0xad: {  	[bflag:$0x3] =	sbarrier.arrive $0xFFFF  }
0xae: {  	_ =	shalt  }

</sc_bundles>
